<compile_context>
chip_gen: v7x
topology: tpu7x:2x2x1
jax: 0.10.2.dev20260603
libtpu: 0.0.44.dev20260713+nightly
codegen_flags: <defaults>
</compile_context>

<pallas_src>
import functools

import jax
import jax.numpy as jnp
from jax import lax
from jax.experimental import pallas as pl
from jax.experimental.pallas import tpu as pltpu
from jax.experimental.pallas import tpu_sc as plsc

_NUM_MOVIES = 100000
_D = 64
_NU = 512
_K = 200
_BPW = 8
_NWORK = _K // _BPW
_NS = 16
_TCB = 20
_KPAD = _K




def _sc_body(q_hbm, idx_hbm, tabT_hbm, out_e_hbm,
             idx_v, slab_v, cat_v, sem):
    wid = lax.axis_index("c") * _NS + lax.axis_index("s")

    @pl.when(wid < _NWORK)
    def _():
        base = wid * _BPW
        pltpu.sync_copy(idx_hbm.at[pl.ds(base, _BPW)], idx_v.at[pl.ds(0, _BPW)])
        pltpu.sync_copy(q_hbm, idx_v.at[pl.ds(_BPW, 1)])
        ivec = idx_v[...]

        copies = []
        for j in range(_BPW + 1):
            m = ivec[j]
            start = pl.multiple_of((m // 128) * 128, 128)
            copies.append(pltpu.make_async_copy(
                tabT_hbm.at[:, pl.ds(start, 128)], slab_v.at[j], sem))
        for c in copies:
            c.start()
        for c in copies:
            c.wait()

        lane = lax.iota(jnp.int32, 16)
        offs = ivec % 128
        qoff = jnp.full((16,), offs[_BPW], jnp.int32)
        for c in range(_D // 16):
            qchunk = plsc.load_gather(
                slab_v, [jnp.full((16,), _BPW, jnp.int32), lane + c * 16,
                         qoff])
            for j in range(_BPW):
                joff = jnp.full((16,), offs[j], jnp.int32)
                cat_v[j, pl.ds(c * 16, 16)] = plsc.load_gather(
                    slab_v, [jnp.full((16,), j, jnp.int32), lane + c * 16,
                             joff])
                cat_v[j, pl.ds(_D + c * 16, 16)] = qchunk

        pltpu.sync_copy(cat_v, out_e_hbm.at[pl.ds(base, _BPW)])


@functools.lru_cache(maxsize=None)
def _build_sc_kernel():
    return pl.kernel(
        _sc_body,
        out_type=jax.ShapeDtypeStruct((_K, 2 * _D), jnp.float32),
        mesh=plsc.VectorSubcoreMesh(core_axis_name="c", subcore_axis_name="s"),
        compiler_params=pltpu.CompilerParams(needs_layout_passes=False),
        scratch_types=[
            pltpu.VMEM((16,), jnp.int32),
            pltpu.VMEM((_BPW + 1, _D, 128), jnp.float32),
            pltpu.VMEM((_BPW, 2 * _D), jnp.float32),
            pltpu.SemaphoreType.DMA,
        ],
    )




def _tc_iou_body(sidx_ref, qidx_ref, qblk_ref, *args):
    sblk_refs = args[:_TCB]
    out_ref = args[_TCB]
    g = pl.program_id(0)
    nb = _TCB + 1

    oh_q = (lax.broadcasted_iota(jnp.int32, (1, 32), 1)
            == qidx_ref[0] % 32).astype(jnp.int4)
    qrow = jax.lax.dot_general(
        oh_q, qblk_ref[...], (((1,), (0,)), ((), ())),
        preferred_element_type=jnp.int32).astype(jnp.int4)
    v_mat = jnp.concatenate(
        [qrow, jnp.ones((1, _NU), jnp.int4)], axis=0)

    s_all = jnp.concatenate(
        [qblk_ref[...]] + [sblk_refs[j][...] for j in range(_TCB)],
        axis=0)
    p_all = jax.lax.dot_general(
        v_mat, s_all, (((1,), (1,)), ((), ())),
        preferred_element_type=jnp.int32).astype(jnp.float32)

    cols = [jnp.full((1, 1), qidx_ref[0] % 32, jnp.int32)]
    for j in range(_TCB):
        cols.append(jnp.full((1, 1),
                             32 * (j + 1) + sidx_ref[g * _TCB + j] % 32,
                             jnp.int32))
    colv = jnp.concatenate(cols, axis=0)
    oh = (lax.broadcasted_iota(jnp.int32, (nb, 32 * nb), 1)
          == colv).astype(jnp.float32)
    r = jax.lax.dot_general(
        p_all, oh, (((1,), (1,)), ((), ())),
        preferred_element_type=jnp.float32)
    inter = r[0:1, 1:]
    s_len = r[1:2, 1:]
    q_len = r[1:2, 0:1]
    union = q_len + s_len - inter
    out_ref[pl.ds(g, 1), :] = jnp.where(
        union > 0, inter / jnp.maximum(union, 1.0), 0.0)


@functools.lru_cache(maxsize=None)
def _build_tc_kernel():
    def sblk_spec(j):
        return pl.BlockSpec(
            (32, _NU), lambda g, sidx, qidx, j=j: (sidx[g * _TCB + j] // 32, 0))

    return pl.pallas_call(
        _tc_iou_body,
        grid_spec=pltpu.PrefetchScalarGridSpec(
            num_scalar_prefetch=2,
            grid=(_KPAD // _TCB,),
            in_specs=[
                pl.BlockSpec((32, _NU), lambda g, sidx, qidx: (qidx[0] // 32, 0)),
            ] + [sblk_spec(j) for j in range(_TCB)],
            out_specs=pl.BlockSpec((_KPAD // _TCB, _TCB),
                                   lambda g, sidx, qidx: (0, 0)),
        ),
        out_shape=jax.ShapeDtypeStruct((_KPAD // _TCB, _TCB), jnp.float32),
    )


def kernel(query, support_set, embed_table, user_sets):
    cat_embeds = _build_sc_kernel()(query, support_set, embed_table.T)
    u4 = user_sets.astype(jnp.int4)
    iou = _build_tc_kernel()(
        support_set, query, *([u4] * (_TCB + 1)))
    return cat_embeds, iou.reshape(_K, 1)

# --- scband reference (transcript-rebuilt; emitter-appended) ---
"""Pipeline reference for scband-similarity-feeder-83846351553225 (READ-ONLY COPY).

The authoritative reference and input builder live on the scoring server;
editing this copy changes nothing except your own understanding.
"""

import jax, jax.numpy as jnp
import numpy as np

NUM_MOVIES = 100000
EMBED_DIM = 64
N_USERS = 512
K_SUPPORT = 200


def setup_inputs(seed: int = 0) -> dict:
    key = jax.random.key(seed)
    k1, k2, k3, k4 = jax.random.split(key, 4)
    query = jax.random.randint(k1, (1,), 0, NUM_MOVIES, dtype=jnp.int32)
    support_set = jax.random.randint(k2, (K_SUPPORT,), 0, NUM_MOVIES, dtype=jnp.int32)
    # Learned embedding table (the `embedder` in the torch module)
    embed_table = jax.random.normal(k3, (NUM_MOVIES, EMBED_DIM), dtype=jnp.float32)
    # movie_user_dict represented as a dense boolean membership matrix:
    # user_sets[m, u] = True iff user u positively interacted with movie m.
    user_sets = jax.random.bernoulli(k4, 0.05, (NUM_MOVIES, N_USERS))
    return {"query": query, "support_set": support_set, "embed_table": embed_table, "user_sets": user_sets}


def reference(query, support_set, embed_table, user_sets):
    # Embedding lookups (SparseCore gathers)
    support_embeds = jnp.take(embed_table, support_set, axis=0)          # [k, d]
    query_embed = jnp.take(embed_table, query, axis=0)                   # [1, d]
    k = support_set.shape[0]
    # torch: query_embed.repeat(1, k).view(-1, d) == tile over rows
    query_embeds = jnp.tile(query_embed, (k, 1))                         # [k, d]
    cat_embeds = jnp.concatenate([support_embeds, query_embeds], axis=1)  # [k, 2d]
    # IoU of user sets between query movie and each support movie
    q_set = user_sets[query[0]]                                          # [n_users] bool
    s_sets = jnp.take(user_sets, support_set, axis=0)                    # [k, n_users] bool
    inter = jnp.sum(jnp.logical_and(s_sets, q_set[None, :]), axis=1).astype(jnp.float32)
    q_len = jnp.sum(q_set).astype(jnp.float32)
    s_len = jnp.sum(s_sets, axis=1).astype(jnp.float32)
    union = q_len + s_len - inter
    # original code returns ratio=0 on failure (e.g. empty sets) -> guard div-by-zero
    iou = jnp.where(union > 0, inter / jnp.maximum(union, 1.0), 0.0)     # [k]
    return cat_embeds, iou[:, None]

if __name__ == "__main__":
    import jax
    _d = setup_inputs()
    print(jax.jit(kernel)(*tuple(_d.values())))

</pallas_src>

<mosaic_0001>
#map = affine_map<(d0, d1) -> (0)>
#map1 = affine_map<(d0, d1) -> (0, 0)>
module attributes {stable_mosaic.version = 14 : i64} {
  func.func @_sc_body(%arg0: i32, %arg1: i32, %arg2: memref<1xi32, #tpu.memory_space<hbm>>, %arg3: memref<200xi32, #tpu.memory_space<hbm>>, %arg4: memref<64x100000xf32, #tpu.memory_space<hbm>>, %arg5: memref<200x128xf32, #tpu.memory_space<hbm>>, %arg6: memref<16xi32, #tpu.memory_space<vmem>>, %arg7: memref<9x64x128xf32, #tpu.memory_space<vmem>>, %arg8: memref<8x128xf32, #tpu.memory_space<vmem>>, %arg9: memref<!tpu.dma_semaphore, #tpu.memory_space<semaphore_mem>>) attributes {dimension_semantics = [#tpu.dimension_semantics<core_parallel>, #tpu.dimension_semantics<subcore_parallel>], iteration_bounds = array<i64: 2, 16>, scalar_prefetch = 0 : i64, scratch_operands = 4 : i64, tpu.core_type = #tpu.core_type<sc_vector_subcore>, window_params = [{transform_indices = #map}, {transform_indices = #map}, {transform_indices = #map1}, {transform_indices = #map1}]} {
    %mul3A = arith.constant 16 : i32
    %mul3A_0 = arith.muli %arg0, %mul3A : i32
    %add3A = arith.addi %mul3A_0, %arg1 : i32
    %lt3A = arith.constant 25 : i32
    %lt3A_1 = arith.cmpi slt, %add3A, %lt3A : i32
    %convert_element_type3A = arith.extui %lt3A_1 : i1 to i32
    %cond3A = arith.constant 0 : i32
    %cond3A_2 = arith.cmpi ne, %convert_element_type3A, %cond3A : i32
    scf.if %cond3A_2 {
      %mul3A_3 = arith.constant 8 : i32
      %mul3A_4 = arith.muli %add3A, %mul3A_3 : i32
      "tpu.region"() ({
        %run_scoped3A = tpu.sem_alloc : memref<!tpu.dma_semaphore, #tpu.memory_space<semaphore_mem>>
        %dma_start3A_1077 = arith.constant 0 : i32
        %dma_start3A_1078 = tpu.memref_slice %arg6[%dma_start3A_1077] : memref<16xi32, #tpu.memory_space<vmem>> -> memref<8xi32, #tpu.memory_space<vmem>>
        %dma_start3A_1079 = tpu.memref_slice %arg3[%mul3A_4] : memref<200xi32, #tpu.memory_space<hbm>> -> memref<8xi32, #tpu.memory_space<hbm>>
        %dma_start3A_1080 = arith.constant 0 : i32
        %dma_start3A_1081 = tpu.memref_slice %arg6[%dma_start3A_1080] : memref<16xi32, #tpu.memory_space<vmem>> -> memref<8xi32, #tpu.memory_space<vmem>>
        %dma_start3A_1082 = tpu.memref_slice %arg3[%mul3A_4] : memref<200xi32, #tpu.memory_space<hbm>> -> memref<8xi32, #tpu.memory_space<hbm>>
        tpu.enqueue_dma source(%dma_start3A_1082 : memref<8xi32, #tpu.memory_space<hbm>>) target(%dma_start3A_1081 : memref<8xi32, #tpu.memory_space<vmem>>) target_semaphore(%run_scoped3A : memref<!tpu.dma_semaphore, #tpu.memory_space<semaphore_mem>>)
        %dma_wait3A_1083 = arith.constant 0 : i32
        %dma_wait3A_1084 = tpu.memref_slice %arg6[%dma_wait3A_1083] : memref<16xi32, #tpu.memory_space<vmem>> -> memref<8xi32, #tpu.memory_space<vmem>>
        %dma_wait3A_1085 = tpu.memref_slice %arg3[%mul3A_4] : memref<200xi32, #tpu.memory_space<hbm>> -> memref<8xi32, #tpu.memory_space<hbm>>
        %dma_wait3A_1086 = arith.constant 0 : i32
        %dma_wait3A_1087 = tpu.memref_slice %arg6[%dma_wait3A_1086] : memref<16xi32, #tpu.memory_space<vmem>> -> memref<8xi32, #tpu.memory_space<vmem>>
        %dma_wait3A_1088 = tpu.memref_slice %arg3[%mul3A_4] : memref<200xi32, #tpu.memory_space<hbm>> -> memref<8xi32, #tpu.memory_space<hbm>>
        tpu.wait_dma2 semaphore(%run_scoped3A : memref<!tpu.dma_semaphore, #tpu.memory_space<semaphore_mem>>) src(%dma_wait3A_1088 : memref<8xi32, #tpu.memory_space<hbm>>) dst(%dma_wait3A_1087 : memref<8xi32, #tpu.memory_space<vmem>>)
        tpu.yield
      }) : () -> ()
      "tpu.region"() ({
        %run_scoped3A = tpu.sem_alloc : memref<!tpu.dma_semaphore, #tpu.memory_space<semaphore_mem>>
        %dma_start3A_1077 = arith.constant 8 : i32
        %dma_start3A_1078 = tpu.memref_slice %arg6[%dma_start3A_1077] : memref<16xi32, #tpu.memory_space<vmem>> -> memref<1xi32, #tpu.memory_space<vmem>>
        %dma_start3A_1079 = arith.constant 8 : i32
        %dma_start3A_1080 = tpu.memref_slice %arg6[%dma_start3A_1079] : memref<16xi32, #tpu.memory_space<vmem>> -> memref<1xi32, #tpu.memory_space<vmem>>
        tpu.enqueue_dma source(%arg2 : memref<1xi32, #tpu.memory_space<hbm>>) target(%dma_start3A_1080 : memref<1xi32, #tpu.memory_space<vmem>>) target_semaphore(%run_scoped3A : memref<!tpu.dma_semaphore, #tpu.memory_space<semaphore_mem>>)
        %dma_wait3A_1081 = arith.constant 8 : i32
        %dma_wait3A_1082 = tpu.memref_slice %arg6[%dma_wait3A_1081] : memref<16xi32, #tpu.memory_space<vmem>> -> memref<1xi32, #tpu.memory_space<vmem>>
        %dma_wait3A_1083 = arith.constant 8 : i32
        %dma_wait3A_1084 = tpu.memref_slice %arg6[%dma_wait3A_1083] : memref<16xi32, #tpu.memory_space<vmem>> -> memref<1xi32, #tpu.memory_space<vmem>>
        tpu.wait_dma2 semaphore(%run_scoped3A : memref<!tpu.dma_semaphore, #tpu.memory_space<semaphore_mem>>) src(%arg2 : memref<1xi32, #tpu.memory_space<hbm>>) dst(%dma_wait3A_1084 : memref<1xi32, #tpu.memory_space<vmem>>)
        tpu.yield
      }) : () -> ()
      %get3A = arith.constant 0 : index
      %get3A_5 = tpu.vector_load %arg6[%get3A] {strides = array<i32>} : memref<16xi32, #tpu.memory_space<vmem>>, vector<16xi32>,
      %slice3A = vector.extract_strided_slice %get3A_5 {offsets = [0], sizes = [1], strides = [1]} : vector<16xi32> to vector<1xi32>
      %squeeze3A = vector.extract %slice3A[0] : i32 from vector<1xi32>
      %jit3A = arith.constant 128 : i32
      %div3A = arith.divsi %squeeze3A, %jit3A : i32
      %sign3A = arith.constant 0 : i32
      %sign3A_6 = arith.cmpi sgt, %squeeze3A, %sign3A : i32
      %sign3A_7 = arith.extui %sign3A_6 : i1 to i32
      %sign3A_8 = arith.constant 0 : i32
      %sign3A_9 = arith.cmpi slt, %squeeze3A, %sign3A_8 : i32
      %sign3A_10 = arith.extui %sign3A_9 : i1 to i32
      %sign3A_11 = arith.subi %sign3A_7, %sign3A_10 : i32
      %sign3A_12 = arith.constant 0 : i32
      %sign3A_13 = arith.cmpi sgt, %jit3A, %sign3A_12 : i32
      %sign3A_14 = arith.extui %sign3A_13 : i1 to i32
      %sign3A_15 = arith.constant 0 : i32
      %sign3A_16 = arith.cmpi slt, %jit3A, %sign3A_15 : i32
      %sign3A_17 = arith.extui %sign3A_16 : i1 to i32
      %sign3A_18 = arith.subi %sign3A_14, %sign3A_17 : i32
      %ne3A = arith.cmpi ne, %sign3A_11, %sign3A_18 : i32
      %rem3A = arith.remsi %squeeze3A, %jit3A : i32
      %ne3A_19 = arith.constant 0 : i32
      %ne3A_20 = arith.cmpi ne, %rem3A, %ne3A_19 : i32
      %and3A = arith.andi %ne3A, %ne3A_20 : i1
      %sub3A = arith.constant 1 : i32
      %sub3A_21 = arith.subi %div3A, %sub3A : i32
      %select_n3A = arith.select %and3A, %sub3A_21, %div3A : i32
      %mul3A_22 = arith.constant 128 : i32
      %mul3A_23 = arith.muli %select_n3A, %mul3A_22 : i32
      %multiple_of3A = tpu.assume_multiple %mul3A_23, 128 : i32
      %slice3A_24 = vector.extract_strided_slice %get3A_5 {offsets = [1], sizes = [1], strides = [1]} : vector<16xi32> to vector<1xi32>
      %squeeze3A_25 = vector.extract %slice3A_24[0] : i32 from vector<1xi32>
      %jit3A_26 = arith.constant 128 : i32
      %div3A_27 = arith.divsi %squeeze3A_25, %jit3A_26 : i32
      %sign3A_28 = arith.constant 0 : i32
      %sign3A_29 = arith.cmpi sgt, %squeeze3A_25, %sign3A_28 : i32
      %sign3A_30 = arith.extui %sign3A_29 : i1 to i32
      %sign3A_31 = arith.constant 0 : i32
      %sign3A_32 = arith.cmpi slt, %squeeze3A_25, %sign3A_31 : i32
      %sign3A_33 = arith.extui %sign3A_32 : i1 to i32
      %sign3A_34 = arith.subi %sign3A_30, %sign3A_33 : i32
      %sign3A_35 = arith.constant 0 : i32
      %sign3A_36 = arith.cmpi sgt, %jit3A_26, %sign3A_35 : i32
      %sign3A_37 = arith.extui %sign3A_36 : i1 to i32
      %sign3A_38 = arith.constant 0 : i32
      %sign3A_39 = arith.cmpi slt, %jit3A_26, %sign3A_38 : i32
      %sign3A_40 = arith.extui %sign3A_39 : i1 to i32
      %sign3A_41 = arith.subi %sign3A_37, %sign3A_40 : i32
      %ne3A_42 = arith.cmpi ne, %sign3A_34, %sign3A_41 : i32
      %rem3A_43 = arith.remsi %squeeze3A_25, %jit3A_26 : i32
      %ne3A_44 = arith.constant 0 : i32
      %ne3A_45 = arith.cmpi ne, %rem3A_43, %ne3A_44 : i32
      %and3A_46 = arith.andi %ne3A_42, %ne3A_45 : i1
      %sub3A_47 = arith.constant 1 : i32
      %sub3A_48 = arith.subi %div3A_27, %sub3A_47 : i32
      %select_n3A_49 = arith.select %and3A_46, %sub3A_48, %div3A_27 : i32
      %mul3A_50 = arith.constant 128 : i32
      %mul3A_51 = arith.muli %select_n3A_49, %mul3A_50 : i32
      %multiple_of3A_52 = tpu.assume_multiple %mul3A_51, 128 : i32
      %slice3A_53 = vector.extract_strided_slice %get3A_5 {offsets = [2], sizes = [1], strides = [1]} : vector<16xi32> to vector<1xi32>
      %squeeze3A_54 = vector.extract %slice3A_53[0] : i32 from vector<1xi32>
      %jit3A_55 = arith.constant 128 : i32
      %div3A_56 = arith.divsi %squeeze3A_54, %jit3A_55 : i32
      %sign3A_57 = arith.constant 0 : i32
      %sign3A_58 = arith.cmpi sgt, %squeeze3A_54, %sign3A_57 : i32
      %sign3A_59 = arith.extui %sign3A_58 : i1 to i32
      %sign3A_60 = arith.constant 0 : i32
      %sign3A_61 = arith.cmpi slt, %squeeze3A_54, %sign3A_60 : i32
      %sign3A_62 = arith.extui %sign3A_61 : i1 to i32
      %sign3A_63 = arith.subi %sign3A_59, %sign3A_62 : i32
      %sign3A_64 = arith.constant 0 : i32
      %sign3A_65 = arith.cmpi sgt, %jit3A_55, %sign3A_64 : i32
      %sign3A_66 = arith.extui %sign3A_65 : i1 to i32
      %sign3A_67 = arith.constant 0 : i32
      %sign3A_68 = arith.cmpi slt, %jit3A_55, %sign3A_67 : i32
      %sign3A_69 = arith.extui %sign3A_68 : i1 to i32
      %sign3A_70 = arith.subi %sign3A_66, %sign3A_69 : i32
      %ne3A_71 = arith.cmpi ne, %sign3A_63, %sign3A_70 : i32
      %rem3A_72 = arith.remsi %squeeze3A_54, %jit3A_55 : i32
      %ne3A_73 = arith.constant 0 : i32
      %ne3A_74 = arith.cmpi ne, %rem3A_72, %ne3A_73 : i32
      %and3A_75 = arith.andi %ne3A_71, %ne3A_74 : i1
      %sub3A_76 = arith.constant 1 : i32
      %sub3A_77 = arith.subi %div3A_56, %sub3A_76 : i32
      %select_n3A_78 = arith.select %and3A_75, %sub3A_77, %div3A_56 : i32
      %mul3A_79 = arith.constant 128 : i32
      %mul3A_80 = arith.muli %select_n3A_78, %mul3A_79 : i32
      %multiple_of3A_81 = tpu.assume_multiple %mul3A_80, 128 : i32
      %slice3A_82 = vector.extract_strided_slice %get3A_5 {offsets = [3], sizes = [1], strides = [1]} : vector<16xi32> to vector<1xi32>
      %squeeze3A_83 = vector.extract %slice3A_82[0] : i32 from vector<1xi32>
      %jit3A_84 = arith.constant 128 : i32
      %div3A_85 = arith.divsi %squeeze3A_83, %jit3A_84 : i32
      %sign3A_86 = arith.constant 0 : i32
      %sign3A_87 = arith.cmpi sgt, %squeeze3A_83, %sign3A_86 : i32
      %sign3A_88 = arith.extui %sign3A_87 : i1 to i32
      %sign3A_89 = arith.constant 0 : i32
      %sign3A_90 = arith.cmpi slt, %squeeze3A_83, %sign3A_89 : i32
      %sign3A_91 = arith.extui %sign3A_90 : i1 to i32
      %sign3A_92 = arith.subi %sign3A_88, %sign3A_91 : i32
      %sign3A_93 = arith.constant 0 : i32
      %sign3A_94 = arith.cmpi sgt, %jit3A_84, %sign3A_93 : i32
      %sign3A_95 = arith.extui %sign3A_94 : i1 to i32
      %sign3A_96 = arith.constant 0 : i32
      %sign3A_97 = arith.cmpi slt, %jit3A_84, %sign3A_96 : i32
      %sign3A_98 = arith.extui %sign3A_97 : i1 to i32
      %sign3A_99 = arith.subi %sign3A_95, %sign3A_98 : i32
      %ne3A_100 = arith.cmpi ne, %sign3A_92, %sign3A_99 : i32
      %rem3A_101 = arith.remsi %squeeze3A_83, %jit3A_84 : i32
      %ne3A_102 = arith.constant 0 : i32
      %ne3A_103 = arith.cmpi ne, %rem3A_101, %ne3A_102 : i32
      %and3A_104 = arith.andi %ne3A_100, %ne3A_103 : i1
      %sub3A_105 = arith.constant 1 : i32
      %sub3A_106 = arith.subi %div3A_85, %sub3A_105 : i32
      %select_n3A_107 = arith.select %and3A_104, %sub3A_106, %div3A_85 : i32
      %mul3A_108 = arith.constant 128 : i32
      %mul3A_109 = arith.muli %select_n3A_107, %mul3A_108 : i32
      %multiple_of3A_110 = tpu.assume_multiple %mul3A_109, 128 : i32
      %slice3A_111 = vector.extract_strided_slice %get3A_5 {offsets = [4], sizes = [1], strides = [1]} : vector<16xi32> to vector<1xi32>
      %squeeze3A_112 = vector.extract %slice3A_111[0] : i32 from vector<1xi32>
      %jit3A_113 = arith.constant 128 : i32
      %div3A_114 = arith.divsi %squeeze3A_112, %jit3A_113 : i32
      %sign3A_115 = arith.constant 0 : i32
      %sign3A_116 = arith.cmpi sgt, %squeeze3A_112, %sign3A_115 : i32
      %sign3A_117 = arith.extui %sign3A_116 : i1 to i32
      %sign3A_118 = arith.constant 0 : i32
      %sign3A_119 = arith.cmpi slt, %squeeze3A_112, %sign3A_118 : i32
      %sign3A_120 = arith.extui %sign3A_119 : i1 to i32
      %sign3A_121 = arith.subi %sign3A_117, %sign3A_120 : i32
      %sign3A_122 = arith.constant 0 : i32
      %sign3A_123 = arith.cmpi sgt, %jit3A_113, %sign3A_122 : i32
      %sign3A_124 = arith.extui %sign3A_123 : i1 to i32
      %sign3A_125 = arith.constant 0 : i32
      %sign3A_126 = arith.cmpi slt, %jit3A_113, %sign3A_125 : i32
      %sign3A_127 = arith.extui %sign3A_126 : i1 to i32
      %sign3A_128 = arith.subi %sign3A_124, %sign3A_127 : i32
      %ne3A_129 = arith.cmpi ne, %sign3A_121, %sign3A_128 : i32
      %rem3A_130 = arith.remsi %squeeze3A_112, %jit3A_113 : i32
      %ne3A_131 = arith.constant 0 : i32
      %ne3A_132 = arith.cmpi ne, %rem3A_130, %ne3A_131 : i32
      %and3A_133 = arith.andi %ne3A_129, %ne3A_132 : i1
      %sub3A_134 = arith.constant 1 : i32
      %sub3A_135 = arith.subi %div3A_114, %sub3A_134 : i32
      %select_n3A_136 = arith.select %and3A_133, %sub3A_135, %div3A_114 : i32
      %mul3A_137 = arith.constant 128 : i32
      %mul3A_138 = arith.muli %select_n3A_136, %mul3A_137 : i32
      %multiple_of3A_139 = tpu.assume_multiple %mul3A_138, 128 : i32
      %slice3A_140 = vector.extract_strided_slice %get3A_5 {offsets = [5], sizes = [1], strides = [1]} : vector<16xi32> to vector<1xi32>
      %squeeze3A_141 = vector.extract %slice3A_140[0] : i32 from vector<1xi32>
      %jit3A_142 = arith.constant 128 : i32
      %div3A_143 = arith.divsi %squeeze3A_141, %jit3A_142 : i32
      %sign3A_144 = arith.constant 0 : i32
      %sign3A_145 = arith.cmpi sgt, %squeeze3A_141, %sign3A_144 : i32
      %sign3A_146 = arith.extui %sign3A_145 : i1 to i32
      %sign3A_147 = arith.constant 0 : i32
      %sign3A_148 = arith.cmpi slt, %squeeze3A_141, %sign3A_147 : i32
      %sign3A_149 = arith.extui %sign3A_148 : i1 to i32
      %sign3A_150 = arith.subi %sign3A_146, %sign3A_149 : i32
      %sign3A_151 = arith.constant 0 : i32
      %sign3A_152 = arith.cmpi sgt, %jit3A_142, %sign3A_151 : i32
      %sign3A_153 = arith.extui %sign3A_152 : i1 to i32
      %sign3A_154 = arith.constant 0 : i32
      %sign3A_155 = arith.cmpi slt, %jit3A_142, %sign3A_154 : i32
      %sign3A_156 = arith.extui %sign3A_155 : i1 to i32
      %sign3A_157 = arith.subi %sign3A_153, %sign3A_156 : i32
      %ne3A_158 = arith.cmpi ne, %sign3A_150, %sign3A_157 : i32
      %rem3A_159 = arith.remsi %squeeze3A_141, %jit3A_142 : i32
      %ne3A_160 = arith.constant 0 : i32
      %ne3A_161 = arith.cmpi ne, %rem3A_159, %ne3A_160 : i32
      %and3A_162 = arith.andi %ne3A_158, %ne3A_161 : i1
      %sub3A_163 = arith.constant 1 : i32
      %sub3A_164 = arith.subi %div3A_143, %sub3A_163 : i32
      %select_n3A_165 = arith.select %and3A_162, %sub3A_164, %div3A_143 : i32
      %mul3A_166 = arith.constant 128 : i32
      %mul3A_167 = arith.muli %select_n3A_165, %mul3A_166 : i32
      %multiple_of3A_168 = tpu.assume_multiple %mul3A_167, 128 : i32
      %slice3A_169 = vector.extract_strided_slice %get3A_5 {offsets = [6], sizes = [1], strides = [1]} : vector<16xi32> to vector<1xi32>
      %squeeze3A_170 = vector.extract %slice3A_169[0] : i32 from vector<1xi32>
      %jit3A_171 = arith.constant 128 : i32
      %div3A_172 = arith.divsi %squeeze3A_170, %jit3A_171 : i32
      %sign3A_173 = arith.constant 0 : i32
      %sign3A_174 = arith.cmpi sgt, %squeeze3A_170, %sign3A_173 : i32
      %sign3A_175 = arith.extui %sign3A_174 : i1 to i32
      %sign3A_176 = arith.constant 0 : i32
      %sign3A_177 = arith.cmpi slt, %squeeze3A_170, %sign3A_176 : i32
      %sign3A_178 = arith.extui %sign3A_177 : i1 to i32
      %sign3A_179 = arith.subi %sign3A_175, %sign3A_178 : i32
      %sign3A_180 = arith.constant 0 : i32
      %sign3A_181 = arith.cmpi sgt, %jit3A_171, %sign3A_180 : i32
      %sign3A_182 = arith.extui %sign3A_181 : i1 to i32
      %sign3A_183 = arith.constant 0 : i32
      %sign3A_184 = arith.cmpi slt, %jit3A_171, %sign3A_183 : i32
      %sign3A_185 = arith.extui %sign3A_184 : i1 to i32
      %sign3A_186 = arith.subi %sign3A_182, %sign3A_185 : i32
      %ne3A_187 = arith.cmpi ne, %sign3A_179, %sign3A_186 : i32
      %rem3A_188 = arith.remsi %squeeze3A_170, %jit3A_171 : i32
      %ne3A_189 = arith.constant 0 : i32
      %ne3A_190 = arith.cmpi ne, %rem3A_188, %ne3A_189 : i32
      %and3A_191 = arith.andi %ne3A_187, %ne3A_190 : i1
      %sub3A_192 = arith.constant 1 : i32
      %sub3A_193 = arith.subi %div3A_172, %sub3A_192 : i32
      %select_n3A_194 = arith.select %and3A_191, %sub3A_193, %div3A_172 : i32
      %mul3A_195 = arith.constant 128 : i32
      %mul3A_196 = arith.muli %select_n3A_194, %mul3A_195 : i32
      %multiple_of3A_197 = tpu.assume_multiple %mul3A_196, 128 : i32
      %slice3A_198 = vector.extract_strided_slice %get3A_5 {offsets = [7], sizes = [1], strides = [1]} : vector<16xi32> to vector<1xi32>
      %squeeze3A_199 = vector.extract %slice3A_198[0] : i32 from vector<1xi32>
      %jit3A_200 = arith.constant 128 : i32
      %div3A_201 = arith.divsi %squeeze3A_199, %jit3A_200 : i32
      %sign3A_202 = arith.constant 0 : i32
      %sign3A_203 = arith.cmpi sgt, %squeeze3A_199, %sign3A_202 : i32
      %sign3A_204 = arith.extui %sign3A_203 : i1 to i32
      %sign3A_205 = arith.constant 0 : i32
      %sign3A_206 = arith.cmpi slt, %squeeze3A_199, %sign3A_205 : i32
      %sign3A_207 = arith.extui %sign3A_206 : i1 to i32
      %sign3A_208 = arith.subi %sign3A_204, %sign3A_207 : i32
      %sign3A_209 = arith.constant 0 : i32
      %sign3A_210 = arith.cmpi sgt, %jit3A_200, %sign3A_209 : i32
      %sign3A_211 = arith.extui %sign3A_210 : i1 to i32
      %sign3A_212 = arith.constant 0 : i32
      %sign3A_213 = arith.cmpi slt, %jit3A_200, %sign3A_212 : i32
      %sign3A_214 = arith.extui %sign3A_213 : i1 to i32
      %sign3A_215 = arith.subi %sign3A_211, %sign3A_214 : i32
      %ne3A_216 = arith.cmpi ne, %sign3A_208, %sign3A_215 : i32
      %rem3A_217 = arith.remsi %squeeze3A_199, %jit3A_200 : i32
      %ne3A_218 = arith.constant 0 : i32
      %ne3A_219 = arith.cmpi ne, %rem3A_217, %ne3A_218 : i32
      %and3A_220 = arith.andi %ne3A_216, %ne3A_219 : i1
      %sub3A_221 = arith.constant 1 : i32
      %sub3A_222 = arith.subi %div3A_201, %sub3A_221 : i32
      %select_n3A_223 = arith.select %and3A_220, %sub3A_222, %div3A_201 : i32
      %mul3A_224 = arith.constant 128 : i32
      %mul3A_225 = arith.muli %select_n3A_223, %mul3A_224 : i32
      %multiple_of3A_226 = tpu.assume_multiple %mul3A_225, 128 : i32
      %slice3A_227 = vector.extract_strided_slice %get3A_5 {offsets = [8], sizes = [1], strides = [1]} : vector<16xi32> to vector<1xi32>
      %squeeze3A_228 = vector.extract %slice3A_227[0] : i32 from vector<1xi32>
      %jit3A_229 = arith.constant 128 : i32
      %div3A_230 = arith.divsi %squeeze3A_228, %jit3A_229 : i32
      %sign3A_231 = arith.constant 0 : i32
      %sign3A_232 = arith.cmpi sgt, %squeeze3A_228, %sign3A_231 : i32
      %sign3A_233 = arith.extui %sign3A_232 : i1 to i32
      %sign3A_234 = arith.constant 0 : i32
      %sign3A_235 = arith.cmpi slt, %squeeze3A_228, %sign3A_234 : i32
      %sign3A_236 = arith.extui %sign3A_235 : i1 to i32
      %sign3A_237 = arith.subi %sign3A_233, %sign3A_236 : i32
      %sign3A_238 = arith.constant 0 : i32
      %sign3A_239 = arith.cmpi sgt, %jit3A_229, %sign3A_238 : i32
      %sign3A_240 = arith.extui %sign3A_239 : i1 to i32
      %sign3A_241 = arith.constant 0 : i32
      %sign3A_242 = arith.cmpi slt, %jit3A_229, %sign3A_241 : i32
      %sign3A_243 = arith.extui %sign3A_242 : i1 to i32
      %sign3A_244 = arith.subi %sign3A_240, %sign3A_243 : i32
      %ne3A_245 = arith.cmpi ne, %sign3A_237, %sign3A_244 : i32
      %rem3A_246 = arith.remsi %squeeze3A_228, %jit3A_229 : i32
      %ne3A_247 = arith.constant 0 : i32
      %ne3A_248 = arith.cmpi ne, %rem3A_246, %ne3A_247 : i32
      %and3A_249 = arith.andi %ne3A_245, %ne3A_248 : i1
      %sub3A_250 = arith.constant 1 : i32
      %sub3A_251 = arith.subi %div3A_230, %sub3A_250 : i32
      %select_n3A_252 = arith.select %and3A_249, %sub3A_251, %div3A_230 : i32
      %mul3A_253 = arith.constant 128 : i32
      %mul3A_254 = arith.muli %select_n3A_252, %mul3A_253 : i32
      %multiple_of3A_255 = tpu.assume_multiple %mul3A_254, 128 : i32
      %dma_start3A = arith.constant 0 : i32
      %dma_start3A_256 = arith.constant 0 : i32
      %dma_start3A_257 = arith.constant 0 : i32
      %dma_start3A_258 = tpu.memref_slice %arg7[%dma_start3A, %dma_start3A_256, %dma_start3A_257] : memref<9x64x128xf32, #tpu.memory_space<vmem>> -> memref<1x64x128xf32, #tpu.memory_space<vmem>>
      %dma_start3A_259 = tpu.memref_squeeze %dma_start3A_258 : memref<1x64x128xf32, #tpu.memory_space<vmem>> -> memref<64x128xf32, #tpu.memory_space<vmem>>
      %dma_start3A_260 = arith.constant 0 : i32
      %dma_start3A_261 = tpu.memref_slice %arg4[%dma_start3A_260, %multiple_of3A] : memref<64x100000xf32, #tpu.memory_space<hbm>> -> memref<64x128xf32, #tpu.memory_space<hbm>>
      %dma_start3A_262 = arith.constant 0 : i32
      %dma_start3A_263 = arith.constant 0 : i32
      %dma_start3A_264 = tpu.memref_slice %arg7[%dma_start3A, %dma_start3A_262, %dma_start3A_263] : memref<9x64x128xf32, #tpu.memory_space<vmem>> -> memref<1x64x128xf32, #tpu.memory_space<vmem>>
      %dma_start3A_265 = tpu.memref_squeeze %dma_start3A_264 : memref<1x64x128xf32, #tpu.memory_space<vmem>> -> memref<64x128xf32, #tpu.memory_space<vmem>>
      %dma_start3A_266 = arith.constant 0 : i32
      %dma_start3A_267 = tpu.memref_slice %arg4[%dma_start3A_266, %multiple_of3A] : memref<64x100000xf32, #tpu.memory_space<hbm>> -> memref<64x128xf32, #tpu.memory_space<hbm>>
      tpu.enqueue_dma source(%dma_start3A_267 : memref<64x128xf32, #tpu.memory_space<hbm>>) target(%dma_start3A_265 : memref<64x128xf32, #tpu.memory_space<vmem>>) target_semaphore(%arg9 : memref<!tpu.dma_semaphore, #tpu.memory_space<semaphore_mem>>)
      %dma_start3A_268 = arith.constant 1 : i32
      %dma_start3A_269 = arith.constant 0 : i32
      %dma_start3A_270 = arith.constant 0 : i32
      %dma_start3A_271 = tpu.memref_slice %arg7[%dma_start3A_268, %dma_start3A_269, %dma_start3A_270] : memref<9x64x128xf32, #tpu.memory_space<vmem>> -> memref<1x64x128xf32, #tpu.memory_space<vmem>>
      %dma_start3A_272 = tpu.memref_squeeze %dma_start3A_271 : memref<1x64x128xf32, #tpu.memory_space<vmem>> -> memref<64x128xf32, #tpu.memory_space<vmem>>
      %dma_start3A_273 = arith.constant 0 : i32
      %dma_start3A_274 = tpu.memref_slice %arg4[%dma_start3A_273, %multiple_of3A_52] : memref<64x100000xf32, #tpu.memory_space<hbm>> -> memref<64x128xf32, #tpu.memory_space<hbm>>
      %dma_start3A_275 = arith.constant 0 : i32
      %dma_start3A_276 = arith.constant 0 : i32
      %dma_start3A_277 = tpu.memref_slice %arg7[%dma_start3A_268, %dma_start3A_275, %dma_start3A_276] : memref<9x64x128xf32, #tpu.memory_space<vmem>> -> memref<1x64x128xf32, #tpu.memory_space<vmem>>
      %dma_start3A_278 = tpu.memref_squeeze %dma_start3A_277 : memref<1x64x128xf32, #tpu.memory_space<vmem>> -> memref<64x128xf32, #tpu.memory_space<vmem>>
      %dma_start3A_279 = arith.constant 0 : i32
      %dma_start3A_280 = tpu.memref_slice %arg4[%dma_start3A_279, %multiple_of3A_52] : memref<64x100000xf32, #tpu.memory_space<hbm>> -> memref<64x128xf32, #tpu.memory_space<hbm>>
      tpu.enqueue_dma source(%dma_start3A_280 : memref<64x128xf32, #tpu.memory_space<hbm>>) target(%dma_start3A_278 : memref<64x128xf32, #tpu.memory_space<vmem>>) target_semaphore(%arg9 : memref<!tpu.dma_semaphore, #tpu.memory_space<semaphore_mem>>)
      %dma_start3A_281 = arith.constant 2 : i32
      %dma_start3A_282 = arith.constant 0 : i32
      %dma_start3A_283 = arith.constant 0 : i32
      %dma_start3A_284 = tpu.memref_slice %arg7[%dma_start3A_281, %dma_start3A_282, %dma_start3A_283] : memref<9x64x128xf32, #tpu.memory_space<vmem>> -> memref<1x64x128xf32, #tpu.memory_space<vmem>>
      %dma_start3A_285 = tpu.memref_squeeze %dma_start3A_284 : memref<1x64x128xf32, #tpu.memory_space<vmem>> -> memref<64x128xf32, #tpu.memory_space<vmem>>
      %dma_start3A_286 = arith.constant 0 : i32
      %dma_start3A_287 = tpu.memref_slice %arg4[%dma_start3A_286, %multiple_of3A_81] : memref<64x100000xf32, #tpu.memory_space<hbm>> -> memref<64x128xf32, #tpu.memory_space<hbm>>
      %dma_start3A_288 = arith.constant 0 : i32
      %dma_start3A_289 = arith.constant 0 : i32
      %dma_start3A_290 = tpu.memref_slice %arg7[%dma_start3A_281, %dma_start3A_288, %dma_start3A_289] : memref<9x64x128xf32, #tpu.memory_space<vmem>> -> memref<1x64x128xf32, #tpu.memory_space<vmem>>
      %dma_start3A_291 = tpu.memref_squeeze %dma_start3A_290 : memref<1x64x128xf32, #tpu.memory_space<vmem>> -> memref<64x128xf32, #tpu.memory_space<vmem>>
      %dma_start3A_292 = arith.constant 0 : i32
      %dma_start3A_293 = tpu.memref_slice %arg4[%dma_start3A_292, %multiple_of3A_81] : memref<64x100000xf32, #tpu.memory_space<hbm>> -> memref<64x128xf32, #tpu.memory_space<hbm>>
      tpu.enqueue_dma source(%dma_start3A_293 : memref<64x128xf32, #tpu.memory_space<hbm>>) target(%dma_start3A_291 : memref<64x128xf32, #tpu.memory_space<vmem>>) target_semaphore(%arg9 : memref<!tpu.dma_semaphore, #tpu.memory_space<semaphore_mem>>)
      %dma_start3A_294 = arith.constant 3 : i32
      %dma_start3A_295 = arith.constant 0 : i32
      %dma_start3A_296 = arith.constant 0 : i32
      %dma_start3A_297 = tpu.memref_slice %arg7[%dma_start3A_294, %dma_start3A_295, %dma_start3A_296] : memref<9x64x128xf32, #tpu.memory_space<vmem>> -> memref<1x64x128xf32, #tpu.memory_space<vmem>>
      %dma_start3A_298 = tpu.memref_squeeze %dma_start3A_297 : memref<1x64x128xf32, #tpu.memory_space<vmem>> -> memref<64x128xf32, #tpu.memory_space<vmem>>
      %dma_start3A_299 = arith.constant 0 : i32
      %dma_start3A_300 = tpu.memref_slice %arg4[%dma_start3A_299, %multiple_of3A_110] : memref<64x100000xf32, #tpu.memory_space<hbm>> -> memref<64x128xf32, #tpu.memory_space<hbm>>
      %dma_start3A_301 = arith.constant 0 : i32
      %dma_start3A_302 = arith.constant 0 : i32
      %dma_start3A_303 = tpu.memref_slice %arg7[%dma_start3A_294, %dma_start3A_301, %dma_start3A_302] : memref<9x64x128xf32, #tpu.memory_space<vmem>> -> memref<1x64x128xf32, #tpu.memory_space<vmem>>
      %dma_start3A_304 = tpu.memref_squeeze %dma_start3A_303 : memref<1x64x128xf32, #tpu.memory_space<vmem>> -> memref<64x128xf32, #tpu.memory_space<vmem>>
      %dma_start3A_305 = arith.constant 0 : i32
      %dma_start3A_306 = tpu.memref_slice %arg4[%dma_start3A_305, %multiple_of3A_110] : memref<64x100000xf32, #tpu.memory_space<hbm>> -> memref<64x128xf32, #tpu.memory_space<hbm>>
      tpu.enqueue_dma source(%dma_start3A_306 : memref<64x128xf32, #tpu.memory_space<hbm>>) target(%dma_start3A_304 : memref<64x128xf32, #tpu.memory_space<vmem>>) target_semaphore(%arg9 : memref<!tpu.dma_semaphore, #tpu.memory_space<semaphore_mem>>)
      %dma_start3A_307 = arith.constant 4 : i32
      %dma_start3A_308 = arith.constant 0 : i32
      %dma_start3A_309 = arith.constant 0 : i32
      %dma_start3A_310 = tpu.memref_slice %arg7[%dma_start3A_307, %dma_start3A_308, %dma_start3A_309] : memref<9x64x128xf32, #tpu.memory_space<vmem>> -> memref<1x64x128xf32, #tpu.memory_space<vmem>>
      %dma_start3A_311 = tpu.memref_squeeze %dma_start3A_310 : memref<1x64x128xf32, #tpu.memory_space<vmem>> -> memref<64x128xf32, #tpu.memory_space<vmem>>
      %dma_start3A_312 = arith.constant 0 : i32
      %dma_start3A_313 = tpu.memref_slice %arg4[%dma_start3A_312, %multiple_of3A_139] : memref<64x100000xf32, #tpu.memory_space<hbm>> -> memref<64x128xf32, #tpu.memory_space<hbm>>
      %dma_start3A_314 = arith.constant 0 : i32
      %dma_start3A_315 = arith.constant 0 : i32
      %dma_start3A_316 = tpu.memref_slice %arg7[%dma_start3A_307, %dma_start3A_314, %dma_start3A_315] : memref<9x64x128xf32, #tpu.memory_space<vmem>> -> memref<1x64x128xf32, #tpu.memory_space<vmem>>
      %dma_start3A_317 = tpu.memref_squeeze %dma_start3A_316 : memref<1x64x128xf32, #tpu.memory_space<vmem>> -> memref<64x128xf32, #tpu.memory_space<vmem>>
      %dma_start3A_318 = arith.constant 0 : i32
      %dma_start3A_319 = tpu.memref_slice %arg4[%dma_start3A_318, %multiple_of3A_139] : memref<64x100000xf32, #tpu.memory_space<hbm>> -> memref<64x128xf32, #tpu.memory_space<hbm>>
      tpu.enqueue_dma source(%dma_start3A_319 : memref<64x128xf32, #tpu.memory_space<hbm>>) target(%dma_start3A_317 : memref<64x128xf32, #tpu.memory_space<vmem>>) target_semaphore(%arg9 : memref<!tpu.dma_semaphore, #tpu.memory_space<semaphore_mem>>)
      %dma_start3A_320 = arith.constant 5 : i32
      %dma_start3A_321 = arith.constant 0 : i32
      %dma_start3A_322 = arith.constant 0 : i32
      %dma_start3A_323 = tpu.memref_slice %arg7[%dma_start3A_320, %dma_start3A_321, %dma_start3A_322] : memref<9x64x128xf32, #tpu.memory_space<vmem>> -> memref<1x64x128xf32, #tpu.memory_space<vmem>>
      %dma_start3A_324 = tpu.memref_squeeze %dma_start3A_323 : memref<1x64x128xf32, #tpu.memory_space<vmem>> -> memref<64x128xf32, #tpu.memory_space<vmem>>
      %dma_start3A_325 = arith.constant 0 : i32
      %dma_start3A_326 = tpu.memref_slice %arg4[%dma_start3A_325, %multiple_of3A_168] : memref<64x100000xf32, #tpu.memory_space<hbm>> -> memref<64x128xf32, #tpu.memory_space<hbm>>
      %dma_start3A_327 = arith.constant 0 : i32
      %dma_start3A_328 = arith.constant 0 : i32
      %dma_start3A_329 = tpu.memref_slice %arg7[%dma_start3A_320, %dma_start3A_327, %dma_start3A_328] : memref<9x64x128xf32, #tpu.memory_space<vmem>> -> memref<1x64x128xf32, #tpu.memory_space<vmem>>
      %dma_start3A_330 = tpu.memref_squeeze %dma_start3A_329 : memref<1x64x128xf32, #tpu.memory_space<vmem>> -> memref<64x128xf32, #tpu.memory_space<vmem>>
      %dma_start3A_331 = arith.constant 0 : i32
      %dma_start3A_332 = tpu.memref_slice %arg4[%dma_start3A_331, %multiple_of3A_168] : memref<64x100000xf32, #tpu.memory_space<hbm>> -> memref<64x128xf32, #tpu.memory_space<hbm>>
      tpu.enqueue_dma source(%dma_start3A_332 : memref<64x128xf32, #tpu.memory_space<hbm>>) target(%dma_start3A_330 : memref<64x128xf32, #tpu.memory_space<vmem>>) target_semaphore(%arg9 : memref<!tpu.dma_semaphore, #tpu.memory_space<semaphore_mem>>)
      %dma_start3A_333 = arith.constant 6 : i32
      %dma_start3A_334 = arith.constant 0 : i32
      %dma_start3A_335 = arith.constant 0 : i32
      %dma_start3A_336 = tpu.memref_slice %arg7[%dma_start3A_333, %dma_start3A_334, %dma_start3A_335] : memref<9x64x128xf32, #tpu.memory_space<vmem>> -> memref<1x64x128xf32, #tpu.memory_space<vmem>>
      %dma_start3A_337 = tpu.memref_squeeze %dma_start3A_336 : memref<1x64x128xf32, #tpu.memory_space<vmem>> -> memref<64x128xf32, #tpu.memory_space<vmem>>
      %dma_start3A_338 = arith.constant 0 : i32
      %dma_start3A_339 = tpu.memref_slice %arg4[%dma_start3A_338, %multiple_of3A_197] : memref<64x100000xf32, #tpu.memory_space<hbm>> -> memref<64x128xf32, #tpu.memory_space<hbm>>
      %dma_start3A_340 = arith.constant 0 : i32
      %dma_start3A_341 = arith.constant 0 : i32
      %dma_start3A_342 = tpu.memref_slice %arg7[%dma_start3A_333, %dma_start3A_340, %dma_start3A_341] : memref<9x64x128xf32, #tpu.memory_space<vmem>> -> memref<1x64x128xf32, #tpu.memory_space<vmem>>
      %dma_start3A_343 = tpu.memref_squeeze %dma_start3A_342 : memref<1x64x128xf32, #tpu.memory_space<vmem>> -> memref<64x128xf32, #tpu.memory_space<vmem>>
      %dma_start3A_344 = arith.constant 0 : i32
      %dma_start3A_345 = tpu.memref_slice %arg4[%dma_start3A_344, %multiple_of3A_197] : memref<64x100000xf32, #tpu.memory_space<hbm>> -> memref<64x128xf32, #tpu.memory_space<hbm>>
      tpu.enqueue_dma source(%dma_start3A_345 : memref<64x128xf32, #tpu.memory_space<hbm>>) target(%dma_start3A_343 : memref<64x128xf32, #tpu.memory_space<vmem>>) target_semaphore(%arg9 : memref<!tpu.dma_semaphore, #tpu.memory_space<semaphore_mem>>)
      %dma_start3A_346 = arith.constant 7 : i32
      %dma_start3A_347 = arith.constant 0 : i32
      %dma_start3A_348 = arith.constant 0 : i32
      %dma_start3A_349 = tpu.memref_slice %arg7[%dma_start3A_346, %dma_start3A_347, %dma_start3A_348] : memref<9x64x128xf32, #tpu.memory_space<vmem>> -> memref<1x64x128xf32, #tpu.memory_space<vmem>>
      %dma_start3A_350 = tpu.memref_squeeze %dma_start3A_349 : memref<1x64x128xf32, #tpu.memory_space<vmem>> -> memref<64x128xf32, #tpu.memory_space<vmem>>
      %dma_start3A_351 = arith.constant 0 : i32
      %dma_start3A_352 = tpu.memref_slice %arg4[%dma_start3A_351, %multiple_of3A_226] : memref<64x100000xf32, #tpu.memory_space<hbm>> -> memref<64x128xf32, #tpu.memory_space<hbm>>
      %dma_start3A_353 = arith.constant 0 : i32
      %dma_start3A_354 = arith.constant 0 : i32
      %dma_start3A_355 = tpu.memref_slice %arg7[%dma_start3A_346, %dma_start3A_353, %dma_start3A_354] : memref<9x64x128xf32, #tpu.memory_space<vmem>> -> memref<1x64x128xf32, #tpu.memory_space<vmem>>
      %dma_start3A_356 = tpu.memref_squeeze %dma_start3A_355 : memref<1x64x128xf32, #tpu.memory_space<vmem>> -> memref<64x128xf32, #tpu.memory_space<vmem>>
      %dma_start3A_357 = arith.constant 0 : i32
      %dma_start3A_358 = tpu.memref_slice %arg4[%dma_start3A_357, %multiple_of3A_226] : memref<64x100000xf32, #tpu.memory_space<hbm>> -> memref<64x128xf32, #tpu.memory_space<hbm>>
      tpu.enqueue_dma source(%dma_start3A_358 : memref<64x128xf32, #tpu.memory_space<hbm>>) target(%dma_start3A_356 : memref<64x128xf32, #tpu.memory_space<vmem>>) target_semaphore(%arg9 : memref<!tpu.dma_semaphore, #tpu.memory_space<semaphore_mem>>)
      %dma_start3A_359 = arith.constant 8 : i32
      %dma_start3A_360 = arith.constant 0 : i32
      %dma_start3A_361 = arith.constant 0 : i32
      %dma_start3A_362 = tpu.memref_slice %arg7[%dma_start3A_359, %dma_start3A_360, %dma_start3A_361] : memref<9x64x128xf32, #tpu.memory_space<vmem>> -> memref<1x64x128xf32, #tpu.memory_space<vmem>>
      %dma_start3A_363 = tpu.memref_squeeze %dma_start3A_362 : memref<1x64x128xf32, #tpu.memory_space<vmem>> -> memref<64x128xf32, #tpu.memory_space<vmem>>
      %dma_start3A_364 = arith.constant 0 : i32
      %dma_start3A_365 = tpu.memref_slice %arg4[%dma_start3A_364, %multiple_of3A_255] : memref<64x100000xf32, #tpu.memory_space<hbm>> -> memref<64x128xf32, #tpu.memory_space<hbm>>
      %dma_start3A_366 = arith.constant 0 : i32
      %dma_start3A_367 = arith.constant 0 : i32
      %dma_start3A_368 = tpu.memref_slice %arg7[%dma_start3A_359, %dma_start3A_366, %dma_start3A_367] : memref<9x64x128xf32, #tpu.memory_space<vmem>> -> memref<1x64x128xf32, #tpu.memory_space<vmem>>
      %dma_start3A_369 = tpu.memref_squeeze %dma_start3A_368 : memref<1x64x128xf32, #tpu.memory_space<vmem>> -> memref<64x128xf32, #tpu.memory_space<vmem>>
      %dma_start3A_370 = arith.constant 0 : i32
      %dma_start3A_371 = tpu.memref_slice %arg4[%dma_start3A_370, %multiple_of3A_255] : memref<64x100000xf32, #tpu.memory_space<hbm>> -> memref<64x128xf32, #tpu.memory_space<hbm>>
      tpu.enqueue_dma source(%dma_start3A_371 : memref<64x128xf32, #tpu.memory_space<hbm>>) target(%dma_start3A_369 : memref<64x128xf32, #tpu.memory_space<vmem>>) target_semaphore(%arg9 : memref<!tpu.dma_semaphore, #tpu.memory_space<semaphore_mem>>)
      %dma_wait3A = arith.constant 0 : i32
      %dma_wait3A_372 = arith.constant 0 : i32
      %dma_wait3A_373 = arith.constant 0 : i32
      %dma_wait3A_374 = tpu.memref_slice %arg7[%dma_wait3A, %dma_wait3A_372, %dma_wait3A_373] : memref<9x64x128xf32, #tpu.memory_space<vmem>> -> memref<1x64x128xf32, #tpu.memory_space<vmem>>
      %dma_wait3A_375 = tpu.memref_squeeze %dma_wait3A_374 : memref<1x64x128xf32, #tpu.memory_space<vmem>> -> memref<64x128xf32, #tpu.memory_space<vmem>>
      %dma_wait3A_376 = arith.constant 0 : i32
      %dma_wait3A_377 = tpu.memref_slice %arg4[%dma_wait3A_376, %multiple_of3A] : memref<64x100000xf32, #tpu.memory_space<hbm>> -> memref<64x128xf32, #tpu.memory_space<hbm>>
      %dma_wait3A_378 = arith.constant 0 : i32
      %dma_wait3A_379 = arith.constant 0 : i32
      %dma_wait3A_380 = tpu.memref_slice %arg7[%dma_wait3A, %dma_wait3A_378, %dma_wait3A_379] : memref<9x64x128xf32, #tpu.memory_space<vmem>> -> memref<1x64x128xf32, #tpu.memory_space<vmem>>
      %dma_wait3A_381 = tpu.memref_squeeze %dma_wait3A_380 : memref<1x64x128xf32, #tpu.memory_space<vmem>> -> memref<64x128xf32, #tpu.memory_space<vmem>>
      %dma_wait3A_382 = arith.constant 0 : i32
      %dma_wait3A_383 = tpu.memref_slice %arg4[%dma_wait3A_382, %multiple_of3A] : memref<64x100000xf32, #tpu.memory_space<hbm>> -> memref<64x128xf32, #tpu.memory_space<hbm>>
      tpu.wait_dma2 semaphore(%arg9 : memref<!tpu.dma_semaphore, #tpu.memory_space<semaphore_mem>>) src(%dma_wait3A_383 : memref<64x128xf32, #tpu.memory_space<hbm>>) dst(%dma_wait3A_381 : memref<64x128xf32, #tpu.memory_space<vmem>>)
      %dma_wait3A_384 = arith.constant 1 : i32
      %dma_wait3A_385 = arith.constant 0 : i32
      %dma_wait3A_386 = arith.constant 0 : i32
      %dma_wait3A_387 = tpu.memref_slice %arg7[%dma_wait3A_384, %dma_wait3A_385, %dma_wait3A_386] : memref<9x64x128xf32, #tpu.memory_space<vmem>> -> memref<1x64x128xf32, #tpu.memory_space<vmem>>
      %dma_wait3A_388 = tpu.memref_squeeze %dma_wait3A_387 : memref<1x64x128xf32, #tpu.memory_space<vmem>> -> memref<64x128xf32, #tpu.memory_space<vmem>>
      %dma_wait3A_389 = arith.constant 0 : i32
      %dma_wait3A_390 = tpu.memref_slice %arg4[%dma_wait3A_389, %multiple_of3A_52] : memref<64x100000xf32, #tpu.memory_space<hbm>> -> memref<64x128xf32, #tpu.memory_space<hbm>>
      %dma_wait3A_391 = arith.constant 0 : i32
      %dma_wait3A_392 = arith.constant 0 : i32
      %dma_wait3A_393 = tpu.memref_slice %arg7[%dma_wait3A_384, %dma_wait3A_391, %dma_wait3A_392] : memref<9x64x128xf32, #tpu.memory_space<vmem>> -> memref<1x64x128xf32, #tpu.memory_space<vmem>>
      %dma_wait3A_394 = tpu.memref_squeeze %dma_wait3A_393 : memref<1x64x128xf32, #tpu.memory_space<vmem>> -> memref<64x128xf32, #tpu.memory_space<vmem>>
      %dma_wait3A_395 = arith.constant 0 : i32
      %dma_wait3A_396 = tpu.memref_slice %arg4[%dma_wait3A_395, %multiple_of3A_52] : memref<64x100000xf32, #tpu.memory_space<hbm>> -> memref<64x128xf32, #tpu.memory_space<hbm>>
      tpu.wait_dma2 semaphore(%arg9 : memref<!tpu.dma_semaphore, #tpu.memory_space<semaphore_mem>>) src(%dma_wait3A_396 : memref<64x128xf32, #tpu.memory_space<hbm>>) dst(%dma_wait3A_394 : memref<64x128xf32, #tpu.memory_space<vmem>>)
      %dma_wait3A_397 = arith.constant 2 : i32
      %dma_wait3A_398 = arith.constant 0 : i32
      %dma_wait3A_399 = arith.constant 0 : i32
      %dma_wait3A_400 = tpu.memref_slice %arg7[%dma_wait3A_397, %dma_wait3A_398, %dma_wait3A_399] : memref<9x64x128xf32, #tpu.memory_space<vmem>> -> memref<1x64x128xf32, #tpu.memory_space<vmem>>
      %dma_wait3A_401 = tpu.memref_squeeze %dma_wait3A_400 : memref<1x64x128xf32, #tpu.memory_space<vmem>> -> memref<64x128xf32, #tpu.memory_space<vmem>>
      %dma_wait3A_402 = arith.constant 0 : i32
      %dma_wait3A_403 = tpu.memref_slice %arg4[%dma_wait3A_402, %multiple_of3A_81] : memref<64x100000xf32, #tpu.memory_space<hbm>> -> memref<64x128xf32, #tpu.memory_space<hbm>>
      %dma_wait3A_404 = arith.constant 0 : i32
      %dma_wait3A_405 = arith.constant 0 : i32
      %dma_wait3A_406 = tpu.memref_slice %arg7[%dma_wait3A_397, %dma_wait3A_404, %dma_wait3A_405] : memref<9x64x128xf32, #tpu.memory_space<vmem>> -> memref<1x64x128xf32, #tpu.memory_space<vmem>>
      %dma_wait3A_407 = tpu.memref_squeeze %dma_wait3A_406 : memref<1x64x128xf32, #tpu.memory_space<vmem>> -> memref<64x128xf32, #tpu.memory_space<vmem>>
      %dma_wait3A_408 = arith.constant 0 : i32
      %dma_wait3A_409 = tpu.memref_slice %arg4[%dma_wait3A_408, %multiple_of3A_81] : memref<64x100000xf32, #tpu.memory_space<hbm>> -> memref<64x128xf32, #tpu.memory_space<hbm>>
      tpu.wait_dma2 semaphore(%arg9 : memref<!tpu.dma_semaphore, #tpu.memory_space<semaphore_mem>>) src(%dma_wait3A_409 : memref<64x128xf32, #tpu.memory_space<hbm>>) dst(%dma_wait3A_407 : memref<64x128xf32, #tpu.memory_space<vmem>>)
      %dma_wait3A_410 = arith.constant 3 : i32
      %dma_wait3A_411 = arith.constant 0 : i32
      %dma_wait3A_412 = arith.constant 0 : i32
      %dma_wait3A_413 = tpu.memref_slice %arg7[%dma_wait3A_410, %dma_wait3A_411, %dma_wait3A_412] : memref<9x64x128xf32, #tpu.memory_space<vmem>> -> memref<1x64x128xf32, #tpu.memory_space<vmem>>
      %dma_wait3A_414 = tpu.memref_squeeze %dma_wait3A_413 : memref<1x64x128xf32, #tpu.memory_space<vmem>> -> memref<64x128xf32, #tpu.memory_space<vmem>>
      %dma_wait3A_415 = arith.constant 0 : i32
      %dma_wait3A_416 = tpu.memref_slice %arg4[%dma_wait3A_415, %multiple_of3A_110] : memref<64x100000xf32, #tpu.memory_space<hbm>> -> memref<64x128xf32, #tpu.memory_space<hbm>>
      %dma_wait3A_417 = arith.constant 0 : i32
      %dma_wait3A_418 = arith.constant 0 : i32
      %dma_wait3A_419 = tpu.memref_slice %arg7[%dma_wait3A_410, %dma_wait3A_417, %dma_wait3A_418] : memref<9x64x128xf32, #tpu.memory_space<vmem>> -> memref<1x64x128xf32, #tpu.memory_space<vmem>>
      %dma_wait3A_420 = tpu.memref_squeeze %dma_wait3A_419 : memref<1x64x128xf32, #tpu.memory_space<vmem>> -> memref<64x128xf32, #tpu.memory_space<vmem>>
      %dma_wait3A_421 = arith.constant 0 : i32
      %dma_wait3A_422 = tpu.memref_slice %arg4[%dma_wait3A_421, %multiple_of3A_110] : memref<64x100000xf32, #tpu.memory_space<hbm>> -> memref<64x128xf32, #tpu.memory_space<hbm>>
      tpu.wait_dma2 semaphore(%arg9 : memref<!tpu.dma_semaphore, #tpu.memory_space<semaphore_mem>>) src(%dma_wait3A_422 : memref<64x128xf32, #tpu.memory_space<hbm>>) dst(%dma_wait3A_420 : memref<64x128xf32, #tpu.memory_space<vmem>>)
      %dma_wait3A_423 = arith.constant 4 : i32
      %dma_wait3A_424 = arith.constant 0 : i32
      %dma_wait3A_425 = arith.constant 0 : i32
      %dma_wait3A_426 = tpu.memref_slice %arg7[%dma_wait3A_423, %dma_wait3A_424, %dma_wait3A_425] : memref<9x64x128xf32, #tpu.memory_space<vmem>> -> memref<1x64x128xf32, #tpu.memory_space<vmem>>
      %dma_wait3A_427 = tpu.memref_squeeze %dma_wait3A_426 : memref<1x64x128xf32, #tpu.memory_space<vmem>> -> memref<64x128xf32, #tpu.memory_space<vmem>>
      %dma_wait3A_428 = arith.constant 0 : i32
      %dma_wait3A_429 = tpu.memref_slice %arg4[%dma_wait3A_428, %multiple_of3A_139] : memref<64x100000xf32, #tpu.memory_space<hbm>> -> memref<64x128xf32, #tpu.memory_space<hbm>>
      %dma_wait3A_430 = arith.constant 0 : i32
      %dma_wait3A_431 = arith.constant 0 : i32
      %dma_wait3A_432 = tpu.memref_slice %arg7[%dma_wait3A_423, %dma_wait3A_430, %dma_wait3A_431] : memref<9x64x128xf32, #tpu.memory_space<vmem>> -> memref<1x64x128xf32, #tpu.memory_space<vmem>>
      %dma_wait3A_433 = tpu.memref_squeeze %dma_wait3A_432 : memref<1x64x128xf32, #tpu.memory_space<vmem>> -> memref<64x128xf32, #tpu.memory_space<vmem>>
      %dma_wait3A_434 = arith.constant 0 : i32
      %dma_wait3A_435 = tpu.memref_slice %arg4[%dma_wait3A_434, %multiple_of3A_139] : memref<64x100000xf32, #tpu.memory_space<hbm>> -> memref<64x128xf32, #tpu.memory_space<hbm>>
      tpu.wait_dma2 semaphore(%arg9 : memref<!tpu.dma_semaphore, #tpu.memory_space<semaphore_mem>>) src(%dma_wait3A_435 : memref<64x128xf32, #tpu.memory_space<hbm>>) dst(%dma_wait3A_433 : memref<64x128xf32, #tpu.memory_space<vmem>>)
      %dma_wait3A_436 = arith.constant 5 : i32
      %dma_wait3A_437 = arith.constant 0 : i32
      %dma_wait3A_438 = arith.constant 0 : i32
      %dma_wait3A_439 = tpu.memref_slice %arg7[%dma_wait3A_436, %dma_wait3A_437, %dma_wait3A_438] : memref<9x64x128xf32, #tpu.memory_space<vmem>> -> memref<1x64x128xf32, #tpu.memory_space<vmem>>
      %dma_wait3A_440 = tpu.memref_squeeze %dma_wait3A_439 : memref<1x64x128xf32, #tpu.memory_space<vmem>> -> memref<64x128xf32, #tpu.memory_space<vmem>>
      %dma_wait3A_441 = arith.constant 0 : i32
      %dma_wait3A_442 = tpu.memref_slice %arg4[%dma_wait3A_441, %multiple_of3A_168] : memref<64x100000xf32, #tpu.memory_space<hbm>> -> memref<64x128xf32, #tpu.memory_space<hbm>>
      %dma_wait3A_443 = arith.constant 0 : i32
      %dma_wait3A_444 = arith.constant 0 : i32
      %dma_wait3A_445 = tpu.memref_slice %arg7[%dma_wait3A_436, %dma_wait3A_443, %dma_wait3A_444] : memref<9x64x128xf32, #tpu.memory_space<vmem>> -> memref<1x64x128xf32, #tpu.memory_space<vmem>>
      %dma_wait3A_446 = tpu.memref_squeeze %dma_wait3A_445 : memref<1x64x128xf32, #tpu.memory_space<vmem>> -> memref<64x128xf32, #tpu.memory_space<vmem>>
      %dma_wait3A_447 = arith.constant 0 : i32
      %dma_wait3A_448 = tpu.memref_slice %arg4[%dma_wait3A_447, %multiple_of3A_168] : memref<64x100000xf32, #tpu.memory_space<hbm>> -> memref<64x128xf32, #tpu.memory_space<hbm>>
      tpu.wait_dma2 semaphore(%arg9 : memref<!tpu.dma_semaphore, #tpu.memory_space<semaphore_mem>>) src(%dma_wait3A_448 : memref<64x128xf32, #tpu.memory_space<hbm>>) dst(%dma_wait3A_446 : memref<64x128xf32, #tpu.memory_space<vmem>>)
      %dma_wait3A_449 = arith.constant 6 : i32
      %dma_wait3A_450 = arith.constant 0 : i32
      %dma_wait3A_451 = arith.constant 0 : i32
      %dma_wait3A_452 = tpu.memref_slice %arg7[%dma_wait3A_449, %dma_wait3A_450, %dma_wait3A_451] : memref<9x64x128xf32, #tpu.memory_space<vmem>> -> memref<1x64x128xf32, #tpu.memory_space<vmem>>
      %dma_wait3A_453 = tpu.memref_squeeze %dma_wait3A_452 : memref<1x64x128xf32, #tpu.memory_space<vmem>> -> memref<64x128xf32, #tpu.memory_space<vmem>>
      %dma_wait3A_454 = arith.constant 0 : i32
      %dma_wait3A_455 = tpu.memref_slice %arg4[%dma_wait3A_454, %multiple_of3A_197] : memref<64x100000xf32, #tpu.memory_space<hbm>> -> memref<64x128xf32, #tpu.memory_space<hbm>>
      %dma_wait3A_456 = arith.constant 0 : i32
      %dma_wait3A_457 = arith.constant 0 : i32
      %dma_wait3A_458 = tpu.memref_slice %arg7[%dma_wait3A_449, %dma_wait3A_456, %dma_wait3A_457] : memref<9x64x128xf32, #tpu.memory_space<vmem>> -> memref<1x64x128xf32, #tpu.memory_space<vmem>>
      %dma_wait3A_459 = tpu.memref_squeeze %dma_wait3A_458 : memref<1x64x128xf32, #tpu.memory_space<vmem>> -> memref<64x128xf32, #tpu.memory_space<vmem>>
      %dma_wait3A_460 = arith.constant 0 : i32
      %dma_wait3A_461 = tpu.memref_slice %arg4[%dma_wait3A_460, %multiple_of3A_197] : memref<64x100000xf32, #tpu.memory_space<hbm>> -> memref<64x128xf32, #tpu.memory_space<hbm>>
      tpu.wait_dma2 semaphore(%arg9 : memref<!tpu.dma_semaphore, #tpu.memory_space<semaphore_mem>>) src(%dma_wait3A_461 : memref<64x128xf32, #tpu.memory_space<hbm>>) dst(%dma_wait3A_459 : memref<64x128xf32, #tpu.memory_space<vmem>>)
      %dma_wait3A_462 = arith.constant 7 : i32
      %dma_wait3A_463 = arith.constant 0 : i32
      %dma_wait3A_464 = arith.constant 0 : i32
      %dma_wait3A_465 = tpu.memref_slice %arg7[%dma_wait3A_462, %dma_wait3A_463, %dma_wait3A_464] : memref<9x64x128xf32, #tpu.memory_space<vmem>> -> memref<1x64x128xf32, #tpu.memory_space<vmem>>
      %dma_wait3A_466 = tpu.memref_squeeze %dma_wait3A_465 : memref<1x64x128xf32, #tpu.memory_space<vmem>> -> memref<64x128xf32, #tpu.memory_space<vmem>>
      %dma_wait3A_467 = arith.constant 0 : i32
      %dma_wait3A_468 = tpu.memref_slice %arg4[%dma_wait3A_467, %multiple_of3A_226] : memref<64x100000xf32, #tpu.memory_space<hbm>> -> memref<64x128xf32, #tpu.memory_space<hbm>>
      %dma_wait3A_469 = arith.constant 0 : i32
      %dma_wait3A_470 = arith.constant 0 : i32
      %dma_wait3A_471 = tpu.memref_slice %arg7[%dma_wait3A_462, %dma_wait3A_469, %dma_wait3A_470] : memref<9x64x128xf32, #tpu.memory_space<vmem>> -> memref<1x64x128xf32, #tpu.memory_space<vmem>>
      %dma_wait3A_472 = tpu.memref_squeeze %dma_wait3A_471 : memref<1x64x128xf32, #tpu.memory_space<vmem>> -> memref<64x128xf32, #tpu.memory_space<vmem>>
      %dma_wait3A_473 = arith.constant 0 : i32
      %dma_wait3A_474 = tpu.memref_slice %arg4[%dma_wait3A_473, %multiple_of3A_226] : memref<64x100000xf32, #tpu.memory_space<hbm>> -> memref<64x128xf32, #tpu.memory_space<hbm>>
      tpu.wait_dma2 semaphore(%arg9 : memref<!tpu.dma_semaphore, #tpu.memory_space<semaphore_mem>>) src(%dma_wait3A_474 : memref<64x128xf32, #tpu.memory_space<hbm>>) dst(%dma_wait3A_472 : memref<64x128xf32, #tpu.memory_space<vmem>>)
      %dma_wait3A_475 = arith.constant 8 : i32
      %dma_wait3A_476 = arith.constant 0 : i32
      %dma_wait3A_477 = arith.constant 0 : i32
      %dma_wait3A_478 = tpu.memref_slice %arg7[%dma_wait3A_475, %dma_wait3A_476, %dma_wait3A_477] : memref<9x64x128xf32, #tpu.memory_space<vmem>> -> memref<1x64x128xf32, #tpu.memory_space<vmem>>
      %dma_wait3A_479 = tpu.memref_squeeze %dma_wait3A_478 : memref<1x64x128xf32, #tpu.memory_space<vmem>> -> memref<64x128xf32, #tpu.memory_space<vmem>>
      %dma_wait3A_480 = arith.constant 0 : i32
      %dma_wait3A_481 = tpu.memref_slice %arg4[%dma_wait3A_480, %multiple_of3A_255] : memref<64x100000xf32, #tpu.memory_space<hbm>> -> memref<64x128xf32, #tpu.memory_space<hbm>>
      %dma_wait3A_482 = arith.constant 0 : i32
      %dma_wait3A_483 = arith.constant 0 : i32
      %dma_wait3A_484 = tpu.memref_slice %arg7[%dma_wait3A_475, %dma_wait3A_482, %dma_wait3A_483] : memref<9x64x128xf32, #tpu.memory_space<vmem>> -> memref<1x64x128xf32, #tpu.memory_space<vmem>>
      %dma_wait3A_485 = tpu.memref_squeeze %dma_wait3A_484 : memref<1x64x128xf32, #tpu.memory_space<vmem>> -> memref<64x128xf32, #tpu.memory_space<vmem>>
      %dma_wait3A_486 = arith.constant 0 : i32
      %dma_wait3A_487 = tpu.memref_slice %arg4[%dma_wait3A_486, %multiple_of3A_255] : memref<64x100000xf32, #tpu.memory_space<hbm>> -> memref<64x128xf32, #tpu.memory_space<hbm>>
      tpu.wait_dma2 semaphore(%arg9 : memref<!tpu.dma_semaphore, #tpu.memory_space<semaphore_mem>>) src(%dma_wait3A_487 : memref<64x128xf32, #tpu.memory_space<hbm>>) dst(%dma_wait3A_485 : memref<64x128xf32, #tpu.memory_space<vmem>>)
      %iota3A = tpu.iota {dimensions = array<i32: 0>} : vector<16xi32>
      %jit3A_488 = arith.constant 128 : i32
      %eq3A = arith.constant 0 : i32
      %eq3A_489 = arith.cmpi eq, %jit3A_488, %eq3A : i32
      %jit3A_490 = arith.constant 1 : i32
      %select_n3A_491 = arith.select %eq3A_489, %jit3A_490, %jit3A_488 : i32
      %rem3A_492 = vector.broadcast %select_n3A_491 : i32 to vector<16xi32>
      %rem3A_493 = arith.remsi %get3A_5, %rem3A_492 : vector<16xi32>
      %ne3A_494 = arith.constant 0 : i32
      %ne3A_495 = vector.broadcast %ne3A_494 : i32 to vector<16xi32>
      %ne3A_496 = arith.cmpi ne, %rem3A_493, %ne3A_495 : vector<16xi32>
      %lt3A_497 = arith.constant 0 : i32
      %lt3A_498 = vector.broadcast %lt3A_497 : i32 to vector<16xi32>
      %lt3A_499 = arith.cmpi slt, %rem3A_493, %lt3A_498 : vector<16xi32>
      %lt3A_500 = arith.constant 0 : i32
      %lt3A_501 = arith.cmpi slt, %select_n3A_491, %lt3A_500 : i32
      %ne3A_502 = vector.broadcast %lt3A_501 : i1 to vector<16xi1>
      %ne3A_503 = vector.broadcast %ne3A_502 : vector<16xi1> to vector<16xi1>
      %ne3A_504 = arith.xori %lt3A_499, %ne3A_503 : vector<16xi1>
      %and3A_505 = arith.andi %ne3A_504, %ne3A_496 : vector<16xi1>
      %add3A_506 = vector.broadcast %select_n3A_491 : i32 to vector<16xi32>
      %add3A_507 = arith.addi %rem3A_493, %add3A_506 : vector<16xi32>
      %select_n3A_508 = arith.select %and3A_505, %add3A_507, %rem3A_493 : vector<16xi1>, vector<16xi32>
      %slice3A_509 = vector.extract_strided_slice %select_n3A_508 {offsets = [8], sizes = [1], strides = [1]} : vector<16xi32> to vector<1xi32>
      %squeeze3A_510 = vector.extract %slice3A_509[0] : i32 from vector<1xi32>
      %broadcast_in_dim3A = vector.broadcast %squeeze3A_510 : i32 to vector<16xi32>
      %broadcast_in_dim3A_511 = arith.constant 8 : i32
      %broadcast_in_dim3A_512 = vector.broadcast %broadcast_in_dim3A_511 : i32 to vector<16xi32>
      %add3A_513 = arith.constant 0 : i32
      %add3A_514 = vector.broadcast %add3A_513 : i32 to vector<16xi32>
      %add3A_515 = arith.addi %iota3A, %add3A_514 : vector<16xi32>
      %gather3A = tpu.vector_load_idx %arg7[%broadcast_in_dim3A_512, %add3A_515, %broadcast_in_dim3A] : memref<9x64x128xf32, #tpu.memory_space<vmem>>[vector<16xi32>, vector<16xi32>, vector<16xi32>], vector<16xf32>,
      %slice3A_516 = vector.extract_strided_slice %select_n3A_508 {offsets = [0], sizes = [1], strides = [1]} : vector<16xi32> to vector<1xi32>
      %squeeze3A_517 = vector.extract %slice3A_516[0] : i32 from vector<1xi32>
      %broadcast_in_dim3A_518 = vector.broadcast %squeeze3A_517 : i32 to vector<16xi32>
      %broadcast_in_dim3A_519 = arith.constant 0 : i32
      %broadcast_in_dim3A_520 = vector.broadcast %broadcast_in_dim3A_519 : i32 to vector<16xi32>
      %add3A_521 = arith.constant 0 : i32
      %add3A_522 = vector.broadcast %add3A_521 : i32 to vector<16xi32>
      %add3A_523 = arith.addi %iota3A, %add3A_522 : vector<16xi32>
      %gather3A_524 = tpu.vector_load_idx %arg7[%broadcast_in_dim3A_520, %add3A_523, %broadcast_in_dim3A_518] : memref<9x64x128xf32, #tpu.memory_space<vmem>>[vector<16xi32>, vector<16xi32>, vector<16xi32>], vector<16xf32>,
      %swap3A = arith.constant 0 : i32
      %swap3A_525 = arith.index_cast %swap3A : i32 to index
      %swap3A_526 = arith.constant 0 : index
      %swap3A_527 = tpu.vector_load %arg8[%swap3A_525, %swap3A_526] {strides = array<i32>} : memref<8x128xf32, #tpu.memory_space<vmem>>, vector<16xf32>,
      tpu.vector_store %arg8[%swap3A_525, %swap3A_526], %gather3A_524 {strides = array<i32>} : memref<8x128xf32, #tpu.memory_space<vmem>>, vector<16xf32>,
      %swap3A_528 = arith.constant 0 : i32
      %swap3A_529 = arith.index_cast %swap3A_528 : i32 to index
      %swap3A_530 = arith.constant 64 : index
      %swap3A_531 = tpu.vector_load %arg8[%swap3A_529, %swap3A_530] {strides = array<i32>} : memref<8x128xf32, #tpu.memory_space<vmem>>, vector<16xf32>,
      tpu.vector_store %arg8[%swap3A_529, %swap3A_530], %gather3A {strides = array<i32>} : memref<8x128xf32, #tpu.memory_space<vmem>>, vector<16xf32>,
      %slice3A_532 = vector.extract_strided_slice %select_n3A_508 {offsets = [1], sizes = [1], strides = [1]} : vector<16xi32> to vector<1xi32>
      %squeeze3A_533 = vector.extract %slice3A_532[0] : i32 from vector<1xi32>
      %broadcast_in_dim3A_534 = vector.broadcast %squeeze3A_533 : i32 to vector<16xi32>
      %broadcast_in_dim3A_535 = arith.constant 1 : i32
      %broadcast_in_dim3A_536 = vector.broadcast %broadcast_in_dim3A_535 : i32 to vector<16xi32>
      %add3A_537 = arith.constant 0 : i32
      %add3A_538 = vector.broadcast %add3A_537 : i32 to vector<16xi32>
      %add3A_539 = arith.addi %iota3A, %add3A_538 : vector<16xi32>
      %gather3A_540 = tpu.vector_load_idx %arg7[%broadcast_in_dim3A_536, %add3A_539, %broadcast_in_dim3A_534] : memref<9x64x128xf32, #tpu.memory_space<vmem>>[vector<16xi32>, vector<16xi32>, vector<16xi32>], vector<16xf32>,
      %swap3A_541 = arith.constant 1 : i32
      %swap3A_542 = arith.index_cast %swap3A_541 : i32 to index
      %swap3A_543 = arith.constant 0 : index
      %swap3A_544 = tpu.vector_load %arg8[%swap3A_542, %swap3A_543] {strides = array<i32>} : memref<8x128xf32, #tpu.memory_space<vmem>>, vector<16xf32>,
      tpu.vector_store %arg8[%swap3A_542, %swap3A_543], %gather3A_540 {strides = array<i32>} : memref<8x128xf32, #tpu.memory_space<vmem>>, vector<16xf32>,
      %swap3A_545 = arith.constant 1 : i32
      %swap3A_546 = arith.index_cast %swap3A_545 : i32 to index
      %swap3A_547 = arith.constant 64 : index
      %swap3A_548 = tpu.vector_load %arg8[%swap3A_546, %swap3A_547] {strides = array<i32>} : memref<8x128xf32, #tpu.memory_space<vmem>>, vector<16xf32>,
      tpu.vector_store %arg8[%swap3A_546, %swap3A_547], %gather3A {strides = array<i32>} : memref<8x128xf32, #tpu.memory_space<vmem>>, vector<16xf32>,
      %slice3A_549 = vector.extract_strided_slice %select_n3A_508 {offsets = [2], sizes = [1], strides = [1]} : vector<16xi32> to vector<1xi32>
      %squeeze3A_550 = vector.extract %slice3A_549[0] : i32 from vector<1xi32>
      %broadcast_in_dim3A_551 = vector.broadcast %squeeze3A_550 : i32 to vector<16xi32>
      %broadcast_in_dim3A_552 = arith.constant 2 : i32
      %broadcast_in_dim3A_553 = vector.broadcast %broadcast_in_dim3A_552 : i32 to vector<16xi32>
      %add3A_554 = arith.constant 0 : i32
      %add3A_555 = vector.broadcast %add3A_554 : i32 to vector<16xi32>
      %add3A_556 = arith.addi %iota3A, %add3A_555 : vector<16xi32>
      %gather3A_557 = tpu.vector_load_idx %arg7[%broadcast_in_dim3A_553, %add3A_556, %broadcast_in_dim3A_551] : memref<9x64x128xf32, #tpu.memory_space<vmem>>[vector<16xi32>, vector<16xi32>, vector<16xi32>], vector<16xf32>,
      %swap3A_558 = arith.constant 2 : i32
      %swap3A_559 = arith.index_cast %swap3A_558 : i32 to index
      %swap3A_560 = arith.constant 0 : index
      %swap3A_561 = tpu.vector_load %arg8[%swap3A_559, %swap3A_560] {strides = array<i32>} : memref<8x128xf32, #tpu.memory_space<vmem>>, vector<16xf32>,
      tpu.vector_store %arg8[%swap3A_559, %swap3A_560], %gather3A_557 {strides = array<i32>} : memref<8x128xf32, #tpu.memory_space<vmem>>, vector<16xf32>,
      %swap3A_562 = arith.constant 2 : i32
      %swap3A_563 = arith.index_cast %swap3A_562 : i32 to index
      %swap3A_564 = arith.constant 64 : index
      %swap3A_565 = tpu.vector_load %arg8[%swap3A_563, %swap3A_564] {strides = array<i32>} : memref<8x128xf32, #tpu.memory_space<vmem>>, vector<16xf32>,
      tpu.vector_store %arg8[%swap3A_563, %swap3A_564], %gather3A {strides = array<i32>} : memref<8x128xf32, #tpu.memory_space<vmem>>, vector<16xf32>,
      %slice3A_566 = vector.extract_strided_slice %select_n3A_508 {offsets = [3], sizes = [1], strides = [1]} : vector<16xi32> to vector<1xi32>
      %squeeze3A_567 = vector.extract %slice3A_566[0] : i32 from vector<1xi32>
      %broadcast_in_dim3A_568 = vector.broadcast %squeeze3A_567 : i32 to vector<16xi32>
      %broadcast_in_dim3A_569 = arith.constant 3 : i32
      %broadcast_in_dim3A_570 = vector.broadcast %broadcast_in_dim3A_569 : i32 to vector<16xi32>
      %add3A_571 = arith.constant 0 : i32
      %add3A_572 = vector.broadcast %add3A_571 : i32 to vector<16xi32>
      %add3A_573 = arith.addi %iota3A, %add3A_572 : vector<16xi32>
      %gather3A_574 = tpu.vector_load_idx %arg7[%broadcast_in_dim3A_570, %add3A_573, %broadcast_in_dim3A_568] : memref<9x64x128xf32, #tpu.memory_space<vmem>>[vector<16xi32>, vector<16xi32>, vector<16xi32>], vector<16xf32>,
      %swap3A_575 = arith.constant 3 : i32
      %swap3A_576 = arith.index_cast %swap3A_575 : i32 to index
      %swap3A_577 = arith.constant 0 : index
      %swap3A_578 = tpu.vector_load %arg8[%swap3A_576, %swap3A_577] {strides = array<i32>} : memref<8x128xf32, #tpu.memory_space<vmem>>, vector<16xf32>,
      tpu.vector_store %arg8[%swap3A_576, %swap3A_577], %gather3A_574 {strides = array<i32>} : memref<8x128xf32, #tpu.memory_space<vmem>>, vector<16xf32>,
      %swap3A_579 = arith.constant 3 : i32
      %swap3A_580 = arith.index_cast %swap3A_579 : i32 to index
      %swap3A_581 = arith.constant 64 : index
      %swap3A_582 = tpu.vector_load %arg8[%swap3A_580, %swap3A_581] {strides = array<i32>} : memref<8x128xf32, #tpu.memory_space<vmem>>, vector<16xf32>,
      tpu.vector_store %arg8[%swap3A_580, %swap3A_581], %gather3A {strides = array<i32>} : memref<8x128xf32, #tpu.memory_space<vmem>>, vector<16xf32>,
      %slice3A_583 = vector.extract_strided_slice %select_n3A_508 {offsets = [4], sizes = [1], strides = [1]} : vector<16xi32> to vector<1xi32>
      %squeeze3A_584 = vector.extract %slice3A_583[0] : i32 from vector<1xi32>
      %broadcast_in_dim3A_585 = vector.broadcast %squeeze3A_584 : i32 to vector<16xi32>
      %broadcast_in_dim3A_586 = arith.constant 4 : i32
      %broadcast_in_dim3A_587 = vector.broadcast %broadcast_in_dim3A_586 : i32 to vector<16xi32>
      %add3A_588 = arith.constant 0 : i32
      %add3A_589 = vector.broadcast %add3A_588 : i32 to vector<16xi32>
      %add3A_590 = arith.addi %iota3A, %add3A_589 : vector<16xi32>
      %gather3A_591 = tpu.vector_load_idx %arg7[%broadcast_in_dim3A_587, %add3A_590, %broadcast_in_dim3A_585] : memref<9x64x128xf32, #tpu.memory_space<vmem>>[vector<16xi32>, vector<16xi32>, vector<16xi32>], vector<16xf32>,
      %swap3A_592 = arith.constant 4 : i32
      %swap3A_593 = arith.index_cast %swap3A_592 : i32 to index
      %swap3A_594 = arith.constant 0 : index
      %swap3A_595 = tpu.vector_load %arg8[%swap3A_593, %swap3A_594] {strides = array<i32>} : memref<8x128xf32, #tpu.memory_space<vmem>>, vector<16xf32>,
      tpu.vector_store %arg8[%swap3A_593, %swap3A_594], %gather3A_591 {strides = array<i32>} : memref<8x128xf32, #tpu.memory_space<vmem>>, vector<16xf32>,
      %swap3A_596 = arith.constant 4 : i32
      %swap3A_597 = arith.index_cast %swap3A_596 : i32 to index
      %swap3A_598 = arith.constant 64 : index
      %swap3A_599 = tpu.vector_load %arg8[%swap3A_597, %swap3A_598] {strides = array<i32>} : memref<8x128xf32, #tpu.memory_space<vmem>>, vector<16xf32>,
      tpu.vector_store %arg8[%swap3A_597, %swap3A_598], %gather3A {strides = array<i32>} : memref<8x128xf32, #tpu.memory_space<vmem>>, vector<16xf32>,
      %slice3A_600 = vector.extract_strided_slice %select_n3A_508 {offsets = [5], sizes = [1], strides = [1]} : vector<16xi32> to vector<1xi32>
      %squeeze3A_601 = vector.extract %slice3A_600[0] : i32 from vector<1xi32>
      %broadcast_in_dim3A_602 = vector.broadcast %squeeze3A_601 : i32 to vector<16xi32>
      %broadcast_in_dim3A_603 = arith.constant 5 : i32
      %broadcast_in_dim3A_604 = vector.broadcast %broadcast_in_dim3A_603 : i32 to vector<16xi32>
      %add3A_605 = arith.constant 0 : i32
      %add3A_606 = vector.broadcast %add3A_605 : i32 to vector<16xi32>
      %add3A_607 = arith.addi %iota3A, %add3A_606 : vector<16xi32>
      %gather3A_608 = tpu.vector_load_idx %arg7[%broadcast_in_dim3A_604, %add3A_607, %broadcast_in_dim3A_602] : memref<9x64x128xf32, #tpu.memory_space<vmem>>[vector<16xi32>, vector<16xi32>, vector<16xi32>], vector<16xf32>,
      %swap3A_609 = arith.constant 5 : i32
      %swap3A_610 = arith.index_cast %swap3A_609 : i32 to index
      %swap3A_611 = arith.constant 0 : index
      %swap3A_612 = tpu.vector_load %arg8[%swap3A_610, %swap3A_611] {strides = array<i32>} : memref<8x128xf32, #tpu.memory_space<vmem>>, vector<16xf32>,
      tpu.vector_store %arg8[%swap3A_610, %swap3A_611], %gather3A_608 {strides = array<i32>} : memref<8x128xf32, #tpu.memory_space<vmem>>, vector<16xf32>,
      %swap3A_613 = arith.constant 5 : i32
      %swap3A_614 = arith.index_cast %swap3A_613 : i32 to index
      %swap3A_615 = arith.constant 64 : index
      %swap3A_616 = tpu.vector_load %arg8[%swap3A_614, %swap3A_615] {strides = array<i32>} : memref<8x128xf32, #tpu.memory_space<vmem>>, vector<16xf32>,
      tpu.vector_store %arg8[%swap3A_614, %swap3A_615], %gather3A {strides = array<i32>} : memref<8x128xf32, #tpu.memory_space<vmem>>, vector<16xf32>,
      %slice3A_617 = vector.extract_strided_slice %select_n3A_508 {offsets = [6], sizes = [1], strides = [1]} : vector<16xi32> to vector<1xi32>
      %squeeze3A_618 = vector.extract %slice3A_617[0] : i32 from vector<1xi32>
      %broadcast_in_dim3A_619 = vector.broadcast %squeeze3A_618 : i32 to vector<16xi32>
      %broadcast_in_dim3A_620 = arith.constant 6 : i32
      %broadcast_in_dim3A_621 = vector.broadcast %broadcast_in_dim3A_620 : i32 to vector<16xi32>
      %add3A_622 = arith.constant 0 : i32
      %add3A_623 = vector.broadcast %add3A_622 : i32 to vector<16xi32>
      %add3A_624 = arith.addi %iota3A, %add3A_623 : vector<16xi32>
      %gather3A_625 = tpu.vector_load_idx %arg7[%broadcast_in_dim3A_621, %add3A_624, %broadcast_in_dim3A_619] : memref<9x64x128xf32, #tpu.memory_space<vmem>>[vector<16xi32>, vector<16xi32>, vector<16xi32>], vector<16xf32>,
      %swap3A_626 = arith.constant 6 : i32
      %swap3A_627 = arith.index_cast %swap3A_626 : i32 to index
      %swap3A_628 = arith.constant 0 : index
      %swap3A_629 = tpu.vector_load %arg8[%swap3A_627, %swap3A_628] {strides = array<i32>} : memref<8x128xf32, #tpu.memory_space<vmem>>, vector<16xf32>,
      tpu.vector_store %arg8[%swap3A_627, %swap3A_628], %gather3A_625 {strides = array<i32>} : memref<8x128xf32, #tpu.memory_space<vmem>>, vector<16xf32>,
      %swap3A_630 = arith.constant 6 : i32
      %swap3A_631 = arith.index_cast %swap3A_630 : i32 to index
      %swap3A_632 = arith.constant 64 : index
      %swap3A_633 = tpu.vector_load %arg8[%swap3A_631, %swap3A_632] {strides = array<i32>} : memref<8x128xf32, #tpu.memory_space<vmem>>, vector<16xf32>,
      tpu.vector_store %arg8[%swap3A_631, %swap3A_632], %gather3A {strides = array<i32>} : memref<8x128xf32, #tpu.memory_space<vmem>>, vector<16xf32>,
      %slice3A_634 = vector.extract_strided_slice %select_n3A_508 {offsets = [7], sizes = [1], strides = [1]} : vector<16xi32> to vector<1xi32>
      %squeeze3A_635 = vector.extract %slice3A_634[0] : i32 from vector<1xi32>
      %broadcast_in_dim3A_636 = vector.broadcast %squeeze3A_635 : i32 to vector<16xi32>
      %broadcast_in_dim3A_637 = arith.constant 7 : i32
      %broadcast_in_dim3A_638 = vector.broadcast %broadcast_in_dim3A_637 : i32 to vector<16xi32>
      %add3A_639 = arith.constant 0 : i32
      %add3A_640 = vector.broadcast %add3A_639 : i32 to vector<16xi32>
      %add3A_641 = arith.addi %iota3A, %add3A_640 : vector<16xi32>
      %gather3A_642 = tpu.vector_load_idx %arg7[%broadcast_in_dim3A_638, %add3A_641, %broadcast_in_dim3A_636] : memref<9x64x128xf32, #tpu.memory_space<vmem>>[vector<16xi32>, vector<16xi32>, vector<16xi32>], vector<16xf32>,
      %swap3A_643 = arith.constant 7 : i32
      %swap3A_644 = arith.index_cast %swap3A_643 : i32 to index
      %swap3A_645 = arith.constant 0 : index
      %swap3A_646 = tpu.vector_load %arg8[%swap3A_644, %swap3A_645] {strides = array<i32>} : memref<8x128xf32, #tpu.memory_space<vmem>>, vector<16xf32>,
      tpu.vector_store %arg8[%swap3A_644, %swap3A_645], %gather3A_642 {strides = array<i32>} : memref<8x128xf32, #tpu.memory_space<vmem>>, vector<16xf32>,
      %swap3A_647 = arith.constant 7 : i32
      %swap3A_648 = arith.index_cast %swap3A_647 : i32 to index
      %swap3A_649 = arith.constant 64 : index
      %swap3A_650 = tpu.vector_load %arg8[%swap3A_648, %swap3A_649] {strides = array<i32>} : memref<8x128xf32, #tpu.memory_space<vmem>>, vector<16xf32>,
      tpu.vector_store %arg8[%swap3A_648, %swap3A_649], %gather3A {strides = array<i32>} : memref<8x128xf32, #tpu.memory_space<vmem>>, vector<16xf32>,
      %broadcast_in_dim3A_651 = arith.constant 8 : i32
      %broadcast_in_dim3A_652 = vector.broadcast %broadcast_in_dim3A_651 : i32 to vector<16xi32>
      %add3A_653 = arith.constant 16 : i32
      %add3A_654 = vector.broadcast %add3A_653 : i32 to vector<16xi32>
      %add3A_655 = arith.addi %iota3A, %add3A_654 : vector<16xi32>
      %gather3A_656 = tpu.vector_load_idx %arg7[%broadcast_in_dim3A_652, %add3A_655, %broadcast_in_dim3A] : memref<9x64x128xf32, #tpu.memory_space<vmem>>[vector<16xi32>, vector<16xi32>, vector<16xi32>], vector<16xf32>,
      %slice3A_657 = vector.extract_strided_slice %select_n3A_508 {offsets = [0], sizes = [1], strides = [1]} : vector<16xi32> to vector<1xi32>
      %squeeze3A_658 = vector.extract %slice3A_657[0] : i32 from vector<1xi32>
      %broadcast_in_dim3A_659 = vector.broadcast %squeeze3A_658 : i32 to vector<16xi32>
      %broadcast_in_dim3A_660 = arith.constant 0 : i32
      %broadcast_in_dim3A_661 = vector.broadcast %broadcast_in_dim3A_660 : i32 to vector<16xi32>
      %add3A_662 = arith.constant 16 : i32
      %add3A_663 = vector.broadcast %add3A_662 : i32 to vector<16xi32>
      %add3A_664 = arith.addi %iota3A, %add3A_663 : vector<16xi32>
      %gather3A_665 = tpu.vector_load_idx %arg7[%broadcast_in_dim3A_661, %add3A_664, %broadcast_in_dim3A_659] : memref<9x64x128xf32, #tpu.memory_space<vmem>>[vector<16xi32>, vector<16xi32>, vector<16xi32>], vector<16xf32>,
      %swap3A_666 = arith.constant 0 : i32
      %swap3A_667 = arith.index_cast %swap3A_666 : i32 to index
      %swap3A_668 = arith.constant 16 : index
      %swap3A_669 = tpu.vector_load %arg8[%swap3A_667, %swap3A_668] {strides = array<i32>} : memref<8x128xf32, #tpu.memory_space<vmem>>, vector<16xf32>,
      tpu.vector_store %arg8[%swap3A_667, %swap3A_668], %gather3A_665 {strides = array<i32>} : memref<8x128xf32, #tpu.memory_space<vmem>>, vector<16xf32>,
      %swap3A_670 = arith.constant 0 : i32
      %swap3A_671 = arith.index_cast %swap3A_670 : i32 to index
      %swap3A_672 = arith.constant 80 : index
      %swap3A_673 = tpu.vector_load %arg8[%swap3A_671, %swap3A_672] {strides = array<i32>} : memref<8x128xf32, #tpu.memory_space<vmem>>, vector<16xf32>,
      tpu.vector_store %arg8[%swap3A_671, %swap3A_672], %gather3A_656 {strides = array<i32>} : memref<8x128xf32, #tpu.memory_space<vmem>>, vector<16xf32>,
      %slice3A_674 = vector.extract_strided_slice %select_n3A_508 {offsets = [1], sizes = [1], strides = [1]} : vector<16xi32> to vector<1xi32>
      %squeeze3A_675 = vector.extract %slice3A_674[0] : i32 from vector<1xi32>
      %broadcast_in_dim3A_676 = vector.broadcast %squeeze3A_675 : i32 to vector<16xi32>
      %broadcast_in_dim3A_677 = arith.constant 1 : i32
      %broadcast_in_dim3A_678 = vector.broadcast %broadcast_in_dim3A_677 : i32 to vector<16xi32>
      %add3A_679 = arith.constant 16 : i32
      %add3A_680 = vector.broadcast %add3A_679 : i32 to vector<16xi32>
      %add3A_681 = arith.addi %iota3A, %add3A_680 : vector<16xi32>
      %gather3A_682 = tpu.vector_load_idx %arg7[%broadcast_in_dim3A_678, %add3A_681, %broadcast_in_dim3A_676] : memref<9x64x128xf32, #tpu.memory_space<vmem>>[vector<16xi32>, vector<16xi32>, vector<16xi32>], vector<16xf32>,
      %swap3A_683 = arith.constant 1 : i32
      %swap3A_684 = arith.index_cast %swap3A_683 : i32 to index
      %swap3A_685 = arith.constant 16 : index
      %swap3A_686 = tpu.vector_load %arg8[%swap3A_684, %swap3A_685] {strides = array<i32>} : memref<8x128xf32, #tpu.memory_space<vmem>>, vector<16xf32>,
      tpu.vector_store %arg8[%swap3A_684, %swap3A_685], %gather3A_682 {strides = array<i32>} : memref<8x128xf32, #tpu.memory_space<vmem>>, vector<16xf32>,
      %swap3A_687 = arith.constant 1 : i32
      %swap3A_688 = arith.index_cast %swap3A_687 : i32 to index
      %swap3A_689 = arith.constant 80 : index
      %swap3A_690 = tpu.vector_load %arg8[%swap3A_688, %swap3A_689] {strides = array<i32>} : memref<8x128xf32, #tpu.memory_space<vmem>>, vector<16xf32>,
      tpu.vector_store %arg8[%swap3A_688, %swap3A_689], %gather3A_656 {strides = array<i32>} : memref<8x128xf32, #tpu.memory_space<vmem>>, vector<16xf32>,
      %slice3A_691 = vector.extract_strided_slice %select_n3A_508 {offsets = [2], sizes = [1], strides = [1]} : vector<16xi32> to vector<1xi32>
      %squeeze3A_692 = vector.extract %slice3A_691[0] : i32 from vector<1xi32>
      %broadcast_in_dim3A_693 = vector.broadcast %squeeze3A_692 : i32 to vector<16xi32>
      %broadcast_in_dim3A_694 = arith.constant 2 : i32
      %broadcast_in_dim3A_695 = vector.broadcast %broadcast_in_dim3A_694 : i32 to vector<16xi32>
      %add3A_696 = arith.constant 16 : i32
      %add3A_697 = vector.broadcast %add3A_696 : i32 to vector<16xi32>
      %add3A_698 = arith.addi %iota3A, %add3A_697 : vector<16xi32>
      %gather3A_699 = tpu.vector_load_idx %arg7[%broadcast_in_dim3A_695, %add3A_698, %broadcast_in_dim3A_693] : memref<9x64x128xf32, #tpu.memory_space<vmem>>[vector<16xi32>, vector<16xi32>, vector<16xi32>], vector<16xf32>,
      %swap3A_700 = arith.constant 2 : i32
      %swap3A_701 = arith.index_cast %swap3A_700 : i32 to index
      %swap3A_702 = arith.constant 16 : index
      %swap3A_703 = tpu.vector_load %arg8[%swap3A_701, %swap3A_702] {strides = array<i32>} : memref<8x128xf32, #tpu.memory_space<vmem>>, vector<16xf32>,
      tpu.vector_store %arg8[%swap3A_701, %swap3A_702], %gather3A_699 {strides = array<i32>} : memref<8x128xf32, #tpu.memory_space<vmem>>, vector<16xf32>,
      %swap3A_704 = arith.constant 2 : i32
      %swap3A_705 = arith.index_cast %swap3A_704 : i32 to index
      %swap3A_706 = arith.constant 80 : index
      %swap3A_707 = tpu.vector_load %arg8[%swap3A_705, %swap3A_706] {strides = array<i32>} : memref<8x128xf32, #tpu.memory_space<vmem>>, vector<16xf32>,
      tpu.vector_store %arg8[%swap3A_705, %swap3A_706], %gather3A_656 {strides = array<i32>} : memref<8x128xf32, #tpu.memory_space<vmem>>, vector<16xf32>,
      %slice3A_708 = vector.extract_strided_slice %select_n3A_508 {offsets = [3], sizes = [1], strides = [1]} : vector<16xi32> to vector<1xi32>
      %squeeze3A_709 = vector.extract %slice3A_708[0] : i32 from vector<1xi32>
      %broadcast_in_dim3A_710 = vector.broadcast %squeeze3A_709 : i32 to vector<16xi32>
      %broadcast_in_dim3A_711 = arith.constant 3 : i32
      %broadcast_in_dim3A_712 = vector.broadcast %broadcast_in_dim3A_711 : i32 to vector<16xi32>
      %add3A_713 = arith.constant 16 : i32
      %add3A_714 = vector.broadcast %add3A_713 : i32 to vector<16xi32>
      %add3A_715 = arith.addi %iota3A, %add3A_714 : vector<16xi32>
      %gather3A_716 = tpu.vector_load_idx %arg7[%broadcast_in_dim3A_712, %add3A_715, %broadcast_in_dim3A_710] : memref<9x64x128xf32, #tpu.memory_space<vmem>>[vector<16xi32>, vector<16xi32>, vector<16xi32>], vector<16xf32>,
      %swap3A_717 = arith.constant 3 : i32
      %swap3A_718 = arith.index_cast %swap3A_717 : i32 to index
      %swap3A_719 = arith.constant 16 : index
      %swap3A_720 = tpu.vector_load %arg8[%swap3A_718, %swap3A_719] {strides = array<i32>} : memref<8x128xf32, #tpu.memory_space<vmem>>, vector<16xf32>,
      tpu.vector_store %arg8[%swap3A_718, %swap3A_719], %gather3A_716 {strides = array<i32>} : memref<8x128xf32, #tpu.memory_space<vmem>>, vector<16xf32>,
      %swap3A_721 = arith.constant 3 : i32
      %swap3A_722 = arith.index_cast %swap3A_721 : i32 to index
      %swap3A_723 = arith.constant 80 : index
      %swap3A_724 = tpu.vector_load %arg8[%swap3A_722, %swap3A_723] {strides = array<i32>} : memref<8x128xf32, #tpu.memory_space<vmem>>, vector<16xf32>,
      tpu.vector_store %arg8[%swap3A_722, %swap3A_723], %gather3A_656 {strides = array<i32>} : memref<8x128xf32, #tpu.memory_space<vmem>>, vector<16xf32>,
      %slice3A_725 = vector.extract_strided_slice %select_n3A_508 {offsets = [4], sizes = [1], strides = [1]} : vector<16xi32> to vector<1xi32>
      %squeeze3A_726 = vector.extract %slice3A_725[0] : i32 from vector<1xi32>
      %broadcast_in_dim3A_727 = vector.broadcast %squeeze3A_726 : i32 to vector<16xi32>
      %broadcast_in_dim3A_728 = arith.constant 4 : i32
      %broadcast_in_dim3A_729 = vector.broadcast %broadcast_in_dim3A_728 : i32 to vector<16xi32>
      %add3A_730 = arith.constant 16 : i32
      %add3A_731 = vector.broadcast %add3A_730 : i32 to vector<16xi32>
      %add3A_732 = arith.addi %iota3A, %add3A_731 : vector<16xi32>
      %gather3A_733 = tpu.vector_load_idx %arg7[%broadcast_in_dim3A_729, %add3A_732, %broadcast_in_dim3A_727] : memref<9x64x128xf32, #tpu.memory_space<vmem>>[vector<16xi32>, vector<16xi32>, vector<16xi32>], vector<16xf32>,
      %swap3A_734 = arith.constant 4 : i32
      %swap3A_735 = arith.index_cast %swap3A_734 : i32 to index
      %swap3A_736 = arith.constant 16 : index
      %swap3A_737 = tpu.vector_load %arg8[%swap3A_735, %swap3A_736] {strides = array<i32>} : memref<8x128xf32, #tpu.memory_space<vmem>>, vector<16xf32>,
      tpu.vector_store %arg8[%swap3A_735, %swap3A_736], %gather3A_733 {strides = array<i32>} : memref<8x128xf32, #tpu.memory_space<vmem>>, vector<16xf32>,
      %swap3A_738 = arith.constant 4 : i32
      %swap3A_739 = arith.index_cast %swap3A_738 : i32 to index
      %swap3A_740 = arith.constant 80 : index
      %swap3A_741 = tpu.vector_load %arg8[%swap3A_739, %swap3A_740] {strides = array<i32>} : memref<8x128xf32, #tpu.memory_space<vmem>>, vector<16xf32>,
      tpu.vector_store %arg8[%swap3A_739, %swap3A_740], %gather3A_656 {strides = array<i32>} : memref<8x128xf32, #tpu.memory_space<vmem>>, vector<16xf32>,
      %slice3A_742 = vector.extract_strided_slice %select_n3A_508 {offsets = [5], sizes = [1], strides = [1]} : vector<16xi32> to vector<1xi32>
      %squeeze3A_743 = vector.extract %slice3A_742[0] : i32 from vector<1xi32>
      %broadcast_in_dim3A_744 = vector.broadcast %squeeze3A_743 : i32 to vector<16xi32>
      %broadcast_in_dim3A_745 = arith.constant 5 : i32
      %broadcast_in_dim3A_746 = vector.broadcast %broadcast_in_dim3A_745 : i32 to vector<16xi32>
      %add3A_747 = arith.constant 16 : i32
      %add3A_748 = vector.broadcast %add3A_747 : i32 to vector<16xi32>
      %add3A_749 = arith.addi %iota3A, %add3A_748 : vector<16xi32>
      %gather3A_750 = tpu.vector_load_idx %arg7[%broadcast_in_dim3A_746, %add3A_749, %broadcast_in_dim3A_744] : memref<9x64x128xf32, #tpu.memory_space<vmem>>[vector<16xi32>, vector<16xi32>, vector<16xi32>], vector<16xf32>,
      %swap3A_751 = arith.constant 5 : i32
      %swap3A_752 = arith.index_cast %swap3A_751 : i32 to index
      %swap3A_753 = arith.constant 16 : index
      %swap3A_754 = tpu.vector_load %arg8[%swap3A_752, %swap3A_753] {strides = array<i32>} : memref<8x128xf32, #tpu.memory_space<vmem>>, vector<16xf32>,
      tpu.vector_store %arg8[%swap3A_752, %swap3A_753], %gather3A_750 {strides = array<i32>} : memref<8x128xf32, #tpu.memory_space<vmem>>, vector<16xf32>,
      %swap3A_755 = arith.constant 5 : i32
      %swap3A_756 = arith.index_cast %swap3A_755 : i32 to index
      %swap3A_757 = arith.constant 80 : index
      %swap3A_758 = tpu.vector_load %arg8[%swap3A_756, %swap3A_757] {strides = array<i32>} : memref<8x128xf32, #tpu.memory_space<vmem>>, vector<16xf32>,
      tpu.vector_store %arg8[%swap3A_756, %swap3A_757], %gather3A_656 {strides = array<i32>} : memref<8x128xf32, #tpu.memory_space<vmem>>, vector<16xf32>,
      %slice3A_759 = vector.extract_strided_slice %select_n3A_508 {offsets = [6], sizes = [1], strides = [1]} : vector<16xi32> to vector<1xi32>
      %squeeze3A_760 = vector.extract %slice3A_759[0] : i32 from vector<1xi32>
      %broadcast_in_dim3A_761 = vector.broadcast %squeeze3A_760 : i32 to vector<16xi32>
      %broadcast_in_dim3A_762 = arith.constant 6 : i32
      %broadcast_in_dim3A_763 = vector.broadcast %broadcast_in_dim3A_762 : i32 to vector<16xi32>
      %add3A_764 = arith.constant 16 : i32
      %add3A_765 = vector.broadcast %add3A_764 : i32 to vector<16xi32>
      %add3A_766 = arith.addi %iota3A, %add3A_765 : vector<16xi32>
      %gather3A_767 = tpu.vector_load_idx %arg7[%broadcast_in_dim3A_763, %add3A_766, %broadcast_in_dim3A_761] : memref<9x64x128xf32, #tpu.memory_space<vmem>>[vector<16xi32>, vector<16xi32>, vector<16xi32>], vector<16xf32>,
      %swap3A_768 = arith.constant 6 : i32
      %swap3A_769 = arith.index_cast %swap3A_768 : i32 to index
      %swap3A_770 = arith.constant 16 : index
      %swap3A_771 = tpu.vector_load %arg8[%swap3A_769, %swap3A_770] {strides = array<i32>} : memref<8x128xf32, #tpu.memory_space<vmem>>, vector<16xf32>,
      tpu.vector_store %arg8[%swap3A_769, %swap3A_770], %gather3A_767 {strides = array<i32>} : memref<8x128xf32, #tpu.memory_space<vmem>>, vector<16xf32>,
      %swap3A_772 = arith.constant 6 : i32
      %swap3A_773 = arith.index_cast %swap3A_772 : i32 to index
      %swap3A_774 = arith.constant 80 : index
      %swap3A_775 = tpu.vector_load %arg8[%swap3A_773, %swap3A_774] {strides = array<i32>} : memref<8x128xf32, #tpu.memory_space<vmem>>, vector<16xf32>,
      tpu.vector_store %arg8[%swap3A_773, %swap3A_774], %gather3A_656 {strides = array<i32>} : memref<8x128xf32, #tpu.memory_space<vmem>>, vector<16xf32>,
      %slice3A_776 = vector.extract_strided_slice %select_n3A_508 {offsets = [7], sizes = [1], strides = [1]} : vector<16xi32> to vector<1xi32>
      %squeeze3A_777 = vector.extract %slice3A_776[0] : i32 from vector<1xi32>
      %broadcast_in_dim3A_778 = vector.broadcast %squeeze3A_777 : i32 to vector<16xi32>
      %broadcast_in_dim3A_779 = arith.constant 7 : i32
      %broadcast_in_dim3A_780 = vector.broadcast %broadcast_in_dim3A_779 : i32 to vector<16xi32>
      %add3A_781 = arith.constant 16 : i32
      %add3A_782 = vector.broadcast %add3A_781 : i32 to vector<16xi32>
      %add3A_783 = arith.addi %iota3A, %add3A_782 : vector<16xi32>
      %gather3A_784 = tpu.vector_load_idx %arg7[%broadcast_in_dim3A_780, %add3A_783, %broadcast_in_dim3A_778] : memref<9x64x128xf32, #tpu.memory_space<vmem>>[vector<16xi32>, vector<16xi32>, vector<16xi32>], vector<16xf32>,
      %swap3A_785 = arith.constant 7 : i32
      %swap3A_786 = arith.index_cast %swap3A_785 : i32 to index
      %swap3A_787 = arith.constant 16 : index
      %swap3A_788 = tpu.vector_load %arg8[%swap3A_786, %swap3A_787] {strides = array<i32>} : memref<8x128xf32, #tpu.memory_space<vmem>>, vector<16xf32>,
      tpu.vector_store %arg8[%swap3A_786, %swap3A_787], %gather3A_784 {strides = array<i32>} : memref<8x128xf32, #tpu.memory_space<vmem>>, vector<16xf32>,
      %swap3A_789 = arith.constant 7 : i32
      %swap3A_790 = arith.index_cast %swap3A_789 : i32 to index
      %swap3A_791 = arith.constant 80 : index
      %swap3A_792 = tpu.vector_load %arg8[%swap3A_790, %swap3A_791] {strides = array<i32>} : memref<8x128xf32, #tpu.memory_space<vmem>>, vector<16xf32>,
      tpu.vector_store %arg8[%swap3A_790, %swap3A_791], %gather3A_656 {strides = array<i32>} : memref<8x128xf32, #tpu.memory_space<vmem>>, vector<16xf32>,
      %broadcast_in_dim3A_793 = arith.constant 8 : i32
      %broadcast_in_dim3A_794 = vector.broadcast %broadcast_in_dim3A_793 : i32 to vector<16xi32>
      %add3A_795 = arith.constant 32 : i32
      %add3A_796 = vector.broadcast %add3A_795 : i32 to vector<16xi32>
      %add3A_797 = arith.addi %iota3A, %add3A_796 : vector<16xi32>
      %gather3A_798 = tpu.vector_load_idx %arg7[%broadcast_in_dim3A_794, %add3A_797, %broadcast_in_dim3A] : memref<9x64x128xf32, #tpu.memory_space<vmem>>[vector<16xi32>, vector<16xi32>, vector<16xi32>], vector<16xf32>,
      %slice3A_799 = vector.extract_strided_slice %select_n3A_508 {offsets = [0], sizes = [1], strides = [1]} : vector<16xi32> to vector<1xi32>
      %squeeze3A_800 = vector.extract %slice3A_799[0] : i32 from vector<1xi32>
      %broadcast_in_dim3A_801 = vector.broadcast %squeeze3A_800 : i32 to vector<16xi32>
      %broadcast_in_dim3A_802 = arith.constant 0 : i32
      %broadcast_in_dim3A_803 = vector.broadcast %broadcast_in_dim3A_802 : i32 to vector<16xi32>
      %add3A_804 = arith.constant 32 : i32
      %add3A_805 = vector.broadcast %add3A_804 : i32 to vector<16xi32>
      %add3A_806 = arith.addi %iota3A, %add3A_805 : vector<16xi32>
      %gather3A_807 = tpu.vector_load_idx %arg7[%broadcast_in_dim3A_803, %add3A_806, %broadcast_in_dim3A_801] : memref<9x64x128xf32, #tpu.memory_space<vmem>>[vector<16xi32>, vector<16xi32>, vector<16xi32>], vector<16xf32>,
      %swap3A_808 = arith.constant 0 : i32
      %swap3A_809 = arith.index_cast %swap3A_808 : i32 to index
      %swap3A_810 = arith.constant 32 : index
      %swap3A_811 = tpu.vector_load %arg8[%swap3A_809, %swap3A_810] {strides = array<i32>} : memref<8x128xf32, #tpu.memory_space<vmem>>, vector<16xf32>,
      tpu.vector_store %arg8[%swap3A_809, %swap3A_810], %gather3A_807 {strides = array<i32>} : memref<8x128xf32, #tpu.memory_space<vmem>>, vector<16xf32>,
      %swap3A_812 = arith.constant 0 : i32
      %swap3A_813 = arith.index_cast %swap3A_812 : i32 to index
      %swap3A_814 = arith.constant 96 : index
      %swap3A_815 = tpu.vector_load %arg8[%swap3A_813, %swap3A_814] {strides = array<i32>} : memref<8x128xf32, #tpu.memory_space<vmem>>, vector<16xf32>,
      tpu.vector_store %arg8[%swap3A_813, %swap3A_814], %gather3A_798 {strides = array<i32>} : memref<8x128xf32, #tpu.memory_space<vmem>>, vector<16xf32>,
      %slice3A_816 = vector.extract_strided_slice %select_n3A_508 {offsets = [1], sizes = [1], strides = [1]} : vector<16xi32> to vector<1xi32>
      %squeeze3A_817 = vector.extract %slice3A_816[0] : i32 from vector<1xi32>
      %broadcast_in_dim3A_818 = vector.broadcast %squeeze3A_817 : i32 to vector<16xi32>
      %broadcast_in_dim3A_819 = arith.constant 1 : i32
      %broadcast_in_dim3A_820 = vector.broadcast %broadcast_in_dim3A_819 : i32 to vector<16xi32>
      %add3A_821 = arith.constant 32 : i32
      %add3A_822 = vector.broadcast %add3A_821 : i32 to vector<16xi32>
      %add3A_823 = arith.addi %iota3A, %add3A_822 : vector<16xi32>
      %gather3A_824 = tpu.vector_load_idx %arg7[%broadcast_in_dim3A_820, %add3A_823, %broadcast_in_dim3A_818] : memref<9x64x128xf32, #tpu.memory_space<vmem>>[vector<16xi32>, vector<16xi32>, vector<16xi32>], vector<16xf32>,
      %swap3A_825 = arith.constant 1 : i32
      %swap3A_826 = arith.index_cast %swap3A_825 : i32 to index
      %swap3A_827 = arith.constant 32 : index
      %swap3A_828 = tpu.vector_load %arg8[%swap3A_826, %swap3A_827] {strides = array<i32>} : memref<8x128xf32, #tpu.memory_space<vmem>>, vector<16xf32>,
      tpu.vector_store %arg8[%swap3A_826, %swap3A_827], %gather3A_824 {strides = array<i32>} : memref<8x128xf32, #tpu.memory_space<vmem>>, vector<16xf32>,
      %swap3A_829 = arith.constant 1 : i32
      %swap3A_830 = arith.index_cast %swap3A_829 : i32 to index
      %swap3A_831 = arith.constant 96 : index
      %swap3A_832 = tpu.vector_load %arg8[%swap3A_830, %swap3A_831] {strides = array<i32>} : memref<8x128xf32, #tpu.memory_space<vmem>>, vector<16xf32>,
      tpu.vector_store %arg8[%swap3A_830, %swap3A_831], %gather3A_798 {strides = array<i32>} : memref<8x128xf32, #tpu.memory_space<vmem>>, vector<16xf32>,
      %slice3A_833 = vector.extract_strided_slice %select_n3A_508 {offsets = [2], sizes = [1], strides = [1]} : vector<16xi32> to vector<1xi32>
      %squeeze3A_834 = vector.extract %slice3A_833[0] : i32 from vector<1xi32>
      %broadcast_in_dim3A_835 = vector.broadcast %squeeze3A_834 : i32 to vector<16xi32>
      %broadcast_in_dim3A_836 = arith.constant 2 : i32
      %broadcast_in_dim3A_837 = vector.broadcast %broadcast_in_dim3A_836 : i32 to vector<16xi32>
      %add3A_838 = arith.constant 32 : i32
      %add3A_839 = vector.broadcast %add3A_838 : i32 to vector<16xi32>
      %add3A_840 = arith.addi %iota3A, %add3A_839 : vector<16xi32>
      %gather3A_841 = tpu.vector_load_idx %arg7[%broadcast_in_dim3A_837, %add3A_840, %broadcast_in_dim3A_835] : memref<9x64x128xf32, #tpu.memory_space<vmem>>[vector<16xi32>, vector<16xi32>, vector<16xi32>], vector<16xf32>,
      %swap3A_842 = arith.constant 2 : i32
      %swap3A_843 = arith.index_cast %swap3A_842 : i32 to index
      %swap3A_844 = arith.constant 32 : index
      %swap3A_845 = tpu.vector_load %arg8[%swap3A_843, %swap3A_844] {strides = array<i32>} : memref<8x128xf32, #tpu.memory_space<vmem>>, vector<16xf32>,
      tpu.vector_store %arg8[%swap3A_843, %swap3A_844], %gather3A_841 {strides = array<i32>} : memref<8x128xf32, #tpu.memory_space<vmem>>, vector<16xf32>,
      %swap3A_846 = arith.constant 2 : i32
      %swap3A_847 = arith.index_cast %swap3A_846 : i32 to index
      %swap3A_848 = arith.constant 96 : index
      %swap3A_849 = tpu.vector_load %arg8[%swap3A_847, %swap3A_848] {strides = array<i32>} : memref<8x128xf32, #tpu.memory_space<vmem>>, vector<16xf32>,
      tpu.vector_store %arg8[%swap3A_847, %swap3A_848], %gather3A_798 {strides = array<i32>} : memref<8x128xf32, #tpu.memory_space<vmem>>, vector<16xf32>,
      %slice3A_850 = vector.extract_strided_slice %select_n3A_508 {offsets = [3], sizes = [1], strides = [1]} : vector<16xi32> to vector<1xi32>
      %squeeze3A_851 = vector.extract %slice3A_850[0] : i32 from vector<1xi32>
      %broadcast_in_dim3A_852 = vector.broadcast %squeeze3A_851 : i32 to vector<16xi32>
      %broadcast_in_dim3A_853 = arith.constant 3 : i32
      %broadcast_in_dim3A_854 = vector.broadcast %broadcast_in_dim3A_853 : i32 to vector<16xi32>
      %add3A_855 = arith.constant 32 : i32
      %add3A_856 = vector.broadcast %add3A_855 : i32 to vector<16xi32>
      %add3A_857 = arith.addi %iota3A, %add3A_856 : vector<16xi32>
      %gather3A_858 = tpu.vector_load_idx %arg7[%broadcast_in_dim3A_854, %add3A_857, %broadcast_in_dim3A_852] : memref<9x64x128xf32, #tpu.memory_space<vmem>>[vector<16xi32>, vector<16xi32>, vector<16xi32>], vector<16xf32>,
      %swap3A_859 = arith.constant 3 : i32
      %swap3A_860 = arith.index_cast %swap3A_859 : i32 to index
      %swap3A_861 = arith.constant 32 : index
      %swap3A_862 = tpu.vector_load %arg8[%swap3A_860, %swap3A_861] {strides = array<i32>} : memref<8x128xf32, #tpu.memory_space<vmem>>, vector<16xf32>,
      tpu.vector_store %arg8[%swap3A_860, %swap3A_861], %gather3A_858 {strides = array<i32>} : memref<8x128xf32, #tpu.memory_space<vmem>>, vector<16xf32>,
      %swap3A_863 = arith.constant 3 : i32
      %swap3A_864 = arith.index_cast %swap3A_863 : i32 to index
      %swap3A_865 = arith.constant 96 : index
      %swap3A_866 = tpu.vector_load %arg8[%swap3A_864, %swap3A_865] {strides = array<i32>} : memref<8x128xf32, #tpu.memory_space<vmem>>, vector<16xf32>,
      tpu.vector_store %arg8[%swap3A_864, %swap3A_865], %gather3A_798 {strides = array<i32>} : memref<8x128xf32, #tpu.memory_space<vmem>>, vector<16xf32>,
      %slice3A_867 = vector.extract_strided_slice %select_n3A_508 {offsets = [4], sizes = [1], strides = [1]} : vector<16xi32> to vector<1xi32>
      %squeeze3A_868 = vector.extract %slice3A_867[0] : i32 from vector<1xi32>
      %broadcast_in_dim3A_869 = vector.broadcast %squeeze3A_868 : i32 to vector<16xi32>
      %broadcast_in_dim3A_870 = arith.constant 4 : i32
      %broadcast_in_dim3A_871 = vector.broadcast %broadcast_in_dim3A_870 : i32 to vector<16xi32>
      %add3A_872 = arith.constant 32 : i32
      %add3A_873 = vector.broadcast %add3A_872 : i32 to vector<16xi32>
      %add3A_874 = arith.addi %iota3A, %add3A_873 : vector<16xi32>
      %gather3A_875 = tpu.vector_load_idx %arg7[%broadcast_in_dim3A_871, %add3A_874, %broadcast_in_dim3A_869] : memref<9x64x128xf32, #tpu.memory_space<vmem>>[vector<16xi32>, vector<16xi32>, vector<16xi32>], vector<16xf32>,
      %swap3A_876 = arith.constant 4 : i32
      %swap3A_877 = arith.index_cast %swap3A_876 : i32 to index
      %swap3A_878 = arith.constant 32 : index
      %swap3A_879 = tpu.vector_load %arg8[%swap3A_877, %swap3A_878] {strides = array<i32>} : memref<8x128xf32, #tpu.memory_space<vmem>>, vector<16xf32>,
      tpu.vector_store %arg8[%swap3A_877, %swap3A_878], %gather3A_875 {strides = array<i32>} : memref<8x128xf32, #tpu.memory_space<vmem>>, vector<16xf32>,
      %swap3A_880 = arith.constant 4 : i32
      %swap3A_881 = arith.index_cast %swap3A_880 : i32 to index
      %swap3A_882 = arith.constant 96 : index
      %swap3A_883 = tpu.vector_load %arg8[%swap3A_881, %swap3A_882] {strides = array<i32>} : memref<8x128xf32, #tpu.memory_space<vmem>>, vector<16xf32>,
      tpu.vector_store %arg8[%swap3A_881, %swap3A_882], %gather3A_798 {strides = array<i32>} : memref<8x128xf32, #tpu.memory_space<vmem>>, vector<16xf32>,
      %slice3A_884 = vector.extract_strided_slice %select_n3A_508 {offsets = [5], sizes = [1], strides = [1]} : vector<16xi32> to vector<1xi32>
      %squeeze3A_885 = vector.extract %slice3A_884[0] : i32 from vector<1xi32>
      %broadcast_in_dim3A_886 = vector.broadcast %squeeze3A_885 : i32 to vector<16xi32>
      %broadcast_in_dim3A_887 = arith.constant 5 : i32
      %broadcast_in_dim3A_888 = vector.broadcast %broadcast_in_dim3A_887 : i32 to vector<16xi32>
      %add3A_889 = arith.constant 32 : i32
      %add3A_890 = vector.broadcast %add3A_889 : i32 to vector<16xi32>
      %add3A_891 = arith.addi %iota3A, %add3A_890 : vector<16xi32>
      %gather3A_892 = tpu.vector_load_idx %arg7[%broadcast_in_dim3A_888, %add3A_891, %broadcast_in_dim3A_886] : memref<9x64x128xf32, #tpu.memory_space<vmem>>[vector<16xi32>, vector<16xi32>, vector<16xi32>], vector<16xf32>,
      %swap3A_893 = arith.constant 5 : i32
      %swap3A_894 = arith.index_cast %swap3A_893 : i32 to index
      %swap3A_895 = arith.constant 32 : index
      %swap3A_896 = tpu.vector_load %arg8[%swap3A_894, %swap3A_895] {strides = array<i32>} : memref<8x128xf32, #tpu.memory_space<vmem>>, vector<16xf32>,
      tpu.vector_store %arg8[%swap3A_894, %swap3A_895], %gather3A_892 {strides = array<i32>} : memref<8x128xf32, #tpu.memory_space<vmem>>, vector<16xf32>,
      %swap3A_897 = arith.constant 5 : i32
      %swap3A_898 = arith.index_cast %swap3A_897 : i32 to index
      %swap3A_899 = arith.constant 96 : index
      %swap3A_900 = tpu.vector_load %arg8[%swap3A_898, %swap3A_899] {strides = array<i32>} : memref<8x128xf32, #tpu.memory_space<vmem>>, vector<16xf32>,
      tpu.vector_store %arg8[%swap3A_898, %swap3A_899], %gather3A_798 {strides = array<i32>} : memref<8x128xf32, #tpu.memory_space<vmem>>, vector<16xf32>,
      %slice3A_901 = vector.extract_strided_slice %select_n3A_508 {offsets = [6], sizes = [1], strides = [1]} : vector<16xi32> to vector<1xi32>
      %squeeze3A_902 = vector.extract %slice3A_901[0] : i32 from vector<1xi32>
      %broadcast_in_dim3A_903 = vector.broadcast %squeeze3A_902 : i32 to vector<16xi32>
      %broadcast_in_dim3A_904 = arith.constant 6 : i32
      %broadcast_in_dim3A_905 = vector.broadcast %broadcast_in_dim3A_904 : i32 to vector<16xi32>
      %add3A_906 = arith.constant 32 : i32
      %add3A_907 = vector.broadcast %add3A_906 : i32 to vector<16xi32>
      %add3A_908 = arith.addi %iota3A, %add3A_907 : vector<16xi32>
      %gather3A_909 = tpu.vector_load_idx %arg7[%broadcast_in_dim3A_905, %add3A_908, %broadcast_in_dim3A_903] : memref<9x64x128xf32, #tpu.memory_space<vmem>>[vector<16xi32>, vector<16xi32>, vector<16xi32>], vector<16xf32>,
      %swap3A_910 = arith.constant 6 : i32
      %swap3A_911 = arith.index_cast %swap3A_910 : i32 to index
      %swap3A_912 = arith.constant 32 : index
      %swap3A_913 = tpu.vector_load %arg8[%swap3A_911, %swap3A_912] {strides = array<i32>} : memref<8x128xf32, #tpu.memory_space<vmem>>, vector<16xf32>,
      tpu.vector_store %arg8[%swap3A_911, %swap3A_912], %gather3A_909 {strides = array<i32>} : memref<8x128xf32, #tpu.memory_space<vmem>>, vector<16xf32>,
      %swap3A_914 = arith.constant 6 : i32
      %swap3A_915 = arith.index_cast %swap3A_914 : i32 to index
      %swap3A_916 = arith.constant 96 : index
      %swap3A_917 = tpu.vector_load %arg8[%swap3A_915, %swap3A_916] {strides = array<i32>} : memref<8x128xf32, #tpu.memory_space<vmem>>, vector<16xf32>,
      tpu.vector_store %arg8[%swap3A_915, %swap3A_916], %gather3A_798 {strides = array<i32>} : memref<8x128xf32, #tpu.memory_space<vmem>>, vector<16xf32>,
      %slice3A_918 = vector.extract_strided_slice %select_n3A_508 {offsets = [7], sizes = [1], strides = [1]} : vector<16xi32> to vector<1xi32>
      %squeeze3A_919 = vector.extract %slice3A_918[0] : i32 from vector<1xi32>
      %broadcast_in_dim3A_920 = vector.broadcast %squeeze3A_919 : i32 to vector<16xi32>
      %broadcast_in_dim3A_921 = arith.constant 7 : i32
      %broadcast_in_dim3A_922 = vector.broadcast %broadcast_in_dim3A_921 : i32 to vector<16xi32>
      %add3A_923 = arith.constant 32 : i32
      %add3A_924 = vector.broadcast %add3A_923 : i32 to vector<16xi32>
      %add3A_925 = arith.addi %iota3A, %add3A_924 : vector<16xi32>
      %gather3A_926 = tpu.vector_load_idx %arg7[%broadcast_in_dim3A_922, %add3A_925, %broadcast_in_dim3A_920] : memref<9x64x128xf32, #tpu.memory_space<vmem>>[vector<16xi32>, vector<16xi32>, vector<16xi32>], vector<16xf32>,
      %swap3A_927 = arith.constant 7 : i32
      %swap3A_928 = arith.index_cast %swap3A_927 : i32 to index
      %swap3A_929 = arith.constant 32 : index
      %swap3A_930 = tpu.vector_load %arg8[%swap3A_928, %swap3A_929] {strides = array<i32>} : memref<8x128xf32, #tpu.memory_space<vmem>>, vector<16xf32>,
      tpu.vector_store %arg8[%swap3A_928, %swap3A_929], %gather3A_926 {strides = array<i32>} : memref<8x128xf32, #tpu.memory_space<vmem>>, vector<16xf32>,
      %swap3A_931 = arith.constant 7 : i32
      %swap3A_932 = arith.index_cast %swap3A_931 : i32 to index
      %swap3A_933 = arith.constant 96 : index
      %swap3A_934 = tpu.vector_load %arg8[%swap3A_932, %swap3A_933] {strides = array<i32>} : memref<8x128xf32, #tpu.memory_space<vmem>>, vector<16xf32>,
      tpu.vector_store %arg8[%swap3A_932, %swap3A_933], %gather3A_798 {strides = array<i32>} : memref<8x128xf32, #tpu.memory_space<vmem>>, vector<16xf32>,
      %broadcast_in_dim3A_935 = arith.constant 8 : i32
      %broadcast_in_dim3A_936 = vector.broadcast %broadcast_in_dim3A_935 : i32 to vector<16xi32>
      %add3A_937 = arith.constant 48 : i32
      %add3A_938 = vector.broadcast %add3A_937 : i32 to vector<16xi32>
      %add3A_939 = arith.addi %iota3A, %add3A_938 : vector<16xi32>
      %gather3A_940 = tpu.vector_load_idx %arg7[%broadcast_in_dim3A_936, %add3A_939, %broadcast_in_dim3A] : memref<9x64x128xf32, #tpu.memory_space<vmem>>[vector<16xi32>, vector<16xi32>, vector<16xi32>], vector<16xf32>,
      %slice3A_941 = vector.extract_strided_slice %select_n3A_508 {offsets = [0], sizes = [1], strides = [1]} : vector<16xi32> to vector<1xi32>
      %squeeze3A_942 = vector.extract %slice3A_941[0] : i32 from vector<1xi32>
      %broadcast_in_dim3A_943 = vector.broadcast %squeeze3A_942 : i32 to vector<16xi32>
      %broadcast_in_dim3A_944 = arith.constant 0 : i32
      %broadcast_in_dim3A_945 = vector.broadcast %broadcast_in_dim3A_944 : i32 to vector<16xi32>
      %add3A_946 = arith.constant 48 : i32
      %add3A_947 = vector.broadcast %add3A_946 : i32 to vector<16xi32>
      %add3A_948 = arith.addi %iota3A, %add3A_947 : vector<16xi32>
      %gather3A_949 = tpu.vector_load_idx %arg7[%broadcast_in_dim3A_945, %add3A_948, %broadcast_in_dim3A_943] : memref<9x64x128xf32, #tpu.memory_space<vmem>>[vector<16xi32>, vector<16xi32>, vector<16xi32>], vector<16xf32>,
      %swap3A_950 = arith.constant 0 : i32
      %swap3A_951 = arith.index_cast %swap3A_950 : i32 to index
      %swap3A_952 = arith.constant 48 : index
      %swap3A_953 = tpu.vector_load %arg8[%swap3A_951, %swap3A_952] {strides = array<i32>} : memref<8x128xf32, #tpu.memory_space<vmem>>, vector<16xf32>,
      tpu.vector_store %arg8[%swap3A_951, %swap3A_952], %gather3A_949 {strides = array<i32>} : memref<8x128xf32, #tpu.memory_space<vmem>>, vector<16xf32>,
      %swap3A_954 = arith.constant 0 : i32
      %swap3A_955 = arith.index_cast %swap3A_954 : i32 to index
      %swap3A_956 = arith.constant 112 : index
      %swap3A_957 = tpu.vector_load %arg8[%swap3A_955, %swap3A_956] {strides = array<i32>} : memref<8x128xf32, #tpu.memory_space<vmem>>, vector<16xf32>,
      tpu.vector_store %arg8[%swap3A_955, %swap3A_956], %gather3A_940 {strides = array<i32>} : memref<8x128xf32, #tpu.memory_space<vmem>>, vector<16xf32>,
      %slice3A_958 = vector.extract_strided_slice %select_n3A_508 {offsets = [1], sizes = [1], strides = [1]} : vector<16xi32> to vector<1xi32>
      %squeeze3A_959 = vector.extract %slice3A_958[0] : i32 from vector<1xi32>
      %broadcast_in_dim3A_960 = vector.broadcast %squeeze3A_959 : i32 to vector<16xi32>
      %broadcast_in_dim3A_961 = arith.constant 1 : i32
      %broadcast_in_dim3A_962 = vector.broadcast %broadcast_in_dim3A_961 : i32 to vector<16xi32>
      %add3A_963 = arith.constant 48 : i32
      %add3A_964 = vector.broadcast %add3A_963 : i32 to vector<16xi32>
      %add3A_965 = arith.addi %iota3A, %add3A_964 : vector<16xi32>
      %gather3A_966 = tpu.vector_load_idx %arg7[%broadcast_in_dim3A_962, %add3A_965, %broadcast_in_dim3A_960] : memref<9x64x128xf32, #tpu.memory_space<vmem>>[vector<16xi32>, vector<16xi32>, vector<16xi32>], vector<16xf32>,
      %swap3A_967 = arith.constant 1 : i32
      %swap3A_968 = arith.index_cast %swap3A_967 : i32 to index
      %swap3A_969 = arith.constant 48 : index
      %swap3A_970 = tpu.vector_load %arg8[%swap3A_968, %swap3A_969] {strides = array<i32>} : memref<8x128xf32, #tpu.memory_space<vmem>>, vector<16xf32>,
      tpu.vector_store %arg8[%swap3A_968, %swap3A_969], %gather3A_966 {strides = array<i32>} : memref<8x128xf32, #tpu.memory_space<vmem>>, vector<16xf32>,
      %swap3A_971 = arith.constant 1 : i32
      %swap3A_972 = arith.index_cast %swap3A_971 : i32 to index
      %swap3A_973 = arith.constant 112 : index
      %swap3A_974 = tpu.vector_load %arg8[%swap3A_972, %swap3A_973] {strides = array<i32>} : memref<8x128xf32, #tpu.memory_space<vmem>>, vector<16xf32>,
      tpu.vector_store %arg8[%swap3A_972, %swap3A_973], %gather3A_940 {strides = array<i32>} : memref<8x128xf32, #tpu.memory_space<vmem>>, vector<16xf32>,
      %slice3A_975 = vector.extract_strided_slice %select_n3A_508 {offsets = [2], sizes = [1], strides = [1]} : vector<16xi32> to vector<1xi32>
      %squeeze3A_976 = vector.extract %slice3A_975[0] : i32 from vector<1xi32>
      %broadcast_in_dim3A_977 = vector.broadcast %squeeze3A_976 : i32 to vector<16xi32>
      %broadcast_in_dim3A_978 = arith.constant 2 : i32
      %broadcast_in_dim3A_979 = vector.broadcast %broadcast_in_dim3A_978 : i32 to vector<16xi32>
      %add3A_980 = arith.constant 48 : i32
      %add3A_981 = vector.broadcast %add3A_980 : i32 to vector<16xi32>
      %add3A_982 = arith.addi %iota3A, %add3A_981 : vector<16xi32>
      %gather3A_983 = tpu.vector_load_idx %arg7[%broadcast_in_dim3A_979, %add3A_982, %broadcast_in_dim3A_977] : memref<9x64x128xf32, #tpu.memory_space<vmem>>[vector<16xi32>, vector<16xi32>, vector<16xi32>], vector<16xf32>,
      %swap3A_984 = arith.constant 2 : i32
      %swap3A_985 = arith.index_cast %swap3A_984 : i32 to index
      %swap3A_986 = arith.constant 48 : index
      %swap3A_987 = tpu.vector_load %arg8[%swap3A_985, %swap3A_986] {strides = array<i32>} : memref<8x128xf32, #tpu.memory_space<vmem>>, vector<16xf32>,
      tpu.vector_store %arg8[%swap3A_985, %swap3A_986], %gather3A_983 {strides = array<i32>} : memref<8x128xf32, #tpu.memory_space<vmem>>, vector<16xf32>,
      %swap3A_988 = arith.constant 2 : i32
      %swap3A_989 = arith.index_cast %swap3A_988 : i32 to index
      %swap3A_990 = arith.constant 112 : index
      %swap3A_991 = tpu.vector_load %arg8[%swap3A_989, %swap3A_990] {strides = array<i32>} : memref<8x128xf32, #tpu.memory_space<vmem>>, vector<16xf32>,
      tpu.vector_store %arg8[%swap3A_989, %swap3A_990], %gather3A_940 {strides = array<i32>} : memref<8x128xf32, #tpu.memory_space<vmem>>, vector<16xf32>,
      %slice3A_992 = vector.extract_strided_slice %select_n3A_508 {offsets = [3], sizes = [1], strides = [1]} : vector<16xi32> to vector<1xi32>
      %squeeze3A_993 = vector.extract %slice3A_992[0] : i32 from vector<1xi32>
      %broadcast_in_dim3A_994 = vector.broadcast %squeeze3A_993 : i32 to vector<16xi32>
      %broadcast_in_dim3A_995 = arith.constant 3 : i32
      %broadcast_in_dim3A_996 = vector.broadcast %broadcast_in_dim3A_995 : i32 to vector<16xi32>
      %add3A_997 = arith.constant 48 : i32
      %add3A_998 = vector.broadcast %add3A_997 : i32 to vector<16xi32>
      %add3A_999 = arith.addi %iota3A, %add3A_998 : vector<16xi32>
      %gather3A_1000 = tpu.vector_load_idx %arg7[%broadcast_in_dim3A_996, %add3A_999, %broadcast_in_dim3A_994] : memref<9x64x128xf32, #tpu.memory_space<vmem>>[vector<16xi32>, vector<16xi32>, vector<16xi32>], vector<16xf32>,
      %swap3A_1001 = arith.constant 3 : i32
      %swap3A_1002 = arith.index_cast %swap3A_1001 : i32 to index
      %swap3A_1003 = arith.constant 48 : index
      %swap3A_1004 = tpu.vector_load %arg8[%swap3A_1002, %swap3A_1003] {strides = array<i32>} : memref<8x128xf32, #tpu.memory_space<vmem>>, vector<16xf32>,
      tpu.vector_store %arg8[%swap3A_1002, %swap3A_1003], %gather3A_1000 {strides = array<i32>} : memref<8x128xf32, #tpu.memory_space<vmem>>, vector<16xf32>,
      %swap3A_1005 = arith.constant 3 : i32
      %swap3A_1006 = arith.index_cast %swap3A_1005 : i32 to index
      %swap3A_1007 = arith.constant 112 : index
      %swap3A_1008 = tpu.vector_load %arg8[%swap3A_1006, %swap3A_1007] {strides = array<i32>} : memref<8x128xf32, #tpu.memory_space<vmem>>, vector<16xf32>,
      tpu.vector_store %arg8[%swap3A_1006, %swap3A_1007], %gather3A_940 {strides = array<i32>} : memref<8x128xf32, #tpu.memory_space<vmem>>, vector<16xf32>,
      %slice3A_1009 = vector.extract_strided_slice %select_n3A_508 {offsets = [4], sizes = [1], strides = [1]} : vector<16xi32> to vector<1xi32>
      %squeeze3A_1010 = vector.extract %slice3A_1009[0] : i32 from vector<1xi32>
      %broadcast_in_dim3A_1011 = vector.broadcast %squeeze3A_1010 : i32 to vector<16xi32>
      %broadcast_in_dim3A_1012 = arith.constant 4 : i32
      %broadcast_in_dim3A_1013 = vector.broadcast %broadcast_in_dim3A_1012 : i32 to vector<16xi32>
      %add3A_1014 = arith.constant 48 : i32
      %add3A_1015 = vector.broadcast %add3A_1014 : i32 to vector<16xi32>
      %add3A_1016 = arith.addi %iota3A, %add3A_1015 : vector<16xi32>
      %gather3A_1017 = tpu.vector_load_idx %arg7[%broadcast_in_dim3A_1013, %add3A_1016, %broadcast_in_dim3A_1011] : memref<9x64x128xf32, #tpu.memory_space<vmem>>[vector<16xi32>, vector<16xi32>, vector<16xi32>], vector<16xf32>,
      %swap3A_1018 = arith.constant 4 : i32
      %swap3A_1019 = arith.index_cast %swap3A_1018 : i32 to index
      %swap3A_1020 = arith.constant 48 : index
      %swap3A_1021 = tpu.vector_load %arg8[%swap3A_1019, %swap3A_1020] {strides = array<i32>} : memref<8x128xf32, #tpu.memory_space<vmem>>, vector<16xf32>,
      tpu.vector_store %arg8[%swap3A_1019, %swap3A_1020], %gather3A_1017 {strides = array<i32>} : memref<8x128xf32, #tpu.memory_space<vmem>>, vector<16xf32>,
      %swap3A_1022 = arith.constant 4 : i32
      %swap3A_1023 = arith.index_cast %swap3A_1022 : i32 to index
      %swap3A_1024 = arith.constant 112 : index
      %swap3A_1025 = tpu.vector_load %arg8[%swap3A_1023, %swap3A_1024] {strides = array<i32>} : memref<8x128xf32, #tpu.memory_space<vmem>>, vector<16xf32>,
      tpu.vector_store %arg8[%swap3A_1023, %swap3A_1024], %gather3A_940 {strides = array<i32>} : memref<8x128xf32, #tpu.memory_space<vmem>>, vector<16xf32>,
      %slice3A_1026 = vector.extract_strided_slice %select_n3A_508 {offsets = [5], sizes = [1], strides = [1]} : vector<16xi32> to vector<1xi32>
      %squeeze3A_1027 = vector.extract %slice3A_1026[0] : i32 from vector<1xi32>
      %broadcast_in_dim3A_1028 = vector.broadcast %squeeze3A_1027 : i32 to vector<16xi32>
      %broadcast_in_dim3A_1029 = arith.constant 5 : i32
      %broadcast_in_dim3A_1030 = vector.broadcast %broadcast_in_dim3A_1029 : i32 to vector<16xi32>
      %add3A_1031 = arith.constant 48 : i32
      %add3A_1032 = vector.broadcast %add3A_1031 : i32 to vector<16xi32>
      %add3A_1033 = arith.addi %iota3A, %add3A_1032 : vector<16xi32>
      %gather3A_1034 = tpu.vector_load_idx %arg7[%broadcast_in_dim3A_1030, %add3A_1033, %broadcast_in_dim3A_1028] : memref<9x64x128xf32, #tpu.memory_space<vmem>>[vector<16xi32>, vector<16xi32>, vector<16xi32>], vector<16xf32>,
      %swap3A_1035 = arith.constant 5 : i32
      %swap3A_1036 = arith.index_cast %swap3A_1035 : i32 to index
      %swap3A_1037 = arith.constant 48 : index
      %swap3A_1038 = tpu.vector_load %arg8[%swap3A_1036, %swap3A_1037] {strides = array<i32>} : memref<8x128xf32, #tpu.memory_space<vmem>>, vector<16xf32>,
      tpu.vector_store %arg8[%swap3A_1036, %swap3A_1037], %gather3A_1034 {strides = array<i32>} : memref<8x128xf32, #tpu.memory_space<vmem>>, vector<16xf32>,
      %swap3A_1039 = arith.constant 5 : i32
      %swap3A_1040 = arith.index_cast %swap3A_1039 : i32 to index
      %swap3A_1041 = arith.constant 112 : index
      %swap3A_1042 = tpu.vector_load %arg8[%swap3A_1040, %swap3A_1041] {strides = array<i32>} : memref<8x128xf32, #tpu.memory_space<vmem>>, vector<16xf32>,
      tpu.vector_store %arg8[%swap3A_1040, %swap3A_1041], %gather3A_940 {strides = array<i32>} : memref<8x128xf32, #tpu.memory_space<vmem>>, vector<16xf32>,
      %slice3A_1043 = vector.extract_strided_slice %select_n3A_508 {offsets = [6], sizes = [1], strides = [1]} : vector<16xi32> to vector<1xi32>
      %squeeze3A_1044 = vector.extract %slice3A_1043[0] : i32 from vector<1xi32>
      %broadcast_in_dim3A_1045 = vector.broadcast %squeeze3A_1044 : i32 to vector<16xi32>
      %broadcast_in_dim3A_1046 = arith.constant 6 : i32
      %broadcast_in_dim3A_1047 = vector.broadcast %broadcast_in_dim3A_1046 : i32 to vector<16xi32>
      %add3A_1048 = arith.constant 48 : i32
      %add3A_1049 = vector.broadcast %add3A_1048 : i32 to vector<16xi32>
      %add3A_1050 = arith.addi %iota3A, %add3A_1049 : vector<16xi32>
      %gather3A_1051 = tpu.vector_load_idx %arg7[%broadcast_in_dim3A_1047, %add3A_1050, %broadcast_in_dim3A_1045] : memref<9x64x128xf32, #tpu.memory_space<vmem>>[vector<16xi32>, vector<16xi32>, vector<16xi32>], vector<16xf32>,
      %swap3A_1052 = arith.constant 6 : i32
      %swap3A_1053 = arith.index_cast %swap3A_1052 : i32 to index
      %swap3A_1054 = arith.constant 48 : index
      %swap3A_1055 = tpu.vector_load %arg8[%swap3A_1053, %swap3A_1054] {strides = array<i32>} : memref<8x128xf32, #tpu.memory_space<vmem>>, vector<16xf32>,
      tpu.vector_store %arg8[%swap3A_1053, %swap3A_1054], %gather3A_1051 {strides = array<i32>} : memref<8x128xf32, #tpu.memory_space<vmem>>, vector<16xf32>,
      %swap3A_1056 = arith.constant 6 : i32
      %swap3A_1057 = arith.index_cast %swap3A_1056 : i32 to index
      %swap3A_1058 = arith.constant 112 : index
      %swap3A_1059 = tpu.vector_load %arg8[%swap3A_1057, %swap3A_1058] {strides = array<i32>} : memref<8x128xf32, #tpu.memory_space<vmem>>, vector<16xf32>,
      tpu.vector_store %arg8[%swap3A_1057, %swap3A_1058], %gather3A_940 {strides = array<i32>} : memref<8x128xf32, #tpu.memory_space<vmem>>, vector<16xf32>,
      %slice3A_1060 = vector.extract_strided_slice %select_n3A_508 {offsets = [7], sizes = [1], strides = [1]} : vector<16xi32> to vector<1xi32>
      %squeeze3A_1061 = vector.extract %slice3A_1060[0] : i32 from vector<1xi32>
      %broadcast_in_dim3A_1062 = vector.broadcast %squeeze3A_1061 : i32 to vector<16xi32>
      %broadcast_in_dim3A_1063 = arith.constant 7 : i32
      %broadcast_in_dim3A_1064 = vector.broadcast %broadcast_in_dim3A_1063 : i32 to vector<16xi32>
      %add3A_1065 = arith.constant 48 : i32
      %add3A_1066 = vector.broadcast %add3A_1065 : i32 to vector<16xi32>
      %add3A_1067 = arith.addi %iota3A, %add3A_1066 : vector<16xi32>
      %gather3A_1068 = tpu.vector_load_idx %arg7[%broadcast_in_dim3A_1064, %add3A_1067, %broadcast_in_dim3A_1062] : memref<9x64x128xf32, #tpu.memory_space<vmem>>[vector<16xi32>, vector<16xi32>, vector<16xi32>], vector<16xf32>,
      %swap3A_1069 = arith.constant 7 : i32
      %swap3A_1070 = arith.index_cast %swap3A_1069 : i32 to index
      %swap3A_1071 = arith.constant 48 : index
      %swap3A_1072 = tpu.vector_load %arg8[%swap3A_1070, %swap3A_1071] {strides = array<i32>} : memref<8x128xf32, #tpu.memory_space<vmem>>, vector<16xf32>,
      tpu.vector_store %arg8[%swap3A_1070, %swap3A_1071], %gather3A_1068 {strides = array<i32>} : memref<8x128xf32, #tpu.memory_space<vmem>>, vector<16xf32>,
      %swap3A_1073 = arith.constant 7 : i32
      %swap3A_1074 = arith.index_cast %swap3A_1073 : i32 to index
      %swap3A_1075 = arith.constant 112 : index
      %swap3A_1076 = tpu.vector_load %arg8[%swap3A_1074, %swap3A_1075] {strides = array<i32>} : memref<8x128xf32, #tpu.memory_space<vmem>>, vector<16xf32>,
      tpu.vector_store %arg8[%swap3A_1074, %swap3A_1075], %gather3A_940 {strides = array<i32>} : memref<8x128xf32, #tpu.memory_space<vmem>>, vector<16xf32>,
      "tpu.region"() ({
        %run_scoped3A = tpu.sem_alloc : memref<!tpu.dma_semaphore, #tpu.memory_space<semaphore_mem>>
        %dma_start3A_1077 = arith.constant 0 : i32
        %dma_start3A_1078 = tpu.memref_slice %arg5[%mul3A_4, %dma_start3A_1077] : memref<200x128xf32, #tpu.memory_space<hbm>> -> memref<8x128xf32, #tpu.memory_space<hbm>>
        %dma_start3A_1079 = arith.constant 0 : i32
        %dma_start3A_1080 = tpu.memref_slice %arg5[%mul3A_4, %dma_start3A_1079] : memref<200x128xf32, #tpu.memory_space<hbm>> -> memref<8x128xf32, #tpu.memory_space<hbm>>
        tpu.enqueue_dma source(%arg8 : memref<8x128xf32, #tpu.memory_space<vmem>>) target(%dma_start3A_1080 : memref<8x128xf32, #tpu.memory_space<hbm>>) target_semaphore(%run_scoped3A : memref<!tpu.dma_semaphore, #tpu.memory_space<semaphore_mem>>)
        %dma_wait3A_1081 = arith.constant 0 : i32
        %dma_wait3A_1082 = tpu.memref_slice %arg5[%mul3A_4, %dma_wait3A_1081] : memref<200x128xf32, #tpu.memory_space<hbm>> -> memref<8x128xf32, #tpu.memory_space<hbm>>
        %dma_wait3A_1083 = arith.constant 0 : i32
        %dma_wait3A_1084 = tpu.memref_slice %arg5[%mul3A_4, %dma_wait3A_1083] : memref<200x128xf32, #tpu.memory_space<hbm>> -> memref<8x128xf32, #tpu.memory_space<hbm>>
        tpu.wait_dma2 semaphore(%run_scoped3A : memref<!tpu.dma_semaphore, #tpu.memory_space<semaphore_mem>>) src(%arg8 : memref<8x128xf32, #tpu.memory_space<vmem>>) dst(%dma_wait3A_1084 : memref<8x128xf32, #tpu.memory_space<hbm>>)
        tpu.yield
      }) : () -> ()
    } else {
    }
    return
  }
}

module attributes {stable_mosaic.version = 14 : i64} {
  func.func @_tc_iou_body(%arg0: i32, %arg1: memref<200xi32, #tpu.memory_space<smem>>, %arg2: memref<1xi32, #tpu.memory_space<smem>>, %arg3: memref<32x512xi4, #tpu.memory_space<vmem>>, %arg4: memref<32x512xi4, #tpu.memory_space<vmem>>, %arg5: memref<32x512xi4, #tpu.memory_space<vmem>>, %arg6: memref<32x512xi4, #tpu.memory_space<vmem>>, %arg7: memref<32x512xi4, #tpu.memory_space<vmem>>, %arg8: memref<32x512xi4, #tpu.memory_space<vmem>>, %arg9: memref<32x512xi4, #tpu.memory_space<vmem>>, %arg10: memref<32x512xi4, #tpu.memory_space<vmem>>, %arg11: memref<32x512xi4, #tpu.memory_space<vmem>>, %arg12: memref<32x512xi4, #tpu.memory_space<vmem>>, %arg13: memref<32x512xi4, #tpu.memory_space<vmem>>, %arg14: memref<32x512xi4, #tpu.memory_space<vmem>>, %arg15: memref<32x512xi4, #tpu.memory_space<vmem>>, %arg16: memref<32x512xi4, #tpu.memory_space<vmem>>, %arg17: memref<32x512xi4, #tpu.memory_space<vmem>>, %arg18: memref<32x512xi4, #tpu.memory_space<vmem>>, %arg19: memref<32x512xi4, #tpu.memory_space<vmem>>, %arg20: memref<32x512xi4, #tpu.memory_space<vmem>>, %arg21: memref<32x512xi4, #tpu.memory_space<vmem>>, %arg22: memref<32x512xi4, #tpu.memory_space<vmem>>, %arg23: memref<32x512xi4, #tpu.memory_space<vmem>>, %arg24: memref<10x20xf32, #tpu.memory_space<vmem>>) attributes {dimension_semantics = [#tpu.dimension_semantics<arbitrary>], iteration_bounds = array<i64: 10>, scalar_prefetch = 2 : i64, scratch_operands = 0 : i64, tpu.core_type = #tpu.core_type<tc>, window_params = [{transform_indices = @transform_0, window_bounds = array<i64: 32, 512>}, {transform_indices = @transform_1, window_bounds = array<i64: 32, 512>}, {transform_indices = @transform_2, window_bounds = array<i64: 32, 512>}, {transform_indices = @transform_3, window_bounds = array<i64: 32, 512>}, {transform_indices = @transform_4, window_bounds = array<i64: 32, 512>}, {transform_indices = @transform_5, window_bounds = array<i64: 32, 512>}, {transform_indices = @transform_6, window_bounds = array<i64: 32, 512>}, {transform_indices = @transform_7, window_bounds = array<i64: 32, 512>}, {transform_indices = @transform_8, window_bounds = array<i64: 32, 512>}, {transform_indices = @transform_9, window_bounds = array<i64: 32, 512>}, {transform_indices = @transform_10, window_bounds = array<i64: 32, 512>}, {transform_indices = @transform_11, window_bounds = array<i64: 32, 512>}, {transform_indices = @transform_12, window_bounds = array<i64: 32, 512>}, {transform_indices = @transform_13, window_bounds = array<i64: 32, 512>}, {transform_indices = @transform_14, window_bounds = array<i64: 32, 512>}, {transform_indices = @transform_15, window_bounds = array<i64: 32, 512>}, {transform_indices = @transform_16, window_bounds = array<i64: 32, 512>}, {transform_indices = @transform_17, window_bounds = array<i64: 32, 512>}, {transform_indices = @transform_18, window_bounds = array<i64: 32, 512>}, {transform_indices = @transform_19, window_bounds = array<i64: 32, 512>}, {transform_indices = @transform_20, window_bounds = array<i64: 32, 512>}, {pipeline_mode = #tpu.pipeline_mode<synchronous>, transform_indices = @transform_21, window_bounds = array<i64: 10, 20>}]} {
    %iota3A = tpu.iota {dimensions = array<i32: 1>} : vector<1x32xi32>
    %get3A = arith.constant 0 : index
    %get3A_0 = memref.load %arg2[%get3A] : memref<1xi32, #tpu.memory_space<smem>>
    %jit3A = arith.constant 32 : i32
    %eq3A = arith.constant 0 : i32
    %eq3A_1 = arith.cmpi eq, %jit3A, %eq3A : i32
    %jit3A_2 = arith.constant 1 : i32
    %select_n3A = arith.select %eq3A_1, %jit3A_2, %jit3A : i32
    %rem3A = arith.remsi %get3A_0, %select_n3A : i32
    %ne3A = arith.constant 0 : i32
    %ne3A_3 = arith.cmpi ne, %rem3A, %ne3A : i32
    %lt3A = arith.constant 0 : i32
    %lt3A_4 = arith.cmpi slt, %rem3A, %lt3A : i32
    %lt3A_5 = arith.constant 0 : i32
    %lt3A_6 = arith.cmpi slt, %select_n3A, %lt3A_5 : i32
    %ne3A_7 = arith.xori %lt3A_4, %lt3A_6 : i1
    %and3A = arith.andi %ne3A_7, %ne3A_3 : i1
    %add3A = arith.addi %rem3A, %select_n3A : i32
    %select_n3A_8 = arith.select %and3A, %add3A, %rem3A : i32
    %eq3A_9 = vector.broadcast %select_n3A_8 : i32 to vector<1x32xi32>
    %eq3A_10 = arith.cmpi eq, %iota3A, %eq3A_9 : vector<1x32xi32>
    %convert_element_type3A = arith.extui %eq3A_10 : vector<1x32xi1> to vector<1x32xi4>
    %get3A_11 = arith.constant 0 : index
    %get3A_12 = arith.constant 0 : index
    %get3A_13 = vector.load %arg3[%get3A_11, %get3A_12] : memref<32x512xi4, #tpu.memory_space<vmem>>, vector<32x512xi4>
    %dot_general3A = arith.constant dense<0> : vector<1x512xi32>
    %dot_general3A_14 = tpu.matmul %convert_element_type3A, %get3A_13, %dot_general3A {dimension_numbers = #tpu.dot_dimension_numbers<[1], [0], [0], [1], [0, 0, 1, 1], [], []>, transpose_lhs_hint = false} : vector<1x32xi4>, vector<32x512xi4>, vector<1x512xi32> -> vector<1x512xi32>
    %convert_element_type3A_15 = arith.trunci %dot_general3A_14 : vector<1x512xi32> to vector<1x512xi4>
    %broadcast_in_dim3A = arith.constant 1 : i4
    %broadcast_in_dim3A_16 = vector.broadcast %broadcast_in_dim3A : i4 to vector<1x512xi4>
    %concatenate3A = tpu.concatenate %convert_element_type3A_15, %broadcast_in_dim3A_16 in 0 : vector<1x512xi4>, vector<1x512xi4> -> vector<2x512xi4>
    %get3A_17 = arith.constant 0 : index
    %get3A_18 = arith.constant 0 : index
    %get3A_19 = vector.load %arg3[%get3A_17, %get3A_18] : memref<32x512xi4, #tpu.memory_space<vmem>>, vector<32x512xi4>
    %get3A_20 = arith.constant 0 : index
    %get3A_21 = arith.constant 0 : index
    %get3A_22 = vector.load %arg4[%get3A_20, %get3A_21] : memref<32x512xi4, #tpu.memory_space<vmem>>, vector<32x512xi4>
    %get3A_23 = arith.constant 0 : index
    %get3A_24 = arith.constant 0 : index
    %get3A_25 = vector.load %arg5[%get3A_23, %get3A_24] : memref<32x512xi4, #tpu.memory_space<vmem>>, vector<32x512xi4>
    %get3A_26 = arith.constant 0 : index
    %get3A_27 = arith.constant 0 : index
    %get3A_28 = vector.load %arg6[%get3A_26, %get3A_27] : memref<32x512xi4, #tpu.memory_space<vmem>>, vector<32x512xi4>
    %get3A_29 = arith.constant 0 : index
    %get3A_30 = arith.constant 0 : index
    %get3A_31 = vector.load %arg7[%get3A_29, %get3A_30] : memref<32x512xi4, #tpu.memory_space<vmem>>, vector<32x512xi4>
    %get3A_32 = arith.constant 0 : index
    %get3A_33 = arith.constant 0 : index
    %get3A_34 = vector.load %arg8[%get3A_32, %get3A_33] : memref<32x512xi4, #tpu.memory_space<vmem>>, vector<32x512xi4>
    %get3A_35 = arith.constant 0 : index
    %get3A_36 = arith.constant 0 : index
    %get3A_37 = vector.load %arg9[%get3A_35, %get3A_36] : memref<32x512xi4, #tpu.memory_space<vmem>>, vector<32x512xi4>
    %get3A_38 = arith.constant 0 : index
    %get3A_39 = arith.constant 0 : index
    %get3A_40 = vector.load %arg10[%get3A_38, %get3A_39] : memref<32x512xi4, #tpu.memory_space<vmem>>, vector<32x512xi4>
    %get3A_41 = arith.constant 0 : index
    %get3A_42 = arith.constant 0 : index
    %get3A_43 = vector.load %arg11[%get3A_41, %get3A_42] : memref<32x512xi4, #tpu.memory_space<vmem>>, vector<32x512xi4>
    %get3A_44 = arith.constant 0 : index
    %get3A_45 = arith.constant 0 : index
    %get3A_46 = vector.load %arg12[%get3A_44, %get3A_45] : memref<32x512xi4, #tpu.memory_space<vmem>>, vector<32x512xi4>
    %get3A_47 = arith.constant 0 : index
    %get3A_48 = arith.constant 0 : index
    %get3A_49 = vector.load %arg13[%get3A_47, %get3A_48] : memref<32x512xi4, #tpu.memory_space<vmem>>, vector<32x512xi4>
    %get3A_50 = arith.constant 0 : index
    %get3A_51 = arith.constant 0 : index
    %get3A_52 = vector.load %arg14[%get3A_50, %get3A_51] : memref<32x512xi4, #tpu.memory_space<vmem>>, vector<32x512xi4>
    %get3A_53 = arith.constant 0 : index
    %get3A_54 = arith.constant 0 : index
    %get3A_55 = vector.load %arg15[%get3A_53, %get3A_54] : memref<32x512xi4, #tpu.memory_space<vmem>>, vector<32x512xi4>
    %get3A_56 = arith.constant 0 : index
    %get3A_57 = arith.constant 0 : index
    %get3A_58 = vector.load %arg16[%get3A_56, %get3A_57] : memref<32x512xi4, #tpu.memory_space<vmem>>, vector<32x512xi4>
    %get3A_59 = arith.constant 0 : index
    %get3A_60 = arith.constant 0 : index
    %get3A_61 = vector.load %arg17[%get3A_59, %get3A_60] : memref<32x512xi4, #tpu.memory_space<vmem>>, vector<32x512xi4>
    %get3A_62 = arith.constant 0 : index
    %get3A_63 = arith.constant 0 : index
    %get3A_64 = vector.load %arg18[%get3A_62, %get3A_63] : memref<32x512xi4, #tpu.memory_space<vmem>>, vector<32x512xi4>
    %get3A_65 = arith.constant 0 : index
    %get3A_66 = arith.constant 0 : index
    %get3A_67 = vector.load %arg19[%get3A_65, %get3A_66] : memref<32x512xi4, #tpu.memory_space<vmem>>, vector<32x512xi4>
    %get3A_68 = arith.constant 0 : index
    %get3A_69 = arith.constant 0 : index
    %get3A_70 = vector.load %arg20[%get3A_68, %get3A_69] : memref<32x512xi4, #tpu.memory_space<vmem>>, vector<32x512xi4>
    %get3A_71 = arith.constant 0 : index
    %get3A_72 = arith.constant 0 : index
    %get3A_73 = vector.load %arg21[%get3A_71, %get3A_72] : memref<32x512xi4, #tpu.memory_space<vmem>>, vector<32x512xi4>
    %get3A_74 = arith.constant 0 : index
    %get3A_75 = arith.constant 0 : index
    %get3A_76 = vector.load %arg22[%get3A_74, %get3A_75] : memref<32x512xi4, #tpu.memory_space<vmem>>, vector<32x512xi4>
    %get3A_77 = arith.constant 0 : index
    %get3A_78 = arith.constant 0 : index
    %get3A_79 = vector.load %arg23[%get3A_77, %get3A_78] : memref<32x512xi4, #tpu.memory_space<vmem>>, vector<32x512xi4>
    %concatenate3A_80 = tpu.concatenate %get3A_19, %get3A_22, %get3A_25, %get3A_28, %get3A_31, %get3A_34, %get3A_37, %get3A_40, %get3A_43, %get3A_46, %get3A_49, %get3A_52, %get3A_55, %get3A_58, %get3A_61, %get3A_64, %get3A_67, %get3A_70, %get3A_73, %get3A_76, %get3A_79 in 0 : vector<32x512xi4>, vector<32x512xi4>, vector<32x512xi4>, vector<32x512xi4>, vector<32x512xi4>, vector<32x512xi4>, vector<32x512xi4>, vector<32x512xi4>, vector<32x512xi4>, vector<32x512xi4>, vector<32x512xi4>, vector<32x512xi4>, vector<32x512xi4>, vector<32x512xi4>, vector<32x512xi4>, vector<32x512xi4>, vector<32x512xi4>, vector<32x512xi4>, vector<32x512xi4>, vector<32x512xi4>, vector<32x512xi4> -> vector<672x512xi4>
    %dot_general3A_81 = arith.constant dense<0> : vector<2x672xi32>
    %dot_general3A_82 = tpu.matmul %concatenate3A, %concatenate3A_80, %dot_general3A_81 {dimension_numbers = #tpu.dot_dimension_numbers<[1], [1], [0], [0], [0, 0, 1, 0], [], []>, transpose_lhs_hint = false} : vector<2x512xi4>, vector<672x512xi4>, vector<2x672xi32> -> vector<2x672xi32>
    %convert_element_type3A_83 = arith.sitofp %dot_general3A_82 : vector<2x672xi32> to vector<2x672xf32>
    %get3A_84 = arith.constant 0 : index
    %get3A_85 = memref.load %arg2[%get3A_84] : memref<1xi32, #tpu.memory_space<smem>>
    %jit3A_86 = arith.constant 32 : i32
    %eq3A_87 = arith.constant 0 : i32
    %eq3A_88 = arith.cmpi eq, %jit3A_86, %eq3A_87 : i32
    %jit3A_89 = arith.constant 1 : i32
    %select_n3A_90 = arith.select %eq3A_88, %jit3A_89, %jit3A_86 : i32
    %rem3A_91 = arith.remsi %get3A_85, %select_n3A_90 : i32
    %ne3A_92 = arith.constant 0 : i32
    %ne3A_93 = arith.cmpi ne, %rem3A_91, %ne3A_92 : i32
    %lt3A_94 = arith.constant 0 : i32
    %lt3A_95 = arith.cmpi slt, %rem3A_91, %lt3A_94 : i32
    %lt3A_96 = arith.constant 0 : i32
    %lt3A_97 = arith.cmpi slt, %select_n3A_90, %lt3A_96 : i32
    %ne3A_98 = arith.xori %lt3A_95, %lt3A_97 : i1
    %and3A_99 = arith.andi %ne3A_98, %ne3A_93 : i1
    %add3A_100 = arith.addi %rem3A_91, %select_n3A_90 : i32
    %select_n3A_101 = arith.select %and3A_99, %add3A_100, %rem3A_91 : i32
    %broadcast_in_dim3A_102 = vector.broadcast %select_n3A_101 : i32 to vector<1x1xi32>
    %mul3A = arith.constant 20 : i32
    %mul3A_103 = arith.muli %arg0, %mul3A : i32
    %add3A_104 = arith.constant 0 : i32
    %add3A_105 = arith.addi %mul3A_103, %add3A_104 : i32
    %get3A_106 = arith.index_cast %add3A_105 : i32 to index
    %get3A_107 = memref.load %arg1[%get3A_106] : memref<200xi32, #tpu.memory_space<smem>>
    %jit3A_108 = arith.constant 32 : i32
    %eq3A_109 = arith.constant 0 : i32
    %eq3A_110 = arith.cmpi eq, %jit3A_108, %eq3A_109 : i32
    %jit3A_111 = arith.constant 1 : i32
    %select_n3A_112 = arith.select %eq3A_110, %jit3A_111, %jit3A_108 : i32
    %rem3A_113 = arith.remsi %get3A_107, %select_n3A_112 : i32
    %ne3A_114 = arith.constant 0 : i32
    %ne3A_115 = arith.cmpi ne, %rem3A_113, %ne3A_114 : i32
    %lt3A_116 = arith.constant 0 : i32
    %lt3A_117 = arith.cmpi slt, %rem3A_113, %lt3A_116 : i32
    %lt3A_118 = arith.constant 0 : i32
    %lt3A_119 = arith.cmpi slt, %select_n3A_112, %lt3A_118 : i32
    %ne3A_120 = arith.xori %lt3A_117, %lt3A_119 : i1
    %and3A_121 = arith.andi %ne3A_120, %ne3A_115 : i1
    %add3A_122 = arith.addi %rem3A_113, %select_n3A_112 : i32
    %select_n3A_123 = arith.select %and3A_121, %add3A_122, %rem3A_113 : i32
    %add3A_124 = arith.constant 32 : i32
    %add3A_125 = arith.addi %add3A_124, %select_n3A_123 : i32
    %broadcast_in_dim3A_126 = vector.broadcast %add3A_125 : i32 to vector<1x1xi32>
    %mul3A_127 = arith.constant 20 : i32
    %mul3A_128 = arith.muli %arg0, %mul3A_127 : i32
    %add3A_129 = arith.constant 1 : i32
    %add3A_130 = arith.addi %mul3A_128, %add3A_129 : i32
    %get3A_131 = arith.index_cast %add3A_130 : i32 to index
    %get3A_132 = memref.load %arg1[%get3A_131] : memref<200xi32, #tpu.memory_space<smem>>
    %jit3A_133 = arith.constant 32 : i32
    %eq3A_134 = arith.constant 0 : i32
    %eq3A_135 = arith.cmpi eq, %jit3A_133, %eq3A_134 : i32
    %jit3A_136 = arith.constant 1 : i32
    %select_n3A_137 = arith.select %eq3A_135, %jit3A_136, %jit3A_133 : i32
    %rem3A_138 = arith.remsi %get3A_132, %select_n3A_137 : i32
    %ne3A_139 = arith.constant 0 : i32
    %ne3A_140 = arith.cmpi ne, %rem3A_138, %ne3A_139 : i32
    %lt3A_141 = arith.constant 0 : i32
    %lt3A_142 = arith.cmpi slt, %rem3A_138, %lt3A_141 : i32
    %lt3A_143 = arith.constant 0 : i32
    %lt3A_144 = arith.cmpi slt, %select_n3A_137, %lt3A_143 : i32
    %ne3A_145 = arith.xori %lt3A_142, %lt3A_144 : i1
    %and3A_146 = arith.andi %ne3A_145, %ne3A_140 : i1
    %add3A_147 = arith.addi %rem3A_138, %select_n3A_137 : i32
    %select_n3A_148 = arith.select %and3A_146, %add3A_147, %rem3A_138 : i32
    %add3A_149 = arith.constant 64 : i32
    %add3A_150 = arith.addi %add3A_149, %select_n3A_148 : i32
    %broadcast_in_dim3A_151 = vector.broadcast %add3A_150 : i32 to vector<1x1xi32>
    %mul3A_152 = arith.constant 20 : i32
    %mul3A_153 = arith.muli %arg0, %mul3A_152 : i32
    %add3A_154 = arith.constant 2 : i32
    %add3A_155 = arith.addi %mul3A_153, %add3A_154 : i32
    %get3A_156 = arith.index_cast %add3A_155 : i32 to index
    %get3A_157 = memref.load %arg1[%get3A_156] : memref<200xi32, #tpu.memory_space<smem>>
    %jit3A_158 = arith.constant 32 : i32
    %eq3A_159 = arith.constant 0 : i32
    %eq3A_160 = arith.cmpi eq, %jit3A_158, %eq3A_159 : i32
    %jit3A_161 = arith.constant 1 : i32
    %select_n3A_162 = arith.select %eq3A_160, %jit3A_161, %jit3A_158 : i32
    %rem3A_163 = arith.remsi %get3A_157, %select_n3A_162 : i32
    %ne3A_164 = arith.constant 0 : i32
    %ne3A_165 = arith.cmpi ne, %rem3A_163, %ne3A_164 : i32
    %lt3A_166 = arith.constant 0 : i32
    %lt3A_167 = arith.cmpi slt, %rem3A_163, %lt3A_166 : i32
    %lt3A_168 = arith.constant 0 : i32
    %lt3A_169 = arith.cmpi slt, %select_n3A_162, %lt3A_168 : i32
    %ne3A_170 = arith.xori %lt3A_167, %lt3A_169 : i1
    %and3A_171 = arith.andi %ne3A_170, %ne3A_165 : i1
    %add3A_172 = arith.addi %rem3A_163, %select_n3A_162 : i32
    %select_n3A_173 = arith.select %and3A_171, %add3A_172, %rem3A_163 : i32
    %add3A_174 = arith.constant 96 : i32
    %add3A_175 = arith.addi %add3A_174, %select_n3A_173 : i32
    %broadcast_in_dim3A_176 = vector.broadcast %add3A_175 : i32 to vector<1x1xi32>
    %mul3A_177 = arith.constant 20 : i32
    %mul3A_178 = arith.muli %arg0, %mul3A_177 : i32
    %add3A_179 = arith.constant 3 : i32
    %add3A_180 = arith.addi %mul3A_178, %add3A_179 : i32
    %get3A_181 = arith.index_cast %add3A_180 : i32 to index
    %get3A_182 = memref.load %arg1[%get3A_181] : memref<200xi32, #tpu.memory_space<smem>>
    %jit3A_183 = arith.constant 32 : i32
    %eq3A_184 = arith.constant 0 : i32
    %eq3A_185 = arith.cmpi eq, %jit3A_183, %eq3A_184 : i32
    %jit3A_186 = arith.constant 1 : i32
    %select_n3A_187 = arith.select %eq3A_185, %jit3A_186, %jit3A_183 : i32
    %rem3A_188 = arith.remsi %get3A_182, %select_n3A_187 : i32
    %ne3A_189 = arith.constant 0 : i32
    %ne3A_190 = arith.cmpi ne, %rem3A_188, %ne3A_189 : i32
    %lt3A_191 = arith.constant 0 : i32
    %lt3A_192 = arith.cmpi slt, %rem3A_188, %lt3A_191 : i32
    %lt3A_193 = arith.constant 0 : i32
    %lt3A_194 = arith.cmpi slt, %select_n3A_187, %lt3A_193 : i32
    %ne3A_195 = arith.xori %lt3A_192, %lt3A_194 : i1
    %and3A_196 = arith.andi %ne3A_195, %ne3A_190 : i1
    %add3A_197 = arith.addi %rem3A_188, %select_n3A_187 : i32
    %select_n3A_198 = arith.select %and3A_196, %add3A_197, %rem3A_188 : i32
    %add3A_199 = arith.constant 128 : i32
    %add3A_200 = arith.addi %add3A_199, %select_n3A_198 : i32
    %broadcast_in_dim3A_201 = vector.broadcast %add3A_200 : i32 to vector<1x1xi32>
    %mul3A_202 = arith.constant 20 : i32
    %mul3A_203 = arith.muli %arg0, %mul3A_202 : i32
    %add3A_204 = arith.constant 4 : i32
    %add3A_205 = arith.addi %mul3A_203, %add3A_204 : i32
    %get3A_206 = arith.index_cast %add3A_205 : i32 to index
    %get3A_207 = memref.load %arg1[%get3A_206] : memref<200xi32, #tpu.memory_space<smem>>
    %jit3A_208 = arith.constant 32 : i32
    %eq3A_209 = arith.constant 0 : i32
    %eq3A_210 = arith.cmpi eq, %jit3A_208, %eq3A_209 : i32
    %jit3A_211 = arith.constant 1 : i32
    %select_n3A_212 = arith.select %eq3A_210, %jit3A_211, %jit3A_208 : i32
    %rem3A_213 = arith.remsi %get3A_207, %select_n3A_212 : i32
    %ne3A_214 = arith.constant 0 : i32
    %ne3A_215 = arith.cmpi ne, %rem3A_213, %ne3A_214 : i32
    %lt3A_216 = arith.constant 0 : i32
    %lt3A_217 = arith.cmpi slt, %rem3A_213, %lt3A_216 : i32
    %lt3A_218 = arith.constant 0 : i32
    %lt3A_219 = arith.cmpi slt, %select_n3A_212, %lt3A_218 : i32
    %ne3A_220 = arith.xori %lt3A_217, %lt3A_219 : i1
    %and3A_221 = arith.andi %ne3A_220, %ne3A_215 : i1
    %add3A_222 = arith.addi %rem3A_213, %select_n3A_212 : i32
    %select_n3A_223 = arith.select %and3A_221, %add3A_222, %rem3A_213 : i32
    %add3A_224 = arith.constant 160 : i32
    %add3A_225 = arith.addi %add3A_224, %select_n3A_223 : i32
    %broadcast_in_dim3A_226 = vector.broadcast %add3A_225 : i32 to vector<1x1xi32>
    %mul3A_227 = arith.constant 20 : i32
    %mul3A_228 = arith.muli %arg0, %mul3A_227 : i32
    %add3A_229 = arith.constant 5 : i32
    %add3A_230 = arith.addi %mul3A_228, %add3A_229 : i32
    %get3A_231 = arith.index_cast %add3A_230 : i32 to index
    %get3A_232 = memref.load %arg1[%get3A_231] : memref<200xi32, #tpu.memory_space<smem>>
    %jit3A_233 = arith.constant 32 : i32
    %eq3A_234 = arith.constant 0 : i32
    %eq3A_235 = arith.cmpi eq, %jit3A_233, %eq3A_234 : i32
    %jit3A_236 = arith.constant 1 : i32
    %select_n3A_237 = arith.select %eq3A_235, %jit3A_236, %jit3A_233 : i32
    %rem3A_238 = arith.remsi %get3A_232, %select_n3A_237 : i32
    %ne3A_239 = arith.constant 0 : i32
    %ne3A_240 = arith.cmpi ne, %rem3A_238, %ne3A_239 : i32
    %lt3A_241 = arith.constant 0 : i32
    %lt3A_242 = arith.cmpi slt, %rem3A_238, %lt3A_241 : i32
    %lt3A_243 = arith.constant 0 : i32
    %lt3A_244 = arith.cmpi slt, %select_n3A_237, %lt3A_243 : i32
    %ne3A_245 = arith.xori %lt3A_242, %lt3A_244 : i1
    %and3A_246 = arith.andi %ne3A_245, %ne3A_240 : i1
    %add3A_247 = arith.addi %rem3A_238, %select_n3A_237 : i32
    %select_n3A_248 = arith.select %and3A_246, %add3A_247, %rem3A_238 : i32
    %add3A_249 = arith.constant 192 : i32
    %add3A_250 = arith.addi %add3A_249, %select_n3A_248 : i32
    %broadcast_in_dim3A_251 = vector.broadcast %add3A_250 : i32 to vector<1x1xi32>
    %mul3A_252 = arith.constant 20 : i32
    %mul3A_253 = arith.muli %arg0, %mul3A_252 : i32
    %add3A_254 = arith.constant 6 : i32
    %add3A_255 = arith.addi %mul3A_253, %add3A_254 : i32
    %get3A_256 = arith.index_cast %add3A_255 : i32 to index
    %get3A_257 = memref.load %arg1[%get3A_256] : memref<200xi32, #tpu.memory_space<smem>>
    %jit3A_258 = arith.constant 32 : i32
    %eq3A_259 = arith.constant 0 : i32
    %eq3A_260 = arith.cmpi eq, %jit3A_258, %eq3A_259 : i32
    %jit3A_261 = arith.constant 1 : i32
    %select_n3A_262 = arith.select %eq3A_260, %jit3A_261, %jit3A_258 : i32
    %rem3A_263 = arith.remsi %get3A_257, %select_n3A_262 : i32
    %ne3A_264 = arith.constant 0 : i32
    %ne3A_265 = arith.cmpi ne, %rem3A_263, %ne3A_264 : i32
    %lt3A_266 = arith.constant 0 : i32
    %lt3A_267 = arith.cmpi slt, %rem3A_263, %lt3A_266 : i32
    %lt3A_268 = arith.constant 0 : i32
    %lt3A_269 = arith.cmpi slt, %select_n3A_262, %lt3A_268 : i32
    %ne3A_270 = arith.xori %lt3A_267, %lt3A_269 : i1
    %and3A_271 = arith.andi %ne3A_270, %ne3A_265 : i1
    %add3A_272 = arith.addi %rem3A_263, %select_n3A_262 : i32
    %select_n3A_273 = arith.select %and3A_271, %add3A_272, %rem3A_263 : i32
    %add3A_274 = arith.constant 224 : i32
    %add3A_275 = arith.addi %add3A_274, %select_n3A_273 : i32
    %broadcast_in_dim3A_276 = vector.broadcast %add3A_275 : i32 to vector<1x1xi32>
    %mul3A_277 = arith.constant 20 : i32
    %mul3A_278 = arith.muli %arg0, %mul3A_277 : i32
    %add3A_279 = arith.constant 7 : i32
    %add3A_280 = arith.addi %mul3A_278, %add3A_279 : i32
    %get3A_281 = arith.index_cast %add3A_280 : i32 to index
    %get3A_282 = memref.load %arg1[%get3A_281] : memref<200xi32, #tpu.memory_space<smem>>
    %jit3A_283 = arith.constant 32 : i32
    %eq3A_284 = arith.constant 0 : i32
    %eq3A_285 = arith.cmpi eq, %jit3A_283, %eq3A_284 : i32
    %jit3A_286 = arith.constant 1 : i32
    %select_n3A_287 = arith.select %eq3A_285, %jit3A_286, %jit3A_283 : i32
    %rem3A_288 = arith.remsi %get3A_282, %select_n3A_287 : i32
    %ne3A_289 = arith.constant 0 : i32
    %ne3A_290 = arith.cmpi ne, %rem3A_288, %ne3A_289 : i32
    %lt3A_291 = arith.constant 0 : i32
    %lt3A_292 = arith.cmpi slt, %rem3A_288, %lt3A_291 : i32
    %lt3A_293 = arith.constant 0 : i32
    %lt3A_294 = arith.cmpi slt, %select_n3A_287, %lt3A_293 : i32
    %ne3A_295 = arith.xori %lt3A_292, %lt3A_294 : i1
    %and3A_296 = arith.andi %ne3A_295, %ne3A_290 : i1
    %add3A_297 = arith.addi %rem3A_288, %select_n3A_287 : i32
    %select_n3A_298 = arith.select %and3A_296, %add3A_297, %rem3A_288 : i32
    %add3A_299 = arith.constant 256 : i32
    %add3A_300 = arith.addi %add3A_299, %select_n3A_298 : i32
    %broadcast_in_dim3A_301 = vector.broadcast %add3A_300 : i32 to vector<1x1xi32>
    %mul3A_302 = arith.constant 20 : i32
    %mul3A_303 = arith.muli %arg0, %mul3A_302 : i32
    %add3A_304 = arith.constant 8 : i32
    %add3A_305 = arith.addi %mul3A_303, %add3A_304 : i32
    %get3A_306 = arith.index_cast %add3A_305 : i32 to index
    %get3A_307 = memref.load %arg1[%get3A_306] : memref<200xi32, #tpu.memory_space<smem>>
    %jit3A_308 = arith.constant 32 : i32
    %eq3A_309 = arith.constant 0 : i32
    %eq3A_310 = arith.cmpi eq, %jit3A_308, %eq3A_309 : i32
    %jit3A_311 = arith.constant 1 : i32
    %select_n3A_312 = arith.select %eq3A_310, %jit3A_311, %jit3A_308 : i32
    %rem3A_313 = arith.remsi %get3A_307, %select_n3A_312 : i32
    %ne3A_314 = arith.constant 0 : i32
    %ne3A_315 = arith.cmpi ne, %rem3A_313, %ne3A_314 : i32
    %lt3A_316 = arith.constant 0 : i32
    %lt3A_317 = arith.cmpi slt, %rem3A_313, %lt3A_316 : i32
    %lt3A_318 = arith.constant 0 : i32
    %lt3A_319 = arith.cmpi slt, %select_n3A_312, %lt3A_318 : i32
    %ne3A_320 = arith.xori %lt3A_317, %lt3A_319 : i1
    %and3A_321 = arith.andi %ne3A_320, %ne3A_315 : i1
    %add3A_322 = arith.addi %rem3A_313, %select_n3A_312 : i32
    %select_n3A_323 = arith.select %and3A_321, %add3A_322, %rem3A_313 : i32
    %add3A_324 = arith.constant 288 : i32
    %add3A_325 = arith.addi %add3A_324, %select_n3A_323 : i32
    %broadcast_in_dim3A_326 = vector.broadcast %add3A_325 : i32 to vector<1x1xi32>
    %mul3A_327 = arith.constant 20 : i32
    %mul3A_328 = arith.muli %arg0, %mul3A_327 : i32
    %add3A_329 = arith.constant 9 : i32
    %add3A_330 = arith.addi %mul3A_328, %add3A_329 : i32
    %get3A_331 = arith.index_cast %add3A_330 : i32 to index
    %get3A_332 = memref.load %arg1[%get3A_331] : memref<200xi32, #tpu.memory_space<smem>>
    %jit3A_333 = arith.constant 32 : i32
    %eq3A_334 = arith.constant 0 : i32
    %eq3A_335 = arith.cmpi eq, %jit3A_333, %eq3A_334 : i32
    %jit3A_336 = arith.constant 1 : i32
    %select_n3A_337 = arith.select %eq3A_335, %jit3A_336, %jit3A_333 : i32
    %rem3A_338 = arith.remsi %get3A_332, %select_n3A_337 : i32
    %ne3A_339 = arith.constant 0 : i32
    %ne3A_340 = arith.cmpi ne, %rem3A_338, %ne3A_339 : i32
    %lt3A_341 = arith.constant 0 : i32
    %lt3A_342 = arith.cmpi slt, %rem3A_338, %lt3A_341 : i32
    %lt3A_343 = arith.constant 0 : i32
    %lt3A_344 = arith.cmpi slt, %select_n3A_337, %lt3A_343 : i32
    %ne3A_345 = arith.xori %lt3A_342, %lt3A_344 : i1
    %and3A_346 = arith.andi %ne3A_345, %ne3A_340 : i1
    %add3A_347 = arith.addi %rem3A_338, %select_n3A_337 : i32
    %select_n3A_348 = arith.select %and3A_346, %add3A_347, %rem3A_338 : i32
    %add3A_349 = arith.constant 320 : i32
    %add3A_350 = arith.addi %add3A_349, %select_n3A_348 : i32
    %broadcast_in_dim3A_351 = vector.broadcast %add3A_350 : i32 to vector<1x1xi32>
    %mul3A_352 = arith.constant 20 : i32
    %mul3A_353 = arith.muli %arg0, %mul3A_352 : i32
    %add3A_354 = arith.constant 10 : i32
    %add3A_355 = arith.addi %mul3A_353, %add3A_354 : i32
    %get3A_356 = arith.index_cast %add3A_355 : i32 to index
    %get3A_357 = memref.load %arg1[%get3A_356] : memref<200xi32, #tpu.memory_space<smem>>
    %jit3A_358 = arith.constant 32 : i32
    %eq3A_359 = arith.constant 0 : i32
    %eq3A_360 = arith.cmpi eq, %jit3A_358, %eq3A_359 : i32
    %jit3A_361 = arith.constant 1 : i32
    %select_n3A_362 = arith.select %eq3A_360, %jit3A_361, %jit3A_358 : i32
    %rem3A_363 = arith.remsi %get3A_357, %select_n3A_362 : i32
    %ne3A_364 = arith.constant 0 : i32
    %ne3A_365 = arith.cmpi ne, %rem3A_363, %ne3A_364 : i32
    %lt3A_366 = arith.constant 0 : i32
    %lt3A_367 = arith.cmpi slt, %rem3A_363, %lt3A_366 : i32
    %lt3A_368 = arith.constant 0 : i32
    %lt3A_369 = arith.cmpi slt, %select_n3A_362, %lt3A_368 : i32
    %ne3A_370 = arith.xori %lt3A_367, %lt3A_369 : i1
    %and3A_371 = arith.andi %ne3A_370, %ne3A_365 : i1
    %add3A_372 = arith.addi %rem3A_363, %select_n3A_362 : i32
    %select_n3A_373 = arith.select %and3A_371, %add3A_372, %rem3A_363 : i32
    %add3A_374 = arith.constant 352 : i32
    %add3A_375 = arith.addi %add3A_374, %select_n3A_373 : i32
    %broadcast_in_dim3A_376 = vector.broadcast %add3A_375 : i32 to vector<1x1xi32>
    %mul3A_377 = arith.constant 20 : i32
    %mul3A_378 = arith.muli %arg0, %mul3A_377 : i32
    %add3A_379 = arith.constant 11 : i32
    %add3A_380 = arith.addi %mul3A_378, %add3A_379 : i32
    %get3A_381 = arith.index_cast %add3A_380 : i32 to index
    %get3A_382 = memref.load %arg1[%get3A_381] : memref<200xi32, #tpu.memory_space<smem>>
    %jit3A_383 = arith.constant 32 : i32
    %eq3A_384 = arith.constant 0 : i32
    %eq3A_385 = arith.cmpi eq, %jit3A_383, %eq3A_384 : i32
    %jit3A_386 = arith.constant 1 : i32
    %select_n3A_387 = arith.select %eq3A_385, %jit3A_386, %jit3A_383 : i32
    %rem3A_388 = arith.remsi %get3A_382, %select_n3A_387 : i32
    %ne3A_389 = arith.constant 0 : i32
    %ne3A_390 = arith.cmpi ne, %rem3A_388, %ne3A_389 : i32
    %lt3A_391 = arith.constant 0 : i32
    %lt3A_392 = arith.cmpi slt, %rem3A_388, %lt3A_391 : i32
    %lt3A_393 = arith.constant 0 : i32
    %lt3A_394 = arith.cmpi slt, %select_n3A_387, %lt3A_393 : i32
    %ne3A_395 = arith.xori %lt3A_392, %lt3A_394 : i1
    %and3A_396 = arith.andi %ne3A_395, %ne3A_390 : i1
    %add3A_397 = arith.addi %rem3A_388, %select_n3A_387 : i32
    %select_n3A_398 = arith.select %and3A_396, %add3A_397, %rem3A_388 : i32
    %add3A_399 = arith.constant 384 : i32
    %add3A_400 = arith.addi %add3A_399, %select_n3A_398 : i32
    %broadcast_in_dim3A_401 = vector.broadcast %add3A_400 : i32 to vector<1x1xi32>
    %mul3A_402 = arith.constant 20 : i32
    %mul3A_403 = arith.muli %arg0, %mul3A_402 : i32
    %add3A_404 = arith.constant 12 : i32
    %add3A_405 = arith.addi %mul3A_403, %add3A_404 : i32
    %get3A_406 = arith.index_cast %add3A_405 : i32 to index
    %get3A_407 = memref.load %arg1[%get3A_406] : memref<200xi32, #tpu.memory_space<smem>>
    %jit3A_408 = arith.constant 32 : i32
    %eq3A_409 = arith.constant 0 : i32
    %eq3A_410 = arith.cmpi eq, %jit3A_408, %eq3A_409 : i32
    %jit3A_411 = arith.constant 1 : i32
    %select_n3A_412 = arith.select %eq3A_410, %jit3A_411, %jit3A_408 : i32
    %rem3A_413 = arith.remsi %get3A_407, %select_n3A_412 : i32
    %ne3A_414 = arith.constant 0 : i32
    %ne3A_415 = arith.cmpi ne, %rem3A_413, %ne3A_414 : i32
    %lt3A_416 = arith.constant 0 : i32
    %lt3A_417 = arith.cmpi slt, %rem3A_413, %lt3A_416 : i32
    %lt3A_418 = arith.constant 0 : i32
    %lt3A_419 = arith.cmpi slt, %select_n3A_412, %lt3A_418 : i32
    %ne3A_420 = arith.xori %lt3A_417, %lt3A_419 : i1
    %and3A_421 = arith.andi %ne3A_420, %ne3A_415 : i1
    %add3A_422 = arith.addi %rem3A_413, %select_n3A_412 : i32
    %select_n3A_423 = arith.select %and3A_421, %add3A_422, %rem3A_413 : i32
    %add3A_424 = arith.constant 416 : i32
    %add3A_425 = arith.addi %add3A_424, %select_n3A_423 : i32
    %broadcast_in_dim3A_426 = vector.broadcast %add3A_425 : i32 to vector<1x1xi32>
    %mul3A_427 = arith.constant 20 : i32
    %mul3A_428 = arith.muli %arg0, %mul3A_427 : i32
    %add3A_429 = arith.constant 13 : i32
    %add3A_430 = arith.addi %mul3A_428, %add3A_429 : i32
    %get3A_431 = arith.index_cast %add3A_430 : i32 to index
    %get3A_432 = memref.load %arg1[%get3A_431] : memref<200xi32, #tpu.memory_space<smem>>
    %jit3A_433 = arith.constant 32 : i32
    %eq3A_434 = arith.constant 0 : i32
    %eq3A_435 = arith.cmpi eq, %jit3A_433, %eq3A_434 : i32
    %jit3A_436 = arith.constant 1 : i32
    %select_n3A_437 = arith.select %eq3A_435, %jit3A_436, %jit3A_433 : i32
    %rem3A_438 = arith.remsi %get3A_432, %select_n3A_437 : i32
    %ne3A_439 = arith.constant 0 : i32
    %ne3A_440 = arith.cmpi ne, %rem3A_438, %ne3A_439 : i32
    %lt3A_441 = arith.constant 0 : i32
    %lt3A_442 = arith.cmpi slt, %rem3A_438, %lt3A_441 : i32
    %lt3A_443 = arith.constant 0 : i32
    %lt3A_444 = arith.cmpi slt, %select_n3A_437, %lt3A_443 : i32
    %ne3A_445 = arith.xori %lt3A_442, %lt3A_444 : i1
    %and3A_446 = arith.andi %ne3A_445, %ne3A_440 : i1
    %add3A_447 = arith.addi %rem3A_438, %select_n3A_437 : i32
    %select_n3A_448 = arith.select %and3A_446, %add3A_447, %rem3A_438 : i32
    %add3A_449 = arith.constant 448 : i32
    %add3A_450 = arith.addi %add3A_449, %select_n3A_448 : i32
    %broadcast_in_dim3A_451 = vector.broadcast %add3A_450 : i32 to vector<1x1xi32>
    %mul3A_452 = arith.constant 20 : i32
    %mul3A_453 = arith.muli %arg0, %mul3A_452 : i32
    %add3A_454 = arith.constant 14 : i32
    %add3A_455 = arith.addi %mul3A_453, %add3A_454 : i32
    %get3A_456 = arith.index_cast %add3A_455 : i32 to index
    %get3A_457 = memref.load %arg1[%get3A_456] : memref<200xi32, #tpu.memory_space<smem>>
    %jit3A_458 = arith.constant 32 : i32
    %eq3A_459 = arith.constant 0 : i32
    %eq3A_460 = arith.cmpi eq, %jit3A_458, %eq3A_459 : i32
    %jit3A_461 = arith.constant 1 : i32
    %select_n3A_462 = arith.select %eq3A_460, %jit3A_461, %jit3A_458 : i32
    %rem3A_463 = arith.remsi %get3A_457, %select_n3A_462 : i32
    %ne3A_464 = arith.constant 0 : i32
    %ne3A_465 = arith.cmpi ne, %rem3A_463, %ne3A_464 : i32
    %lt3A_466 = arith.constant 0 : i32
    %lt3A_467 = arith.cmpi slt, %rem3A_463, %lt3A_466 : i32
    %lt3A_468 = arith.constant 0 : i32
    %lt3A_469 = arith.cmpi slt, %select_n3A_462, %lt3A_468 : i32
    %ne3A_470 = arith.xori %lt3A_467, %lt3A_469 : i1
    %and3A_471 = arith.andi %ne3A_470, %ne3A_465 : i1
    %add3A_472 = arith.addi %rem3A_463, %select_n3A_462 : i32
    %select_n3A_473 = arith.select %and3A_471, %add3A_472, %rem3A_463 : i32
    %add3A_474 = arith.constant 480 : i32
    %add3A_475 = arith.addi %add3A_474, %select_n3A_473 : i32
    %broadcast_in_dim3A_476 = vector.broadcast %add3A_475 : i32 to vector<1x1xi32>
    %mul3A_477 = arith.constant 20 : i32
    %mul3A_478 = arith.muli %arg0, %mul3A_477 : i32
    %add3A_479 = arith.constant 15 : i32
    %add3A_480 = arith.addi %mul3A_478, %add3A_479 : i32
    %get3A_481 = arith.index_cast %add3A_480 : i32 to index
    %get3A_482 = memref.load %arg1[%get3A_481] : memref<200xi32, #tpu.memory_space<smem>>
    %jit3A_483 = arith.constant 32 : i32
    %eq3A_484 = arith.constant 0 : i32
    %eq3A_485 = arith.cmpi eq, %jit3A_483, %eq3A_484 : i32
    %jit3A_486 = arith.constant 1 : i32
    %select_n3A_487 = arith.select %eq3A_485, %jit3A_486, %jit3A_483 : i32
    %rem3A_488 = arith.remsi %get3A_482, %select_n3A_487 : i32
    %ne3A_489 = arith.constant 0 : i32
    %ne3A_490 = arith.cmpi ne, %rem3A_488, %ne3A_489 : i32
    %lt3A_491 = arith.constant 0 : i32
    %lt3A_492 = arith.cmpi slt, %rem3A_488, %lt3A_491 : i32
    %lt3A_493 = arith.constant 0 : i32
    %lt3A_494 = arith.cmpi slt, %select_n3A_487, %lt3A_493 : i32
    %ne3A_495 = arith.xori %lt3A_492, %lt3A_494 : i1
    %and3A_496 = arith.andi %ne3A_495, %ne3A_490 : i1
    %add3A_497 = arith.addi %rem3A_488, %select_n3A_487 : i32
    %select_n3A_498 = arith.select %and3A_496, %add3A_497, %rem3A_488 : i32
    %add3A_499 = arith.constant 512 : i32
    %add3A_500 = arith.addi %add3A_499, %select_n3A_498 : i32
    %broadcast_in_dim3A_501 = vector.broadcast %add3A_500 : i32 to vector<1x1xi32>
    %mul3A_502 = arith.constant 20 : i32
    %mul3A_503 = arith.muli %arg0, %mul3A_502 : i32
    %add3A_504 = arith.constant 16 : i32
    %add3A_505 = arith.addi %mul3A_503, %add3A_504 : i32
    %get3A_506 = arith.index_cast %add3A_505 : i32 to index
    %get3A_507 = memref.load %arg1[%get3A_506] : memref<200xi32, #tpu.memory_space<smem>>
    %jit3A_508 = arith.constant 32 : i32
    %eq3A_509 = arith.constant 0 : i32
    %eq3A_510 = arith.cmpi eq, %jit3A_508, %eq3A_509 : i32
    %jit3A_511 = arith.constant 1 : i32
    %select_n3A_512 = arith.select %eq3A_510, %jit3A_511, %jit3A_508 : i32
    %rem3A_513 = arith.remsi %get3A_507, %select_n3A_512 : i32
    %ne3A_514 = arith.constant 0 : i32
    %ne3A_515 = arith.cmpi ne, %rem3A_513, %ne3A_514 : i32
    %lt3A_516 = arith.constant 0 : i32
    %lt3A_517 = arith.cmpi slt, %rem3A_513, %lt3A_516 : i32
    %lt3A_518 = arith.constant 0 : i32
    %lt3A_519 = arith.cmpi slt, %select_n3A_512, %lt3A_518 : i32
    %ne3A_520 = arith.xori %lt3A_517, %lt3A_519 : i1
    %and3A_521 = arith.andi %ne3A_520, %ne3A_515 : i1
    %add3A_522 = arith.addi %rem3A_513, %select_n3A_512 : i32
    %select_n3A_523 = arith.select %and3A_521, %add3A_522, %rem3A_513 : i32
    %add3A_524 = arith.constant 544 : i32
    %add3A_525 = arith.addi %add3A_524, %select_n3A_523 : i32
    %broadcast_in_dim3A_526 = vector.broadcast %add3A_525 : i32 to vector<1x1xi32>
    %mul3A_527 = arith.constant 20 : i32
    %mul3A_528 = arith.muli %arg0, %mul3A_527 : i32
    %add3A_529 = arith.constant 17 : i32
    %add3A_530 = arith.addi %mul3A_528, %add3A_529 : i32
    %get3A_531 = arith.index_cast %add3A_530 : i32 to index
    %get3A_532 = memref.load %arg1[%get3A_531] : memref<200xi32, #tpu.memory_space<smem>>
    %jit3A_533 = arith.constant 32 : i32
    %eq3A_534 = arith.constant 0 : i32
    %eq3A_535 = arith.cmpi eq, %jit3A_533, %eq3A_534 : i32
    %jit3A_536 = arith.constant 1 : i32
    %select_n3A_537 = arith.select %eq3A_535, %jit3A_536, %jit3A_533 : i32
    %rem3A_538 = arith.remsi %get3A_532, %select_n3A_537 : i32
    %ne3A_539 = arith.constant 0 : i32
    %ne3A_540 = arith.cmpi ne, %rem3A_538, %ne3A_539 : i32
    %lt3A_541 = arith.constant 0 : i32
    %lt3A_542 = arith.cmpi slt, %rem3A_538, %lt3A_541 : i32
    %lt3A_543 = arith.constant 0 : i32
    %lt3A_544 = arith.cmpi slt, %select_n3A_537, %lt3A_543 : i32
    %ne3A_545 = arith.xori %lt3A_542, %lt3A_544 : i1
    %and3A_546 = arith.andi %ne3A_545, %ne3A_540 : i1
    %add3A_547 = arith.addi %rem3A_538, %select_n3A_537 : i32
    %select_n3A_548 = arith.select %and3A_546, %add3A_547, %rem3A_538 : i32
    %add3A_549 = arith.constant 576 : i32
    %add3A_550 = arith.addi %add3A_549, %select_n3A_548 : i32
    %broadcast_in_dim3A_551 = vector.broadcast %add3A_550 : i32 to vector<1x1xi32>
    %mul3A_552 = arith.constant 20 : i32
    %mul3A_553 = arith.muli %arg0, %mul3A_552 : i32
    %add3A_554 = arith.constant 18 : i32
    %add3A_555 = arith.addi %mul3A_553, %add3A_554 : i32
    %get3A_556 = arith.index_cast %add3A_555 : i32 to index
    %get3A_557 = memref.load %arg1[%get3A_556] : memref<200xi32, #tpu.memory_space<smem>>
    %jit3A_558 = arith.constant 32 : i32
    %eq3A_559 = arith.constant 0 : i32
    %eq3A_560 = arith.cmpi eq, %jit3A_558, %eq3A_559 : i32
    %jit3A_561 = arith.constant 1 : i32
    %select_n3A_562 = arith.select %eq3A_560, %jit3A_561, %jit3A_558 : i32
    %rem3A_563 = arith.remsi %get3A_557, %select_n3A_562 : i32
    %ne3A_564 = arith.constant 0 : i32
    %ne3A_565 = arith.cmpi ne, %rem3A_563, %ne3A_564 : i32
    %lt3A_566 = arith.constant 0 : i32
    %lt3A_567 = arith.cmpi slt, %rem3A_563, %lt3A_566 : i32
    %lt3A_568 = arith.constant 0 : i32
    %lt3A_569 = arith.cmpi slt, %select_n3A_562, %lt3A_568 : i32
    %ne3A_570 = arith.xori %lt3A_567, %lt3A_569 : i1
    %and3A_571 = arith.andi %ne3A_570, %ne3A_565 : i1
    %add3A_572 = arith.addi %rem3A_563, %select_n3A_562 : i32
    %select_n3A_573 = arith.select %and3A_571, %add3A_572, %rem3A_563 : i32
    %add3A_574 = arith.constant 608 : i32
    %add3A_575 = arith.addi %add3A_574, %select_n3A_573 : i32
    %broadcast_in_dim3A_576 = vector.broadcast %add3A_575 : i32 to vector<1x1xi32>
    %mul3A_577 = arith.constant 20 : i32
    %mul3A_578 = arith.muli %arg0, %mul3A_577 : i32
    %add3A_579 = arith.constant 19 : i32
    %add3A_580 = arith.addi %mul3A_578, %add3A_579 : i32
    %get3A_581 = arith.index_cast %add3A_580 : i32 to index
    %get3A_582 = memref.load %arg1[%get3A_581] : memref<200xi32, #tpu.memory_space<smem>>
    %jit3A_583 = arith.constant 32 : i32
    %eq3A_584 = arith.constant 0 : i32
    %eq3A_585 = arith.cmpi eq, %jit3A_583, %eq3A_584 : i32
    %jit3A_586 = arith.constant 1 : i32
    %select_n3A_587 = arith.select %eq3A_585, %jit3A_586, %jit3A_583 : i32
    %rem3A_588 = arith.remsi %get3A_582, %select_n3A_587 : i32
    %ne3A_589 = arith.constant 0 : i32
    %ne3A_590 = arith.cmpi ne, %rem3A_588, %ne3A_589 : i32
    %lt3A_591 = arith.constant 0 : i32
    %lt3A_592 = arith.cmpi slt, %rem3A_588, %lt3A_591 : i32
    %lt3A_593 = arith.constant 0 : i32
    %lt3A_594 = arith.cmpi slt, %select_n3A_587, %lt3A_593 : i32
    %ne3A_595 = arith.xori %lt3A_592, %lt3A_594 : i1
    %and3A_596 = arith.andi %ne3A_595, %ne3A_590 : i1
    %add3A_597 = arith.addi %rem3A_588, %select_n3A_587 : i32
    %select_n3A_598 = arith.select %and3A_596, %add3A_597, %rem3A_588 : i32
    %add3A_599 = arith.constant 640 : i32
    %add3A_600 = arith.addi %add3A_599, %select_n3A_598 : i32
    %broadcast_in_dim3A_601 = vector.broadcast %add3A_600 : i32 to vector<1x1xi32>
    %concatenate3A_602 = tpu.concatenate %broadcast_in_dim3A_102, %broadcast_in_dim3A_126, %broadcast_in_dim3A_151, %broadcast_in_dim3A_176, %broadcast_in_dim3A_201, %broadcast_in_dim3A_226, %broadcast_in_dim3A_251, %broadcast_in_dim3A_276, %broadcast_in_dim3A_301, %broadcast_in_dim3A_326, %broadcast_in_dim3A_351, %broadcast_in_dim3A_376, %broadcast_in_dim3A_401, %broadcast_in_dim3A_426, %broadcast_in_dim3A_451, %broadcast_in_dim3A_476, %broadcast_in_dim3A_501, %broadcast_in_dim3A_526, %broadcast_in_dim3A_551, %broadcast_in_dim3A_576, %broadcast_in_dim3A_601 in 0 : vector<1x1xi32>, vector<1x1xi32>, vector<1x1xi32>, vector<1x1xi32>, vector<1x1xi32>, vector<1x1xi32>, vector<1x1xi32>, vector<1x1xi32>, vector<1x1xi32>, vector<1x1xi32>, vector<1x1xi32>, vector<1x1xi32>, vector<1x1xi32>, vector<1x1xi32>, vector<1x1xi32>, vector<1x1xi32>, vector<1x1xi32>, vector<1x1xi32>, vector<1x1xi32>, vector<1x1xi32>, vector<1x1xi32> -> vector<21x1xi32>
    %iota3A_603 = tpu.iota {dimensions = array<i32: 1>} : vector<21x672xi32>
    %eq3A_604 = vector.broadcast %concatenate3A_602 : vector<21x1xi32> to vector<21x672xi32>
    %eq3A_605 = arith.cmpi eq, %iota3A_603, %eq3A_604 : vector<21x672xi32>
    %convert_element_type3A_606 = arith.extui %eq3A_605 : vector<21x672xi1> to vector<21x672xi32>
    %convert_element_type3A_607 = arith.sitofp %convert_element_type3A_606 : vector<21x672xi32> to vector<21x672xf32>
    %dot_general3A_608 = arith.constant dense<0.000000e+00> : vector<2x21xf32>
    %dot_general3A_609 = tpu.matmul %convert_element_type3A_83, %convert_element_type3A_607, %dot_general3A_608 {dimension_numbers = #tpu.dot_dimension_numbers<[1], [1], [0], [0], [0, 0, 1, 0], [], []>, transpose_lhs_hint = false} : vector<2x672xf32>, vector<21x672xf32>, vector<2x21xf32> -> vector<2x21xf32>
    %slice3A = vector.extract_strided_slice %dot_general3A_609 {offsets = [0, 1], sizes = [1, 20], strides = [1, 1]} : vector<2x21xf32> to vector<1x20xf32>
    %slice3A_610 = vector.extract_strided_slice %dot_general3A_609 {offsets = [1, 1], sizes = [1, 20], strides = [1, 1]} : vector<2x21xf32> to vector<1x20xf32>
    %slice3A_611 = vector.extract_strided_slice %dot_general3A_609 {offsets = [1, 0], sizes = [1, 1], strides = [1, 1]} : vector<2x21xf32> to vector<1x1xf32>
    %add3A_612 = vector.broadcast %slice3A_611 : vector<1x1xf32> to vector<1x20xf32>
    %add3A_613 = arith.addf %add3A_612, %slice3A_610 : vector<1x20xf32>
    %sub3A = arith.subf %add3A_613, %slice3A : vector<1x20xf32>
    %gt3A = arith.constant 0.000000e+00 : f32
    %gt3A_614 = vector.broadcast %gt3A : f32 to vector<1x20xf32>
    %gt3A_615 = arith.cmpf ogt, %sub3A, %gt3A_614 : vector<1x20xf32>
    %max3A = arith.constant 1.000000e+00 : f32
    %max3A_616 = vector.broadcast %max3A : f32 to vector<1x20xf32>
    %max3A_617 = arith.maximumf %sub3A, %max3A_616 : vector<1x20xf32>
    %div3A = arith.divf %slice3A, %max3A_617 : vector<1x20xf32>
    %jit3A_618 = arith.constant 0.000000e+00 : f32
    %broadcast_in_dim3A_619 = vector.broadcast %jit3A_618 : f32 to vector<1x20xf32>
    %select_n3A_620 = arith.select %gt3A_615, %div3A, %broadcast_in_dim3A_619 : vector<1x20xi1>, vector<1x20xf32>
    %swap3A = arith.index_cast %arg0 : i32 to index
    %swap3A_621 = arith.constant 0 : index
    %swap3A_622 = vector.load %arg24[%swap3A, %swap3A_621] : memref<10x20xf32, #tpu.memory_space<vmem>>, vector<1x20xf32>
    tpu.vector_store %arg24[%swap3A, %swap3A_621], %select_n3A_620 {strides = array<i32>} : memref<10x20xf32, #tpu.memory_space<vmem>>, vector<1x20xf32>,
    return
  }
  func.func @transform_0(%arg0: i32, %arg1: memref<200xi32, #tpu.memory_space<smem>>, %arg2: memref<1xi32, #tpu.memory_space<smem>>) -> (i32, i32) {
    %get3A = arith.constant 0 : index
    %get3A_0 = memref.load %arg2[%get3A] : memref<1xi32, #tpu.memory_space<smem>>
    %jit3A = arith.constant 32 : i32
    %div3A = arith.divsi %get3A_0, %jit3A : i32
    %sign3A = arith.constant 0 : i32
    %sign3A_1 = arith.cmpi sgt, %get3A_0, %sign3A : i32
    %sign3A_2 = arith.extui %sign3A_1 : i1 to i32
    %sign3A_3 = arith.constant 0 : i32
    %sign3A_4 = arith.cmpi slt, %get3A_0, %sign3A_3 : i32
    %sign3A_5 = arith.extui %sign3A_4 : i1 to i32
    %sign3A_6 = arith.subi %sign3A_2, %sign3A_5 : i32
    %sign3A_7 = arith.constant 0 : i32
    %sign3A_8 = arith.cmpi sgt, %jit3A, %sign3A_7 : i32
    %sign3A_9 = arith.extui %sign3A_8 : i1 to i32
    %sign3A_10 = arith.constant 0 : i32
    %sign3A_11 = arith.cmpi slt, %jit3A, %sign3A_10 : i32
    %sign3A_12 = arith.extui %sign3A_11 : i1 to i32
    %sign3A_13 = arith.subi %sign3A_9, %sign3A_12 : i32
    %ne3A = arith.cmpi ne, %sign3A_6, %sign3A_13 : i32
    %rem3A = arith.remsi %get3A_0, %jit3A : i32
    %ne3A_14 = arith.constant 0 : i32
    %ne3A_15 = arith.cmpi ne, %rem3A, %ne3A_14 : i32
    %and3A = arith.andi %ne3A, %ne3A_15 : i1
    %sub3A = arith.constant 1 : i32
    %sub3A_16 = arith.subi %div3A, %sub3A : i32
    %select_n3A = arith.select %and3A, %sub3A_16, %div3A : i32
    %c0_i32 = arith.constant 0 : i32
    %c0_i32_17 = arith.constant 0 : i32
    return %select_n3A, %c0_i32 : i32, i32
  }
  func.func @transform_1(%arg0: i32, %arg1: memref<200xi32, #tpu.memory_space<smem>>, %arg2: memref<1xi32, #tpu.memory_space<smem>>) -> (i32, i32) {
    %mul3A = arith.constant 20 : i32
    %mul3A_0 = arith.muli %arg0, %mul3A : i32
    %add3A = arith.constant 0 : i32
    %add3A_1 = arith.addi %mul3A_0, %add3A : i32
    %get3A = arith.index_cast %add3A_1 : i32 to index
    %get3A_2 = memref.load %arg1[%get3A] : memref<200xi32, #tpu.memory_space<smem>>
    %jit3A = arith.constant 32 : i32
    %div3A = arith.divsi %get3A_2, %jit3A : i32
    %sign3A = arith.constant 0 : i32
    %sign3A_3 = arith.cmpi sgt, %get3A_2, %sign3A : i32
    %sign3A_4 = arith.extui %sign3A_3 : i1 to i32
    %sign3A_5 = arith.constant 0 : i32
    %sign3A_6 = arith.cmpi slt, %get3A_2, %sign3A_5 : i32
    %sign3A_7 = arith.extui %sign3A_6 : i1 to i32
    %sign3A_8 = arith.subi %sign3A_4, %sign3A_7 : i32
    %sign3A_9 = arith.constant 0 : i32
    %sign3A_10 = arith.cmpi sgt, %jit3A, %sign3A_9 : i32
    %sign3A_11 = arith.extui %sign3A_10 : i1 to i32
    %sign3A_12 = arith.constant 0 : i32
    %sign3A_13 = arith.cmpi slt, %jit3A, %sign3A_12 : i32
    %sign3A_14 = arith.extui %sign3A_13 : i1 to i32
    %sign3A_15 = arith.subi %sign3A_11, %sign3A_14 : i32
    %ne3A = arith.cmpi ne, %sign3A_8, %sign3A_15 : i32
    %rem3A = arith.remsi %get3A_2, %jit3A : i32
    %ne3A_16 = arith.constant 0 : i32
    %ne3A_17 = arith.cmpi ne, %rem3A, %ne3A_16 : i32
    %and3A = arith.andi %ne3A, %ne3A_17 : i1
    %sub3A = arith.constant 1 : i32
    %sub3A_18 = arith.subi %div3A, %sub3A : i32
    %select_n3A = arith.select %and3A, %sub3A_18, %div3A : i32
    %c0_i32 = arith.constant 0 : i32
    %c0_i32_19 = arith.constant 0 : i32
    return %select_n3A, %c0_i32 : i32, i32
  }
  func.func @transform_2(%arg0: i32, %arg1: memref<200xi32, #tpu.memory_space<smem>>, %arg2: memref<1xi32, #tpu.memory_space<smem>>) -> (i32, i32) {
    %mul3A = arith.constant 20 : i32
    %mul3A_0 = arith.muli %arg0, %mul3A : i32
    %add3A = arith.constant 1 : i32
    %add3A_1 = arith.addi %mul3A_0, %add3A : i32
    %get3A = arith.index_cast %add3A_1 : i32 to index
    %get3A_2 = memref.load %arg1[%get3A] : memref<200xi32, #tpu.memory_space<smem>>
    %jit3A = arith.constant 32 : i32
    %div3A = arith.divsi %get3A_2, %jit3A : i32
    %sign3A = arith.constant 0 : i32
    %sign3A_3 = arith.cmpi sgt, %get3A_2, %sign3A : i32
    %sign3A_4 = arith.extui %sign3A_3 : i1 to i32
    %sign3A_5 = arith.constant 0 : i32
    %sign3A_6 = arith.cmpi slt, %get3A_2, %sign3A_5 : i32
    %sign3A_7 = arith.extui %sign3A_6 : i1 to i32
    %sign3A_8 = arith.subi %sign3A_4, %sign3A_7 : i32
    %sign3A_9 = arith.constant 0 : i32
    %sign3A_10 = arith.cmpi sgt, %jit3A, %sign3A_9 : i32
    %sign3A_11 = arith.extui %sign3A_10 : i1 to i32
    %sign3A_12 = arith.constant 0 : i32
    %sign3A_13 = arith.cmpi slt, %jit3A, %sign3A_12 : i32
    %sign3A_14 = arith.extui %sign3A_13 : i1 to i32
    %sign3A_15 = arith.subi %sign3A_11, %sign3A_14 : i32
    %ne3A = arith.cmpi ne, %sign3A_8, %sign3A_15 : i32
    %rem3A = arith.remsi %get3A_2, %jit3A : i32
    %ne3A_16 = arith.constant 0 : i32
    %ne3A_17 = arith.cmpi ne, %rem3A, %ne3A_16 : i32
    %and3A = arith.andi %ne3A, %ne3A_17 : i1
    %sub3A = arith.constant 1 : i32
    %sub3A_18 = arith.subi %div3A, %sub3A : i32
    %select_n3A = arith.select %and3A, %sub3A_18, %div3A : i32
    %c0_i32 = arith.constant 0 : i32
    %c0_i32_19 = arith.constant 0 : i32
    return %select_n3A, %c0_i32 : i32, i32
  }
  func.func @transform_3(%arg0: i32, %arg1: memref<200xi32, #tpu.memory_space<smem>>, %arg2: memref<1xi32, #tpu.memory_space<smem>>) -> (i32, i32) {
    %mul3A = arith.constant 20 : i32
    %mul3A_0 = arith.muli %arg0, %mul3A : i32
    %add3A = arith.constant 2 : i32
    %add3A_1 = arith.addi %mul3A_0, %add3A : i32
    %get3A = arith.index_cast %add3A_1 : i32 to index
    %get3A_2 = memref.load %arg1[%get3A] : memref<200xi32, #tpu.memory_space<smem>>
    %jit3A = arith.constant 32 : i32
    %div3A = arith.divsi %get3A_2, %jit3A : i32
    %sign3A = arith.constant 0 : i32
    %sign3A_3 = arith.cmpi sgt, %get3A_2, %sign3A : i32
    %sign3A_4 = arith.extui %sign3A_3 : i1 to i32
    %sign3A_5 = arith.constant 0 : i32
    %sign3A_6 = arith.cmpi slt, %get3A_2, %sign3A_5 : i32
    %sign3A_7 = arith.extui %sign3A_6 : i1 to i32
    %sign3A_8 = arith.subi %sign3A_4, %sign3A_7 : i32
    %sign3A_9 = arith.constant 0 : i32
    %sign3A_10 = arith.cmpi sgt, %jit3A, %sign3A_9 : i32
    %sign3A_11 = arith.extui %sign3A_10 : i1 to i32
    %sign3A_12 = arith.constant 0 : i32
    %sign3A_13 = arith.cmpi slt, %jit3A, %sign3A_12 : i32
    %sign3A_14 = arith.extui %sign3A_13 : i1 to i32
    %sign3A_15 = arith.subi %sign3A_11, %sign3A_14 : i32
    %ne3A = arith.cmpi ne, %sign3A_8, %sign3A_15 : i32
    %rem3A = arith.remsi %get3A_2, %jit3A : i32
    %ne3A_16 = arith.constant 0 : i32
    %ne3A_17 = arith.cmpi ne, %rem3A, %ne3A_16 : i32
    %and3A = arith.andi %ne3A, %ne3A_17 : i1
    %sub3A = arith.constant 1 : i32
    %sub3A_18 = arith.subi %div3A, %sub3A : i32
    %select_n3A = arith.select %and3A, %sub3A_18, %div3A : i32
    %c0_i32 = arith.constant 0 : i32
    %c0_i32_19 = arith.constant 0 : i32
    return %select_n3A, %c0_i32 : i32, i32
  }
  func.func @transform_4(%arg0: i32, %arg1: memref<200xi32, #tpu.memory_space<smem>>, %arg2: memref<1xi32, #tpu.memory_space<smem>>) -> (i32, i32) {
    %mul3A = arith.constant 20 : i32
    %mul3A_0 = arith.muli %arg0, %mul3A : i32
    %add3A = arith.constant 3 : i32
    %add3A_1 = arith.addi %mul3A_0, %add3A : i32
    %get3A = arith.index_cast %add3A_1 : i32 to index
    %get3A_2 = memref.load %arg1[%get3A] : memref<200xi32, #tpu.memory_space<smem>>
    %jit3A = arith.constant 32 : i32
    %div3A = arith.divsi %get3A_2, %jit3A : i32
    %sign3A = arith.constant 0 : i32
    %sign3A_3 = arith.cmpi sgt, %get3A_2, %sign3A : i32
    %sign3A_4 = arith.extui %sign3A_3 : i1 to i32
    %sign3A_5 = arith.constant 0 : i32
    %sign3A_6 = arith.cmpi slt, %get3A_2, %sign3A_5 : i32
    %sign3A_7 = arith.extui %sign3A_6 : i1 to i32
    %sign3A_8 = arith.subi %sign3A_4, %sign3A_7 : i32
    %sign3A_9 = arith.constant 0 : i32
    %sign3A_10 = arith.cmpi sgt, %jit3A, %sign3A_9 : i32
    %sign3A_11 = arith.extui %sign3A_10 : i1 to i32
    %sign3A_12 = arith.constant 0 : i32
    %sign3A_13 = arith.cmpi slt, %jit3A, %sign3A_12 : i32
    %sign3A_14 = arith.extui %sign3A_13 : i1 to i32
    %sign3A_15 = arith.subi %sign3A_11, %sign3A_14 : i32
    %ne3A = arith.cmpi ne, %sign3A_8, %sign3A_15 : i32
    %rem3A = arith.remsi %get3A_2, %jit3A : i32
    %ne3A_16 = arith.constant 0 : i32
    %ne3A_17 = arith.cmpi ne, %rem3A, %ne3A_16 : i32
    %and3A = arith.andi %ne3A, %ne3A_17 : i1
    %sub3A = arith.constant 1 : i32
    %sub3A_18 = arith.subi %div3A, %sub3A : i32
    %select_n3A = arith.select %and3A, %sub3A_18, %div3A : i32
    %c0_i32 = arith.constant 0 : i32
    %c0_i32_19 = arith.constant 0 : i32
    return %select_n3A, %c0_i32 : i32, i32
  }
  func.func @transform_5(%arg0: i32, %arg1: memref<200xi32, #tpu.memory_space<smem>>, %arg2: memref<1xi32, #tpu.memory_space<smem>>) -> (i32, i32) {
    %mul3A = arith.constant 20 : i32
    %mul3A_0 = arith.muli %arg0, %mul3A : i32
    %add3A = arith.constant 4 : i32
    %add3A_1 = arith.addi %mul3A_0, %add3A : i32
    %get3A = arith.index_cast %add3A_1 : i32 to index
    %get3A_2 = memref.load %arg1[%get3A] : memref<200xi32, #tpu.memory_space<smem>>
    %jit3A = arith.constant 32 : i32
    %div3A = arith.divsi %get3A_2, %jit3A : i32
    %sign3A = arith.constant 0 : i32
    %sign3A_3 = arith.cmpi sgt, %get3A_2, %sign3A : i32
    %sign3A_4 = arith.extui %sign3A_3 : i1 to i32
    %sign3A_5 = arith.constant 0 : i32
    %sign3A_6 = arith.cmpi slt, %get3A_2, %sign3A_5 : i32
    %sign3A_7 = arith.extui %sign3A_6 : i1 to i32
    %sign3A_8 = arith.subi %sign3A_4, %sign3A_7 : i32
    %sign3A_9 = arith.constant 0 : i32
    %sign3A_10 = arith.cmpi sgt, %jit3A, %sign3A_9 : i32
    %sign3A_11 = arith.extui %sign3A_10 : i1 to i32
    %sign3A_12 = arith.constant 0 : i32
    %sign3A_13 = arith.cmpi slt, %jit3A, %sign3A_12 : i32
    %sign3A_14 = arith.extui %sign3A_13 : i1 to i32
    %sign3A_15 = arith.subi %sign3A_11, %sign3A_14 : i32
    %ne3A = arith.cmpi ne, %sign3A_8, %sign3A_15 : i32
    %rem3A = arith.remsi %get3A_2, %jit3A : i32
    %ne3A_16 = arith.constant 0 : i32
    %ne3A_17 = arith.cmpi ne, %rem3A, %ne3A_16 : i32
    %and3A = arith.andi %ne3A, %ne3A_17 : i1
    %sub3A = arith.constant 1 : i32
    %sub3A_18 = arith.subi %div3A, %sub3A : i32
    %select_n3A = arith.select %and3A, %sub3A_18, %div3A : i32
    %c0_i32 = arith.constant 0 : i32
    %c0_i32_19 = arith.constant 0 : i32
    return %select_n3A, %c0_i32 : i32, i32
  }
  func.func @transform_6(%arg0: i32, %arg1: memref<200xi32, #tpu.memory_space<smem>>, %arg2: memref<1xi32, #tpu.memory_space<smem>>) -> (i32, i32) {
    %mul3A = arith.constant 20 : i32
    %mul3A_0 = arith.muli %arg0, %mul3A : i32
    %add3A = arith.constant 5 : i32
    %add3A_1 = arith.addi %mul3A_0, %add3A : i32
    %get3A = arith.index_cast %add3A_1 : i32 to index
    %get3A_2 = memref.load %arg1[%get3A] : memref<200xi32, #tpu.memory_space<smem>>
    %jit3A = arith.constant 32 : i32
    %div3A = arith.divsi %get3A_2, %jit3A : i32
    %sign3A = arith.constant 0 : i32
    %sign3A_3 = arith.cmpi sgt, %get3A_2, %sign3A : i32
    %sign3A_4 = arith.extui %sign3A_3 : i1 to i32
    %sign3A_5 = arith.constant 0 : i32
    %sign3A_6 = arith.cmpi slt, %get3A_2, %sign3A_5 : i32
    %sign3A_7 = arith.extui %sign3A_6 : i1 to i32
    %sign3A_8 = arith.subi %sign3A_4, %sign3A_7 : i32
    %sign3A_9 = arith.constant 0 : i32
    %sign3A_10 = arith.cmpi sgt, %jit3A, %sign3A_9 : i32
    %sign3A_11 = arith.extui %sign3A_10 : i1 to i32
    %sign3A_12 = arith.constant 0 : i32
    %sign3A_13 = arith.cmpi slt, %jit3A, %sign3A_12 : i32
    %sign3A_14 = arith.extui %sign3A_13 : i1 to i32
    %sign3A_15 = arith.subi %sign3A_11, %sign3A_14 : i32
    %ne3A = arith.cmpi ne, %sign3A_8, %sign3A_15 : i32
    %rem3A = arith.remsi %get3A_2, %jit3A : i32
    %ne3A_16 = arith.constant 0 : i32
    %ne3A_17 = arith.cmpi ne, %rem3A, %ne3A_16 : i32
    %and3A = arith.andi %ne3A, %ne3A_17 : i1
    %sub3A = arith.constant 1 : i32
    %sub3A_18 = arith.subi %div3A, %sub3A : i32
    %select_n3A = arith.select %and3A, %sub3A_18, %div3A : i32
    %c0_i32 = arith.constant 0 : i32
    %c0_i32_19 = arith.constant 0 : i32
    return %select_n3A, %c0_i32 : i32, i32
  }
  func.func @transform_7(%arg0: i32, %arg1: memref<200xi32, #tpu.memory_space<smem>>, %arg2: memref<1xi32, #tpu.memory_space<smem>>) -> (i32, i32) {
    %mul3A = arith.constant 20 : i32
    %mul3A_0 = arith.muli %arg0, %mul3A : i32
    %add3A = arith.constant 6 : i32
    %add3A_1 = arith.addi %mul3A_0, %add3A : i32
    %get3A = arith.index_cast %add3A_1 : i32 to index
    %get3A_2 = memref.load %arg1[%get3A] : memref<200xi32, #tpu.memory_space<smem>>
    %jit3A = arith.constant 32 : i32
    %div3A = arith.divsi %get3A_2, %jit3A : i32
    %sign3A = arith.constant 0 : i32
    %sign3A_3 = arith.cmpi sgt, %get3A_2, %sign3A : i32
    %sign3A_4 = arith.extui %sign3A_3 : i1 to i32
    %sign3A_5 = arith.constant 0 : i32
    %sign3A_6 = arith.cmpi slt, %get3A_2, %sign3A_5 : i32
    %sign3A_7 = arith.extui %sign3A_6 : i1 to i32
    %sign3A_8 = arith.subi %sign3A_4, %sign3A_7 : i32
    %sign3A_9 = arith.constant 0 : i32
    %sign3A_10 = arith.cmpi sgt, %jit3A, %sign3A_9 : i32
    %sign3A_11 = arith.extui %sign3A_10 : i1 to i32
    %sign3A_12 = arith.constant 0 : i32
    %sign3A_13 = arith.cmpi slt, %jit3A, %sign3A_12 : i32
    %sign3A_14 = arith.extui %sign3A_13 : i1 to i32
    %sign3A_15 = arith.subi %sign3A_11, %sign3A_14 : i32
    %ne3A = arith.cmpi ne, %sign3A_8, %sign3A_15 : i32
    %rem3A = arith.remsi %get3A_2, %jit3A : i32
    %ne3A_16 = arith.constant 0 : i32
    %ne3A_17 = arith.cmpi ne, %rem3A, %ne3A_16 : i32
    %and3A = arith.andi %ne3A, %ne3A_17 : i1
    %sub3A = arith.constant 1 : i32
    %sub3A_18 = arith.subi %div3A, %sub3A : i32
    %select_n3A = arith.select %and3A, %sub3A_18, %div3A : i32
    %c0_i32 = arith.constant 0 : i32
    %c0_i32_19 = arith.constant 0 : i32
    return %select_n3A, %c0_i32 : i32, i32
  }
  func.func @transform_8(%arg0: i32, %arg1: memref<200xi32, #tpu.memory_space<smem>>, %arg2: memref<1xi32, #tpu.memory_space<smem>>) -> (i32, i32) {
    %mul3A = arith.constant 20 : i32
    %mul3A_0 = arith.muli %arg0, %mul3A : i32
    %add3A = arith.constant 7 : i32
    %add3A_1 = arith.addi %mul3A_0, %add3A : i32
    %get3A = arith.index_cast %add3A_1 : i32 to index
    %get3A_2 = memref.load %arg1[%get3A] : memref<200xi32, #tpu.memory_space<smem>>
    %jit3A = arith.constant 32 : i32
    %div3A = arith.divsi %get3A_2, %jit3A : i32
    %sign3A = arith.constant 0 : i32
    %sign3A_3 = arith.cmpi sgt, %get3A_2, %sign3A : i32
    %sign3A_4 = arith.extui %sign3A_3 : i1 to i32
    %sign3A_5 = arith.constant 0 : i32
    %sign3A_6 = arith.cmpi slt, %get3A_2, %sign3A_5 : i32
    %sign3A_7 = arith.extui %sign3A_6 : i1 to i32
    %sign3A_8 = arith.subi %sign3A_4, %sign3A_7 : i32
    %sign3A_9 = arith.constant 0 : i32
    %sign3A_10 = arith.cmpi sgt, %jit3A, %sign3A_9 : i32
    %sign3A_11 = arith.extui %sign3A_10 : i1 to i32
    %sign3A_12 = arith.constant 0 : i32
    %sign3A_13 = arith.cmpi slt, %jit3A, %sign3A_12 : i32
    %sign3A_14 = arith.extui %sign3A_13 : i1 to i32
    %sign3A_15 = arith.subi %sign3A_11, %sign3A_14 : i32
    %ne3A = arith.cmpi ne, %sign3A_8, %sign3A_15 : i32
    %rem3A = arith.remsi %get3A_2, %jit3A : i32
    %ne3A_16 = arith.constant 0 : i32
    %ne3A_17 = arith.cmpi ne, %rem3A, %ne3A_16 : i32
    %and3A = arith.andi %ne3A, %ne3A_17 : i1
    %sub3A = arith.constant 1 : i32
    %sub3A_18 = arith.subi %div3A, %sub3A : i32
    %select_n3A = arith.select %and3A, %sub3A_18, %div3A : i32
    %c0_i32 = arith.constant 0 : i32
    %c0_i32_19 = arith.constant 0 : i32
    return %select_n3A, %c0_i32 : i32, i32
  }
  func.func @transform_9(%arg0: i32, %arg1: memref<200xi32, #tpu.memory_space<smem>>, %arg2: memref<1xi32, #tpu.memory_space<smem>>) -> (i32, i32) {
    %mul3A = arith.constant 20 : i32
    %mul3A_0 = arith.muli %arg0, %mul3A : i32
    %add3A = arith.constant 8 : i32
    %add3A_1 = arith.addi %mul3A_0, %add3A : i32
    %get3A = arith.index_cast %add3A_1 : i32 to index
    %get3A_2 = memref.load %arg1[%get3A] : memref<200xi32, #tpu.memory_space<smem>>
    %jit3A = arith.constant 32 : i32
    %div3A = arith.divsi %get3A_2, %jit3A : i32
    %sign3A = arith.constant 0 : i32
    %sign3A_3 = arith.cmpi sgt, %get3A_2, %sign3A : i32
    %sign3A_4 = arith.extui %sign3A_3 : i1 to i32
    %sign3A_5 = arith.constant 0 : i32
    %sign3A_6 = arith.cmpi slt, %get3A_2, %sign3A_5 : i32
    %sign3A_7 = arith.extui %sign3A_6 : i1 to i32
    %sign3A_8 = arith.subi %sign3A_4, %sign3A_7 : i32
    %sign3A_9 = arith.constant 0 : i32
    %sign3A_10 = arith.cmpi sgt, %jit3A, %sign3A_9 : i32
    %sign3A_11 = arith.extui %sign3A_10 : i1 to i32
    %sign3A_12 = arith.constant 0 : i32
    %sign3A_13 = arith.cmpi slt, %jit3A, %sign3A_12 : i32
    %sign3A_14 = arith.extui %sign3A_13 : i1 to i32
    %sign3A_15 = arith.subi %sign3A_11, %sign3A_14 : i32
    %ne3A = arith.cmpi ne, %sign3A_8, %sign3A_15 : i32
    %rem3A = arith.remsi %get3A_2, %jit3A : i32
    %ne3A_16 = arith.constant 0 : i32
    %ne3A_17 = arith.cmpi ne, %rem3A, %ne3A_16 : i32
    %and3A = arith.andi %ne3A, %ne3A_17 : i1
    %sub3A = arith.constant 1 : i32
    %sub3A_18 = arith.subi %div3A, %sub3A : i32
    %select_n3A = arith.select %and3A, %sub3A_18, %div3A : i32
    %c0_i32 = arith.constant 0 : i32
    %c0_i32_19 = arith.constant 0 : i32
    return %select_n3A, %c0_i32 : i32, i32
  }
  func.func @transform_10(%arg0: i32, %arg1: memref<200xi32, #tpu.memory_space<smem>>, %arg2: memref<1xi32, #tpu.memory_space<smem>>) -> (i32, i32) {
    %mul3A = arith.constant 20 : i32
    %mul3A_0 = arith.muli %arg0, %mul3A : i32
    %add3A = arith.constant 9 : i32
    %add3A_1 = arith.addi %mul3A_0, %add3A : i32
    %get3A = arith.index_cast %add3A_1 : i32 to index
    %get3A_2 = memref.load %arg1[%get3A] : memref<200xi32, #tpu.memory_space<smem>>
    %jit3A = arith.constant 32 : i32
    %div3A = arith.divsi %get3A_2, %jit3A : i32
    %sign3A = arith.constant 0 : i32
    %sign3A_3 = arith.cmpi sgt, %get3A_2, %sign3A : i32
    %sign3A_4 = arith.extui %sign3A_3 : i1 to i32
    %sign3A_5 = arith.constant 0 : i32
    %sign3A_6 = arith.cmpi slt, %get3A_2, %sign3A_5 : i32
    %sign3A_7 = arith.extui %sign3A_6 : i1 to i32
    %sign3A_8 = arith.subi %sign3A_4, %sign3A_7 : i32
    %sign3A_9 = arith.constant 0 : i32
    %sign3A_10 = arith.cmpi sgt, %jit3A, %sign3A_9 : i32
    %sign3A_11 = arith.extui %sign3A_10 : i1 to i32
    %sign3A_12 = arith.constant 0 : i32
    %sign3A_13 = arith.cmpi slt, %jit3A, %sign3A_12 : i32
    %sign3A_14 = arith.extui %sign3A_13 : i1 to i32
    %sign3A_15 = arith.subi %sign3A_11, %sign3A_14 : i32
    %ne3A = arith.cmpi ne, %sign3A_8, %sign3A_15 : i32
    %rem3A = arith.remsi %get3A_2, %jit3A : i32
    %ne3A_16 = arith.constant 0 : i32
    %ne3A_17 = arith.cmpi ne, %rem3A, %ne3A_16 : i32
    %and3A = arith.andi %ne3A, %ne3A_17 : i1
    %sub3A = arith.constant 1 : i32
    %sub3A_18 = arith.subi %div3A, %sub3A : i32
    %select_n3A = arith.select %and3A, %sub3A_18, %div3A : i32
    %c0_i32 = arith.constant 0 : i32
    %c0_i32_19 = arith.constant 0 : i32
    return %select_n3A, %c0_i32 : i32, i32
  }
  func.func @transform_11(%arg0: i32, %arg1: memref<200xi32, #tpu.memory_space<smem>>, %arg2: memref<1xi32, #tpu.memory_space<smem>>) -> (i32, i32) {
    %mul3A = arith.constant 20 : i32
    %mul3A_0 = arith.muli %arg0, %mul3A : i32
    %add3A = arith.constant 10 : i32
    %add3A_1 = arith.addi %mul3A_0, %add3A : i32
    %get3A = arith.index_cast %add3A_1 : i32 to index
    %get3A_2 = memref.load %arg1[%get3A] : memref<200xi32, #tpu.memory_space<smem>>
    %jit3A = arith.constant 32 : i32
    %div3A = arith.divsi %get3A_2, %jit3A : i32
    %sign3A = arith.constant 0 : i32
    %sign3A_3 = arith.cmpi sgt, %get3A_2, %sign3A : i32
    %sign3A_4 = arith.extui %sign3A_3 : i1 to i32
    %sign3A_5 = arith.constant 0 : i32
    %sign3A_6 = arith.cmpi slt, %get3A_2, %sign3A_5 : i32
    %sign3A_7 = arith.extui %sign3A_6 : i1 to i32
    %sign3A_8 = arith.subi %sign3A_4, %sign3A_7 : i32
    %sign3A_9 = arith.constant 0 : i32
    %sign3A_10 = arith.cmpi sgt, %jit3A, %sign3A_9 : i32
    %sign3A_11 = arith.extui %sign3A_10 : i1 to i32
    %sign3A_12 = arith.constant 0 : i32
    %sign3A_13 = arith.cmpi slt, %jit3A, %sign3A_12 : i32
    %sign3A_14 = arith.extui %sign3A_13 : i1 to i32
    %sign3A_15 = arith.subi %sign3A_11, %sign3A_14 : i32
    %ne3A = arith.cmpi ne, %sign3A_8, %sign3A_15 : i32
    %rem3A = arith.remsi %get3A_2, %jit3A : i32
    %ne3A_16 = arith.constant 0 : i32
    %ne3A_17 = arith.cmpi ne, %rem3A, %ne3A_16 : i32
    %and3A = arith.andi %ne3A, %ne3A_17 : i1
    %sub3A = arith.constant 1 : i32
    %sub3A_18 = arith.subi %div3A, %sub3A : i32
    %select_n3A = arith.select %and3A, %sub3A_18, %div3A : i32
    %c0_i32 = arith.constant 0 : i32
    %c0_i32_19 = arith.constant 0 : i32
    return %select_n3A, %c0_i32 : i32, i32
  }
  func.func @transform_12(%arg0: i32, %arg1: memref<200xi32, #tpu.memory_space<smem>>, %arg2: memref<1xi32, #tpu.memory_space<smem>>) -> (i32, i32) {
    %mul3A = arith.constant 20 : i32
    %mul3A_0 = arith.muli %arg0, %mul3A : i32
    %add3A = arith.constant 11 : i32
    %add3A_1 = arith.addi %mul3A_0, %add3A : i32
    %get3A = arith.index_cast %add3A_1 : i32 to index
    %get3A_2 = memref.load %arg1[%get3A] : memref<200xi32, #tpu.memory_space<smem>>
    %jit3A = arith.constant 32 : i32
    %div3A = arith.divsi %get3A_2, %jit3A : i32
    %sign3A = arith.constant 0 : i32
    %sign3A_3 = arith.cmpi sgt, %get3A_2, %sign3A : i32
    %sign3A_4 = arith.extui %sign3A_3 : i1 to i32
    %sign3A_5 = arith.constant 0 : i32
    %sign3A_6 = arith.cmpi slt, %get3A_2, %sign3A_5 : i32
    %sign3A_7 = arith.extui %sign3A_6 : i1 to i32
    %sign3A_8 = arith.subi %sign3A_4, %sign3A_7 : i32
    %sign3A_9 = arith.constant 0 : i32
    %sign3A_10 = arith.cmpi sgt, %jit3A, %sign3A_9 : i32
    %sign3A_11 = arith.extui %sign3A_10 : i1 to i32
    %sign3A_12 = arith.constant 0 : i32
    %sign3A_13 = arith.cmpi slt, %jit3A, %sign3A_12 : i32
    %sign3A_14 = arith.extui %sign3A_13 : i1 to i32
    %sign3A_15 = arith.subi %sign3A_11, %sign3A_14 : i32
    %ne3A = arith.cmpi ne, %sign3A_8, %sign3A_15 : i32
    %rem3A = arith.remsi %get3A_2, %jit3A : i32
    %ne3A_16 = arith.constant 0 : i32
    %ne3A_17 = arith.cmpi ne, %rem3A, %ne3A_16 : i32
    %and3A = arith.andi %ne3A, %ne3A_17 : i1
    %sub3A = arith.constant 1 : i32
    %sub3A_18 = arith.subi %div3A, %sub3A : i32
    %select_n3A = arith.select %and3A, %sub3A_18, %div3A : i32
    %c0_i32 = arith.constant 0 : i32
    %c0_i32_19 = arith.constant 0 : i32
    return %select_n3A, %c0_i32 : i32, i32
  }
  func.func @transform_13(%arg0: i32, %arg1: memref<200xi32, #tpu.memory_space<smem>>, %arg2: memref<1xi32, #tpu.memory_space<smem>>) -> (i32, i32) {
    %mul3A = arith.constant 20 : i32
    %mul3A_0 = arith.muli %arg0, %mul3A : i32
    %add3A = arith.constant 12 : i32
    %add3A_1 = arith.addi %mul3A_0, %add3A : i32
    %get3A = arith.index_cast %add3A_1 : i32 to index
    %get3A_2 = memref.load %arg1[%get3A] : memref<200xi32, #tpu.memory_space<smem>>
    %jit3A = arith.constant 32 : i32
    %div3A = arith.divsi %get3A_2, %jit3A : i32
    %sign3A = arith.constant 0 : i32
    %sign3A_3 = arith.cmpi sgt, %get3A_2, %sign3A : i32
    %sign3A_4 = arith.extui %sign3A_3 : i1 to i32
    %sign3A_5 = arith.constant 0 : i32
    %sign3A_6 = arith.cmpi slt, %get3A_2, %sign3A_5 : i32
    %sign3A_7 = arith.extui %sign3A_6 : i1 to i32
    %sign3A_8 = arith.subi %sign3A_4, %sign3A_7 : i32
    %sign3A_9 = arith.constant 0 : i32
    %sign3A_10 = arith.cmpi sgt, %jit3A, %sign3A_9 : i32
    %sign3A_11 = arith.extui %sign3A_10 : i1 to i32
    %sign3A_12 = arith.constant 0 : i32
    %sign3A_13 = arith.cmpi slt, %jit3A, %sign3A_12 : i32
    %sign3A_14 = arith.extui %sign3A_13 : i1 to i32
    %sign3A_15 = arith.subi %sign3A_11, %sign3A_14 : i32
    %ne3A = arith.cmpi ne, %sign3A_8, %sign3A_15 : i32
    %rem3A = arith.remsi %get3A_2, %jit3A : i32
    %ne3A_16 = arith.constant 0 : i32
    %ne3A_17 = arith.cmpi ne, %rem3A, %ne3A_16 : i32
    %and3A = arith.andi %ne3A, %ne3A_17 : i1
    %sub3A = arith.constant 1 : i32
    %sub3A_18 = arith.subi %div3A, %sub3A : i32
    %select_n3A = arith.select %and3A, %sub3A_18, %div3A : i32
    %c0_i32 = arith.constant 0 : i32
    %c0_i32_19 = arith.constant 0 : i32
    return %select_n3A, %c0_i32 : i32, i32
  }
  func.func @transform_14(%arg0: i32, %arg1: memref<200xi32, #tpu.memory_space<smem>>, %arg2: memref<1xi32, #tpu.memory_space<smem>>) -> (i32, i32) {
    %mul3A = arith.constant 20 : i32
    %mul3A_0 = arith.muli %arg0, %mul3A : i32
    %add3A = arith.constant 13 : i32
    %add3A_1 = arith.addi %mul3A_0, %add3A : i32
    %get3A = arith.index_cast %add3A_1 : i32 to index
    %get3A_2 = memref.load %arg1[%get3A] : memref<200xi32, #tpu.memory_space<smem>>
    %jit3A = arith.constant 32 : i32
    %div3A = arith.divsi %get3A_2, %jit3A : i32
    %sign3A = arith.constant 0 : i32
    %sign3A_3 = arith.cmpi sgt, %get3A_2, %sign3A : i32
    %sign3A_4 = arith.extui %sign3A_3 : i1 to i32
    %sign3A_5 = arith.constant 0 : i32
    %sign3A_6 = arith.cmpi slt, %get3A_2, %sign3A_5 : i32
    %sign3A_7 = arith.extui %sign3A_6 : i1 to i32
    %sign3A_8 = arith.subi %sign3A_4, %sign3A_7 : i32
    %sign3A_9 = arith.constant 0 : i32
    %sign3A_10 = arith.cmpi sgt, %jit3A, %sign3A_9 : i32
    %sign3A_11 = arith.extui %sign3A_10 : i1 to i32
    %sign3A_12 = arith.constant 0 : i32
    %sign3A_13 = arith.cmpi slt, %jit3A, %sign3A_12 : i32
    %sign3A_14 = arith.extui %sign3A_13 : i1 to i32
    %sign3A_15 = arith.subi %sign3A_11, %sign3A_14 : i32
    %ne3A = arith.cmpi ne, %sign3A_8, %sign3A_15 : i32
    %rem3A = arith.remsi %get3A_2, %jit3A : i32
    %ne3A_16 = arith.constant 0 : i32
    %ne3A_17 = arith.cmpi ne, %rem3A, %ne3A_16 : i32
    %and3A = arith.andi %ne3A, %ne3A_17 : i1
    %sub3A = arith.constant 1 : i32
    %sub3A_18 = arith.subi %div3A, %sub3A : i32
    %select_n3A = arith.select %and3A, %sub3A_18, %div3A : i32
    %c0_i32 = arith.constant 0 : i32
    %c0_i32_19 = arith.constant 0 : i32
    return %select_n3A, %c0_i32 : i32, i32
  }
  func.func @transform_15(%arg0: i32, %arg1: memref<200xi32, #tpu.memory_space<smem>>, %arg2: memref<1xi32, #tpu.memory_space<smem>>) -> (i32, i32) {
    %mul3A = arith.constant 20 : i32
    %mul3A_0 = arith.muli %arg0, %mul3A : i32
    %add3A = arith.constant 14 : i32
    %add3A_1 = arith.addi %mul3A_0, %add3A : i32
    %get3A = arith.index_cast %add3A_1 : i32 to index
    %get3A_2 = memref.load %arg1[%get3A] : memref<200xi32, #tpu.memory_space<smem>>
    %jit3A = arith.constant 32 : i32
    %div3A = arith.divsi %get3A_2, %jit3A : i32
    %sign3A = arith.constant 0 : i32
    %sign3A_3 = arith.cmpi sgt, %get3A_2, %sign3A : i32
    %sign3A_4 = arith.extui %sign3A_3 : i1 to i32
    %sign3A_5 = arith.constant 0 : i32
    %sign3A_6 = arith.cmpi slt, %get3A_2, %sign3A_5 : i32
    %sign3A_7 = arith.extui %sign3A_6 : i1 to i32
    %sign3A_8 = arith.subi %sign3A_4, %sign3A_7 : i32
    %sign3A_9 = arith.constant 0 : i32
    %sign3A_10 = arith.cmpi sgt, %jit3A, %sign3A_9 : i32
    %sign3A_11 = arith.extui %sign3A_10 : i1 to i32
    %sign3A_12 = arith.constant 0 : i32
    %sign3A_13 = arith.cmpi slt, %jit3A, %sign3A_12 : i32
    %sign3A_14 = arith.extui %sign3A_13 : i1 to i32
    %sign3A_15 = arith.subi %sign3A_11, %sign3A_14 : i32
    %ne3A = arith.cmpi ne, %sign3A_8, %sign3A_15 : i32
    %rem3A = arith.remsi %get3A_2, %jit3A : i32
    %ne3A_16 = arith.constant 0 : i32
    %ne3A_17 = arith.cmpi ne, %rem3A, %ne3A_16 : i32
    %and3A = arith.andi %ne3A, %ne3A_17 : i1
    %sub3A = arith.constant 1 : i32
    %sub3A_18 = arith.subi %div3A, %sub3A : i32
    %select_n3A = arith.select %and3A, %sub3A_18, %div3A : i32
    %c0_i32 = arith.constant 0 : i32
    %c0_i32_19 = arith.constant 0 : i32
    return %select_n3A, %c0_i32 : i32, i32
  }
  func.func @transform_16(%arg0: i32, %arg1: memref<200xi32, #tpu.memory_space<smem>>, %arg2: memref<1xi32, #tpu.memory_space<smem>>) -> (i32, i32) {
    %mul3A = arith.constant 20 : i32
    %mul3A_0 = arith.muli %arg0, %mul3A : i32
    %add3A = arith.constant 15 : i32
    %add3A_1 = arith.addi %mul3A_0, %add3A : i32
    %get3A = arith.index_cast %add3A_1 : i32 to index
    %get3A_2 = memref.load %arg1[%get3A] : memref<200xi32, #tpu.memory_space<smem>>
    %jit3A = arith.constant 32 : i32
    %div3A = arith.divsi %get3A_2, %jit3A : i32
    %sign3A = arith.constant 0 : i32
    %sign3A_3 = arith.cmpi sgt, %get3A_2, %sign3A : i32
    %sign3A_4 = arith.extui %sign3A_3 : i1 to i32
    %sign3A_5 = arith.constant 0 : i32
    %sign3A_6 = arith.cmpi slt, %get3A_2, %sign3A_5 : i32
    %sign3A_7 = arith.extui %sign3A_6 : i1 to i32
    %sign3A_8 = arith.subi %sign3A_4, %sign3A_7 : i32
    %sign3A_9 = arith.constant 0 : i32
    %sign3A_10 = arith.cmpi sgt, %jit3A, %sign3A_9 : i32
    %sign3A_11 = arith.extui %sign3A_10 : i1 to i32
    %sign3A_12 = arith.constant 0 : i32
    %sign3A_13 = arith.cmpi slt, %jit3A, %sign3A_12 : i32
    %sign3A_14 = arith.extui %sign3A_13 : i1 to i32
    %sign3A_15 = arith.subi %sign3A_11, %sign3A_14 : i32
    %ne3A = arith.cmpi ne, %sign3A_8, %sign3A_15 : i32
    %rem3A = arith.remsi %get3A_2, %jit3A : i32
    %ne3A_16 = arith.constant 0 : i32
    %ne3A_17 = arith.cmpi ne, %rem3A, %ne3A_16 : i32
    %and3A = arith.andi %ne3A, %ne3A_17 : i1
    %sub3A = arith.constant 1 : i32
    %sub3A_18 = arith.subi %div3A, %sub3A : i32
    %select_n3A = arith.select %and3A, %sub3A_18, %div3A : i32
    %c0_i32 = arith.constant 0 : i32
    %c0_i32_19 = arith.constant 0 : i32
    return %select_n3A, %c0_i32 : i32, i32
  }
  func.func @transform_17(%arg0: i32, %arg1: memref<200xi32, #tpu.memory_space<smem>>, %arg2: memref<1xi32, #tpu.memory_space<smem>>) -> (i32, i32) {
    %mul3A = arith.constant 20 : i32
    %mul3A_0 = arith.muli %arg0, %mul3A : i32
    %add3A = arith.constant 16 : i32
    %add3A_1 = arith.addi %mul3A_0, %add3A : i32
    %get3A = arith.index_cast %add3A_1 : i32 to index
    %get3A_2 = memref.load %arg1[%get3A] : memref<200xi32, #tpu.memory_space<smem>>
    %jit3A = arith.constant 32 : i32
    %div3A = arith.divsi %get3A_2, %jit3A : i32
    %sign3A = arith.constant 0 : i32
    %sign3A_3 = arith.cmpi sgt, %get3A_2, %sign3A : i32
    %sign3A_4 = arith.extui %sign3A_3 : i1 to i32
    %sign3A_5 = arith.constant 0 : i32
    %sign3A_6 = arith.cmpi slt, %get3A_2, %sign3A_5 : i32
    %sign3A_7 = arith.extui %sign3A_6 : i1 to i32
    %sign3A_8 = arith.subi %sign3A_4, %sign3A_7 : i32
    %sign3A_9 = arith.constant 0 : i32
    %sign3A_10 = arith.cmpi sgt, %jit3A, %sign3A_9 : i32
    %sign3A_11 = arith.extui %sign3A_10 : i1 to i32
    %sign3A_12 = arith.constant 0 : i32
    %sign3A_13 = arith.cmpi slt, %jit3A, %sign3A_12 : i32
    %sign3A_14 = arith.extui %sign3A_13 : i1 to i32
    %sign3A_15 = arith.subi %sign3A_11, %sign3A_14 : i32
    %ne3A = arith.cmpi ne, %sign3A_8, %sign3A_15 : i32
    %rem3A = arith.remsi %get3A_2, %jit3A : i32
    %ne3A_16 = arith.constant 0 : i32
    %ne3A_17 = arith.cmpi ne, %rem3A, %ne3A_16 : i32
    %and3A = arith.andi %ne3A, %ne3A_17 : i1
    %sub3A = arith.constant 1 : i32
    %sub3A_18 = arith.subi %div3A, %sub3A : i32
    %select_n3A = arith.select %and3A, %sub3A_18, %div3A : i32
    %c0_i32 = arith.constant 0 : i32
    %c0_i32_19 = arith.constant 0 : i32
    return %select_n3A, %c0_i32 : i32, i32
  }
  func.func @transform_18(%arg0: i32, %arg1: memref<200xi32, #tpu.memory_space<smem>>, %arg2: memref<1xi32, #tpu.memory_space<smem>>) -> (i32, i32) {
    %mul3A = arith.constant 20 : i32
    %mul3A_0 = arith.muli %arg0, %mul3A : i32
    %add3A = arith.constant 17 : i32
    %add3A_1 = arith.addi %mul3A_0, %add3A : i32
    %get3A = arith.index_cast %add3A_1 : i32 to index
    %get3A_2 = memref.load %arg1[%get3A] : memref<200xi32, #tpu.memory_space<smem>>
    %jit3A = arith.constant 32 : i32
    %div3A = arith.divsi %get3A_2, %jit3A : i32
    %sign3A = arith.constant 0 : i32
    %sign3A_3 = arith.cmpi sgt, %get3A_2, %sign3A : i32
    %sign3A_4 = arith.extui %sign3A_3 : i1 to i32
    %sign3A_5 = arith.constant 0 : i32
    %sign3A_6 = arith.cmpi slt, %get3A_2, %sign3A_5 : i32
    %sign3A_7 = arith.extui %sign3A_6 : i1 to i32
    %sign3A_8 = arith.subi %sign3A_4, %sign3A_7 : i32
    %sign3A_9 = arith.constant 0 : i32
    %sign3A_10 = arith.cmpi sgt, %jit3A, %sign3A_9 : i32
    %sign3A_11 = arith.extui %sign3A_10 : i1 to i32
    %sign3A_12 = arith.constant 0 : i32
    %sign3A_13 = arith.cmpi slt, %jit3A, %sign3A_12 : i32
    %sign3A_14 = arith.extui %sign3A_13 : i1 to i32
    %sign3A_15 = arith.subi %sign3A_11, %sign3A_14 : i32
    %ne3A = arith.cmpi ne, %sign3A_8, %sign3A_15 : i32
    %rem3A = arith.remsi %get3A_2, %jit3A : i32
    %ne3A_16 = arith.constant 0 : i32
    %ne3A_17 = arith.cmpi ne, %rem3A, %ne3A_16 : i32
    %and3A = arith.andi %ne3A, %ne3A_17 : i1
    %sub3A = arith.constant 1 : i32
    %sub3A_18 = arith.subi %div3A, %sub3A : i32
    %select_n3A = arith.select %and3A, %sub3A_18, %div3A : i32
    %c0_i32 = arith.constant 0 : i32
    %c0_i32_19 = arith.constant 0 : i32
    return %select_n3A, %c0_i32 : i32, i32
  }
  func.func @transform_19(%arg0: i32, %arg1: memref<200xi32, #tpu.memory_space<smem>>, %arg2: memref<1xi32, #tpu.memory_space<smem>>) -> (i32, i32) {
    %mul3A = arith.constant 20 : i32
    %mul3A_0 = arith.muli %arg0, %mul3A : i32
    %add3A = arith.constant 18 : i32
    %add3A_1 = arith.addi %mul3A_0, %add3A : i32
    %get3A = arith.index_cast %add3A_1 : i32 to index
    %get3A_2 = memref.load %arg1[%get3A] : memref<200xi32, #tpu.memory_space<smem>>
    %jit3A = arith.constant 32 : i32
    %div3A = arith.divsi %get3A_2, %jit3A : i32
    %sign3A = arith.constant 0 : i32
    %sign3A_3 = arith.cmpi sgt, %get3A_2, %sign3A : i32
    %sign3A_4 = arith.extui %sign3A_3 : i1 to i32
    %sign3A_5 = arith.constant 0 : i32
    %sign3A_6 = arith.cmpi slt, %get3A_2, %sign3A_5 : i32
    %sign3A_7 = arith.extui %sign3A_6 : i1 to i32
    %sign3A_8 = arith.subi %sign3A_4, %sign3A_7 : i32
    %sign3A_9 = arith.constant 0 : i32
    %sign3A_10 = arith.cmpi sgt, %jit3A, %sign3A_9 : i32
    %sign3A_11 = arith.extui %sign3A_10 : i1 to i32
    %sign3A_12 = arith.constant 0 : i32
    %sign3A_13 = arith.cmpi slt, %jit3A, %sign3A_12 : i32
    %sign3A_14 = arith.extui %sign3A_13 : i1 to i32
    %sign3A_15 = arith.subi %sign3A_11, %sign3A_14 : i32
    %ne3A = arith.cmpi ne, %sign3A_8, %sign3A_15 : i32
    %rem3A = arith.remsi %get3A_2, %jit3A : i32
    %ne3A_16 = arith.constant 0 : i32
    %ne3A_17 = arith.cmpi ne, %rem3A, %ne3A_16 : i32
    %and3A = arith.andi %ne3A, %ne3A_17 : i1
    %sub3A = arith.constant 1 : i32
    %sub3A_18 = arith.subi %div3A, %sub3A : i32
    %select_n3A = arith.select %and3A, %sub3A_18, %div3A : i32
    %c0_i32 = arith.constant 0 : i32
    %c0_i32_19 = arith.constant 0 : i32
    return %select_n3A, %c0_i32 : i32, i32
  }
  func.func @transform_20(%arg0: i32, %arg1: memref<200xi32, #tpu.memory_space<smem>>, %arg2: memref<1xi32, #tpu.memory_space<smem>>) -> (i32, i32) {
    %mul3A = arith.constant 20 : i32
    %mul3A_0 = arith.muli %arg0, %mul3A : i32
    %add3A = arith.constant 19 : i32
    %add3A_1 = arith.addi %mul3A_0, %add3A : i32
    %get3A = arith.index_cast %add3A_1 : i32 to index
    %get3A_2 = memref.load %arg1[%get3A] : memref<200xi32, #tpu.memory_space<smem>>
    %jit3A = arith.constant 32 : i32
    %div3A = arith.divsi %get3A_2, %jit3A : i32
    %sign3A = arith.constant 0 : i32
    %sign3A_3 = arith.cmpi sgt, %get3A_2, %sign3A : i32
    %sign3A_4 = arith.extui %sign3A_3 : i1 to i32
    %sign3A_5 = arith.constant 0 : i32
    %sign3A_6 = arith.cmpi slt, %get3A_2, %sign3A_5 : i32
    %sign3A_7 = arith.extui %sign3A_6 : i1 to i32
    %sign3A_8 = arith.subi %sign3A_4, %sign3A_7 : i32
    %sign3A_9 = arith.constant 0 : i32
    %sign3A_10 = arith.cmpi sgt, %jit3A, %sign3A_9 : i32
    %sign3A_11 = arith.extui %sign3A_10 : i1 to i32
    %sign3A_12 = arith.constant 0 : i32
    %sign3A_13 = arith.cmpi slt, %jit3A, %sign3A_12 : i32
    %sign3A_14 = arith.extui %sign3A_13 : i1 to i32
    %sign3A_15 = arith.subi %sign3A_11, %sign3A_14 : i32
    %ne3A = arith.cmpi ne, %sign3A_8, %sign3A_15 : i32
    %rem3A = arith.remsi %get3A_2, %jit3A : i32
    %ne3A_16 = arith.constant 0 : i32
    %ne3A_17 = arith.cmpi ne, %rem3A, %ne3A_16 : i32
    %and3A = arith.andi %ne3A, %ne3A_17 : i1
    %sub3A = arith.constant 1 : i32
    %sub3A_18 = arith.subi %div3A, %sub3A : i32
    %select_n3A = arith.select %and3A, %sub3A_18, %div3A : i32
    %c0_i32 = arith.constant 0 : i32
    %c0_i32_19 = arith.constant 0 : i32
    return %select_n3A, %c0_i32 : i32, i32
  }
  func.func @transform_21(%arg0: i32, %arg1: memref<200xi32, #tpu.memory_space<smem>>, %arg2: memref<1xi32, #tpu.memory_space<smem>>) -> (i32, i32) {
    %c0_i32 = arith.constant 0 : i32
    %c0_i32_0 = arith.constant 0 : i32
    %c0_i32_1 = arith.constant 0 : i32
    return %c0_i32, %c0_i32_0 : i32, i32
  }
}

</mosaic_0001>

<sc_bundles>
// kernel: kernel.4.cloned.1.call-start
scs
__scs_entry_jumppad:
0x0: {  	(pc) =	sbr.rel $0x88, $3  }
0x1: {  	(tag) =	ssettag $0x0;
	lr =	simm.s32 $0x1  }
0x2: {  	[smem:$0x3F9D] =	sst lr;
	_ =	strace $0xD0000000  }
0x3: {  	_ = 	snop  }
0x4: {  	_ = 	snop  }
0x5: {  	_ = 	snop  }
0x6: {  	_ = 	snop  }
0x7: {  	_ = 	snop  }
__scs_overlays_trampoline_lowered:
0x8: {  	[smem:$0x3FAC] =	sst s0  }
0x9: {  	[smem:$0x3FAD] =	sst s1  }
0xa: {  	[smem:$0x3FAE] =	sst s2  }
0xb: {  	[smem:$0x3FAF] =	sst s3  }
0xc: {  	[smem:$0x3FB0] =	sst s4  }
0xd: {  	[smem:$0x3FB1] =	sst s5  }
0xe: {  	[smem:$0x3FB2] =	sst s6  }
0xf: {  	[smem:$0x3FB3] =	sst s7  }
0x10: {  	[smem:$0x3FB4] =	sst s8  }
0x11: {  	[smem:$0x3FB5] =	sst s9;
	s0 =	simm.s32 @!p0 $0x0  }
0x12: {  	s1 =	sld [smem:$0x3F9B];
	s0 =	simm.s32 @p0 $0x1  }
0x13: {  	[smem:$0x3FB6] =	sst s0;
	s0 =	simm.s32 @!p1 $0x0  }
0x14: {  	s2 =	sld [smem:$0x3F9A];
	s0 =	simm.s32 @p1 $0x1  }
0x15: {  	[smem:$0x3FB7] =	sst s0;
	s0 =	simm.s32 @!p2 $0x0  }
0x16: {  	s3 =	sld [smem:$0x3FDB];
	s0 =	simm.s32 @p2 $0x1  }
0x17: {  	s4 =	simm.s32 $0x1BF5;
	[smem:$0x3FB9] =	sst s0  }
0x18: {  	s0 =	sld [smem:$0x3F9C];
	_ =	swait.ge [sflag:s4], $0x0  }
0x19: {  	s7 =	sld [smem:$0x3F9D]  }
0x1a: {  	s8 =	sadd.s32 $0xFFFFE003, lr  }
0x1b: {  	s9 =	sadd.s32 $0xFFFFFEF7, lr;
	s5 =	simm.s32 $0xFFFFFFFF;
	p2 =	slt.u32 s8, $0xFFFFF086  }
0x1c: {  	p1 =	slt.u32 s9, $0xF7A;
	s5 =	simm.s32 @!p2 $0x0  }
0x1d: {  	s5 =	simm.s32 @p1 $0x1;
	p0 =	seq.s32 s7, s2  }
0x1e: {  	s7 =	smul.u32 @!p0 $0xF7A, s2;
	p2 =	seq.s32 @!p0 s5, $0x0  }
0x1f: {  	s9 =	smul.u32 $0xF7A, s1;
	s8 =	simm.s32 @!p0 $0x1BF5;
	p2 =	por !p2, p0  }
0x20: {  	[sflag:s8] =	ssyncset.s32 @!p0 $0xFFFFF086;
	s6 =	sadd.s32 @!p0 s3, s7;
	s7 =	simm.s32 @!p0 $0x108  }
0x21: {  	s3 =	sadd.s32 s3, s9;
	s6 =	sadd.s32 @!p0 $0x88, s6;
	s7 =	simm.s32 @p2 $0x1082  }
0x22: {  	[simem:s7], [sflag:s8] =	dma.local @!p0 [hbm:s6], $0xF7A  }
0x23: {  	s9 =	sor.u32 $0xD0000000, s2;
	s6 =	simm.s32 $0x108;
	_ =	swait.ge @!p0 [sflag:s8], $0x0  }
0x24: {  	s3 =	sadd.s32 $0x88, s3;
	s6 =	simm.s32 @!p1 $0x1082;
	[sflag:s4] =	ssyncset.s32 $0xFFFFF086  }
0x25: {  	[simem:s6], [sflag:s4] =	dma.local [hbm:s3], $0xF7A  }
0x26: {  	[smem:$0x3F9D] =	sst s1;
	(tag) =	ssettag s2;
	_ =	strace s9  }
0x27: {  	s1 =	sld [smem:$0x3FAD]  }
0x28: {  	s2 =	sld [smem:$0x3FAE]  }
0x29: {  	s4 =	sld [smem:$0x3FB0]  }
0x2a: {  	p0 =	seq.s32 s5, $0x0;
	s5 =	sld [smem:$0x3FB1]  }
0x2b: {  	s6 =	sld [smem:$0x3FB2]  }
0x2c: {  	s7 =	sld [smem:$0x3FB3]  }
0x2d: {  	s3 =	simm.s32 $0x108;
	s8 =	sld [smem:$0x3FB4]  }
0x2e: {  	s3 =	simm.s32 @!p0 $0x1082;
	s9 =	sld [smem:$0x3FB5]  }
0x2f: {  	lr =	sadd.s32 s0, s3;
	s0 =	sld [smem:$0x3FAC]  }
0x30: {  	s3 =	sld [smem:$0x3FAF]  }
0x31: {  	[smem:$0x3FB8] =	sst s10  }
0x32: {  	s10 =	sld [smem:$0x3FB6];
	_ =	sdelay $0x3  }
0x33: {  	p0 =	seq.s32 s10, $0x1;
	s10 =	sld [smem:$0x3FB8];
	_ =	sdelay $0x3  }
0x34: {  	[smem:$0x3FB8] =	sst s10  }
0x35: {  	s10 =	sld [smem:$0x3FB7];
	_ =	sdelay $0x3  }
0x36: {  	p1 =	seq.s32 s10, $0x1;
	s10 =	sld [smem:$0x3FB8];
	_ =	sdelay $0x3  }
0x37: {  	[smem:$0x3FB8] =	sst s10  }
0x38: {  	s10 =	sld [smem:$0x3FB9]  }
0x39: {  	_ = 	snop;
	(pc) =	sbr.ind lr, $3  }
0x3a: {  	_ = 	snop  }
0x3b: {  	_ = 	snop  }
0x3c: {  	p2 =	seq.s32 s10, $0x1;
	s10 =	sld [smem:$0x3FB8]  }
0x3d: {  	_ =	shalt  }
0x3e: {  	_ =	shalt  }
0x3f: {  	_ =	shalt  }
0x40: {  	_ =	shalt  }
0x41: {  	_ =	shalt  }
0x42: {  	_ =	shalt  }
0x43: {  	_ =	shalt  }
0x44: {  	_ =	shalt  }
0x45: {  	_ =	shalt  }
0x46: {  	_ =	shalt  }
0x47: {  	_ =	shalt  }
0x48: {  	_ =	shalt  }
0x49: {  	_ =	shalt  }
0x4a: {  	_ =	shalt  }
0x4b: {  	_ =	shalt  }
0x4c: {  	_ =	shalt  }
0x4d: {  	_ =	shalt  }
0x4e: {  	_ =	shalt  }
0x4f: {  	_ =	shalt  }
0x50: {  	_ =	shalt  }
0x51: {  	_ =	shalt  }
0x52: {  	_ =	shalt  }
0x53: {  	_ =	shalt  }
0x54: {  	_ =	shalt  }
0x55: {  	_ =	shalt  }
0x56: {  	_ =	shalt  }
0x57: {  	_ =	shalt  }
0x58: {  	_ =	shalt  }
0x59: {  	_ =	shalt  }
0x5a: {  	_ =	shalt  }
0x5b: {  	_ =	shalt  }
0x5c: {  	_ =	shalt  }
0x5d: {  	_ =	shalt  }
0x5e: {  	_ =	shalt  }
0x5f: {  	_ =	shalt  }
0x60: {  	_ =	shalt  }
0x61: {  	_ =	shalt  }
0x62: {  	_ =	shalt  }
0x63: {  	_ =	shalt  }
0x64: {  	_ =	shalt  }
0x65: {  	_ =	shalt  }
0x66: {  	_ =	shalt  }
0x67: {  	_ =	shalt  }
0x68: {  	_ =	shalt  }
0x69: {  	_ =	shalt  }
0x6a: {  	_ =	shalt  }
0x6b: {  	_ =	shalt  }
0x6c: {  	_ =	shalt  }
0x6d: {  	_ =	shalt  }
0x6e: {  	_ =	shalt  }
0x6f: {  	_ =	shalt  }
0x70: {  	_ =	shalt  }
0x71: {  	_ =	shalt  }
0x72: {  	_ =	shalt  }
0x73: {  	_ =	shalt  }
0x74: {  	_ =	shalt  }
0x75: {  	_ =	shalt  }
0x76: {  	_ =	shalt  }
0x77: {  	_ =	shalt  }
0x78: {  	_ =	shalt  }
0x79: {  	_ =	shalt  }
0x7a: {  	_ =	shalt  }
0x7b: {  	_ =	shalt  }
0x7c: {  	_ =	shalt  }
0x7d: {  	_ =	shalt  }
0x7e: {  	_ =	shalt  }
0x7f: {  	_ =	shalt  }
0x80: {  	_ =	shalt  }
0x81: {  	_ =	shalt  }
0x82: {  	_ =	shalt  }
0x83: {  	_ =	shalt  }
0x84: {  	_ =	shalt  }
0x85: {  	_ =	shalt  }
0x86: {  	_ =	shalt  }
0x87: {  	_ =	shalt  }
.Lfunc_end0:
.L_simem_size_0:
called_computation_lowered:
.L_overlay_start_0:
0x88: {  	s2 =	sld [smem:$0x3FD9]  }
0x89: {  	s3 =	sld [smem:$0x3FFE];
	_ =	sdelay $0x1  }
0x8a: {  	s1 =	srdreg.scid  }
0x8b: {  	s0 =	sand.u32 $0x1, s1  }
0x8c: {  	s15 =	sshll.u32 s0, $0xA;
	s2 =	sadd.s32 s3, s2  }
0x8d: {  	s2 =	sadd.s32 s2, s15  }
0x8e: {  	[smem:$0x3FC4] =	sst s2  }
0x8f: {  	_ = 	snop  }
0x90: {  	s2 =	sld [smem:$0x3FD0]  }
0x91: {  	s16 =	sld [smem:$0x3FC9]  }
0x92: {  	s4 =	sld [smem:$0x3FC8]  }
0x93: {  	s6 =	simm.s32 $0xA;
	s7 =	simm.s32 $0x10;
	s5 =	sld [smem:$0x3FC7]  }
0x94: {  	[smem:s7], [sflag:s6] =	dma.local [hbm:s2], $0x1  }
0x95: {  	_ =	swait.eq [sflag:s6], $0x1  }
0x96: {  	[sflag:s6] =	ssyncset.done $0x0  }
0x97: {  	[sflag:s6] =	ssyncadd.s32 $0xFFFFFFFF  }
0x98: {  	s17 =	sld [smem:$0x10];
	(tm) =	ssettm $0x1  }
0x99: {  	s18 =	sld [smem:$0x3FFB];
	_ =	sdelay $0x3  }
0x9a: {  	_ =	strace s18  }
0x9b: {  	s6 =	sld [smem:$0x3FFC];
	_ =	sdelay $0x3  }
0x9c: {  	_ =	strace s6  }
0x9d: {  	s6 =	sld [smem:$0x3FFD];
	_ =	sdelay $0x3  }
0x9e: {  	_ =	strace s6  }
0x9f: {  	_ =	strace $0x8FFFFFFF  }
0xa0: {  	s19 =	sld [smem:$0x3FDB];
	_ =	sdelay $0x1  }
0xa1: {  	s20 =	simm.s32 $_scs_section_size  }
0xa2: {  	s8 =	simm.s32 $_size__tile_overlayer_lowered;
	s9 =	simm.s32 $_tile_overlayer_lowered  }
0xa3: {  	s23 =	simm.s32 $0x1BFF;
	s22 =	sshll.u32 s9, $0x1;
	s6 =	sadd.s32 s20, s19  }
0xa4: {  	s10 =	simm.s32 $0x0;
	s21 =	sshll.u32 s8, $0x1;
	s8 =	sadd.s32 s22, s6  }
0xa5: {  	[timem:s10], [sflag:s23] =	dma.local [hbm:s8], s21  }
0xa6: {  	_ =	swait.ge [sflag:s23], s21  }
0xa7: {  	s7 =	ssub.s32 $0x0, s21;
	[sflag:s23] =	ssyncset.done $0x0  }
0xa8: {  	[sflag:s23] =	ssyncadd.s32 s7;
	_ =	sdelay $0x1  }
0xa9: {  	s24 =	simm.s32 $0x1B8B  }
0xaa: {  	_ =	swait.ge [sflag:s24], $0x1  }
0xab: {  	[sflag:s24] =	ssyncset.done $0x0  }
0xac: {  	s25 =	simm.s32 $0x1B8E;
	[sflag:s24] =	ssyncadd.s32 $0xFFFFFFFF  }
0xad: {  	s26 =	simm.s32 $execute0_lowered;
	[smem:$0x3FD2] =	sst s25  }
0xae: {  	s7 =	sshll.u32 s26, $0x1;
	_ =	strace $0x80000046;
	[dreg:$0x1] =	wrdreg $0xFFFFFFFF  }
0xaf: {  	s28 =	simm.s32 $_size_execute0_lowered;
	s6 =	sadd.s32 s6, s7;
	[dreg:$0x0] =	wrdreg $0x0  }
0xb0: {  	s7 =	sshll.u32 s28, $0x1;
	[dreg:$0x2] =	wrdreg s6  }
0xb1: {  	[dreg:$0x3] =	wrdreg s7  }
0xb2: {  	[dreg:$0x4] =	wrdreg $0xC0  }
0xb3: {  	_ =	task [dreg:s10], $0x5FFFF  }
0xb4: {  	[dreg:$0x1] =	wrdreg $0xFFFFFFFF  }
0xb5: {  	[dreg:$0x0] =	wrdreg $0x60  }
0xb6: {  	[dreg:$0x2] =	wrdreg s16  }
0xb7: {  	[dreg:$0x3] =	wrdreg s4  }
0xb8: {  	[dreg:$0x4] =	wrdreg s5  }
0xb9: {  	[dreg:$0x5] =	wrdreg s17  }
0xba: {  	[dreg:$0x6] =	wrdreg $0x9  }
0xbb: {  	_ =	task.clear_ibuf [dreg:s10], $0x7FFFF;
	_ =	strace $0x90000046  }
0xbc: {  	s29 =	simm.s32 $0x9;
	_ =	strace $0x80000048  }
0xbd: {  	_ =	swait.ge [sflag:s29], $0x1  }
0xbe: {  	[sflag:s29] =	ssyncadd.s32 $0xFFFFFFFF  }
0xbf: {  	_ =	strace $0x90000048  }
0xc0: {  	_ =	sfence  }
0xc1: {  	s30 =	sld [smem:$0x0];
	_ =	sdelay $0x2  }
0xc2: {  	s31 =	sshll.u32 s1, $0xD;
	s1 =	sshrl.u32 s1, $0x2  }
0xc3: {  	s3 =	sand.u32 $0x4000, s31;
	s1 =	sadd.s32 s1, s30  }
0xc4: {  	s0 =	sor.u32 s3, s0;
	s1 =	sshll.u32 s1, $0x11  }
0xc5: {  	s0 =	sor.u32 s1, s0  }
0xc6: {  	s0 =	sadd.s32 $0x8F2B, s0  }
0xc7: {  	[sflag:s0] =	ssyncadd.remote.s32 $0x1  }
0xc8: {  	_ =	sfence.sel $0xFFFF  }
0xc9: {  	[dreg:$0x0] =	wrdreg $0xFFFFFFFF;
	(pc) =	sbr.abs _section_cstart, $3  }
0xca: {  	[dreg:$0x1] =	wrdreg $0xFFFFFFFF  }
0xcb: {  	_ =	task.clear_ibuf [dreg:s10], $0x2FFFF;
	_ =	strace $0x9FFFFFFF  }
0xcc: {  	(tm) =	ssettm $0x7FFFFFFF  }
0xcd: {  	_ =	shalt  }
tec
execute0_lowered:
.L_overlay_start_1:
0x0: {  	(tag) =	ssettag $0x1  }
0x1: {  	s31 =	srdreg.scid  }
0x2: {  	s4 =	sand.u32 $0x1, s31  }
0x3: {  	s1 =	stileid.u32;
	s7 =	sshll.u32 s4, $0x4  }
0x4: {  	s0 =	rddreg [dreg:$0x0];
	s7 =	sor.u32 s1, s7  }
0x5: {  	s5 =	rddreg [dreg:$0x1];
	p0 =	sgt.u32 s7, $0x18  }
.Ltmp0:
0x6: {  	s2 =	rddreg [dreg:$0x2];
	(pc) =	sbr.rel @p0 .LBB2_3-.Ltmp0, $4  }
0x7: {  	s6 =	rddreg [dreg:$0x3]  }
0x8: {  	s3 =	simm.s32 $0x0;
	[dreg:$0x5] =	wrdreg s0  }
0x9: {  	[smem:$0x7FF] =	sst s3  }
0xa: {  	s0 =	rddreg [dreg:$0x4];
	_ =	strace $0x80000047  }
0xb: {  	v0 =	vlaneseq.u32  }
0xc: {  	v0 =	vmul.u32 $0x80, v0  }
0xd: {  	s5 =	sadd.s32 s5, s7  }
0xe: {  	s21 =	simm.s32 $0x8;
	[dreg:$0x7] =	wrdreg s5;
	v1 =	vor.u32 $0x10000, v0;
	v2 =	vor.u32 $0x2000, v0  }
0xf: {  	s22 =	simm.s32 $0x2080;
	[dreg:$0x8] =	wrdreg s21;
	v3 =	vor.u32 $0x4000, v0;
	v4 =	vor.u32 $0x6000, v0;
	v5 =	vor.u32 $0x8000, v0  }
0x10: {  	s23 =	simm.s32 $0x4080;
	[dreg:$0x9] =	wrdreg s22;
	v6 =	vor.u32 $0xA000, v0;
	v7 =	vor.u32 $0xC000, v0;
	v8 =	vor.u32 $0xE000, v0  }
0x11: {  	s8 =	sshll.u32 s7, $0x7;
	s24 =	simm.s32 $0x6080;
	[dreg:$0xa] =	wrdreg s23;
	v9 =	vor.u32 $0x10800, v0;
	v10 =	vor.u32 $0x800, v0;
	v11 =	vor.u32 $0x2800, v0  }
0x12: {  	s4 =	ssub.s32 $0x2, s4;
	s26 =	simm.s32 $0x8080;
	[dreg:$0xb] =	wrdreg s24;
	v12 =	vor.u32 $0x4800, v0;
	v13 =	vor.u32 $0x6800, v0;
	v14 =	vor.u32 $0x8800, v0  }
0x13: {  	s28 =	simm.s32 $0xA080;
	s29 =	simm.s32 $0xC080;
	[dreg:$0xc] =	wrdreg s26;
	v15 =	vor.u32 $0xA800, v0;
	v16 =	vor.u32 $0xC800, v0;
	v17 =	vor.u32 $0xE800, v0  }
0x14: {  	s30 =	simm.s32 $0xE080;
	s31 =	simm.s32 $0x10080;
	[dreg:$0xd] =	wrdreg s28;
	v18 =	vor.u32 $0x11000, v0;
	v19 =	vor.u32 $0x1000, v0;
	v20 =	vor.u32 $0x3000, v0  }
0x15: {  	s7 =	simm.s32 $0x400;
	s10 =	simm.s32 $0x12080;
	[dreg:$0xe] =	wrdreg s29;
	v21 =	vor.u32 $0x5000, v0;
	v22 =	vor.u32 $0x7000, v0;
	v23 =	vor.u32 $0x9000, v0  }
0x16: {  	s9 =	simm.s32 $0x80;
	s6 =	sadd.s32 s6, s8;
	[dreg:$0xf] =	wrdreg s30;
	v24 =	vor.u32 $0xB000, v0;
	v25 =	vor.u32 $0xD000, v0;
	v26 =	vor.u32 $0xF000, v0  }
0x17: {  	s25 =	sshrl.u32 s4, $0x1;
	s5 =	simm.s32 $0x2;
	[dreg:$0x10] =	wrdreg s31;
	v27 =	vor.u32 $0x11800, v0;
	v28 =	vor.u32 $0x1800, v0;
	v29 =	vor.u32 $0x3800, v0  }
0x18: {  	s8 =	simm.s32 $0xC3800;
	[dreg:$0x11] =	wrdreg s10;
	s4 =	ssub.s32 s4, s25;
	v30 =	vor.u32 $0x5800, v0;
	v31 =	vor.u32 $0x7800, v0;
	v32 =	vor.u32 $0x9800, v0  }
0x19: {  	[dreg:$0x6] =	wrdreg s6;
	s6 =	simm.s32 $0x1;
	s4 =	smax.u32 s4, $0x1;
	v33 =	vor.u32 $0xB800, v0;
	v34 =	vor.u32 $0xD800, v0;
	v35 =	vor.u32 $0xF800, v0  }
.LBB2_2:
0x1a: {  	s10 =	rddreg [dreg:$0x7]  }
0x1b: {  	[tilespmem:s3], [sflag:$0x2] =	stream.linear.gather [hbm4b:s10+s3], $0x8, $0x38;
	[tilespmem:$0x12480] =	vst v63  }
0x1c: {  	_ =	swait.ge [sflag:s5], $0x8  }
0x1d: {  	s26 =	rddreg [dreg:$0x5];
	[sflag:s5] =	ssyncset.done $0x0  }
0x1e: {  	s11 =	rddreg [dreg:$0x8];
	[sflag:s5] =	ssyncadd.s32 $0xFFFFFFF8  }
0x1f: {  	[tilespmem:s11], [sflag:$0x2] =	stream.linear.gather [hbm4b:s26+s3], $0x1, $0x38;
	[tilespmem:$0x12480] =	vst v63  }
0x20: {  	_ =	swait.ge [sflag:s5], $0x1  }
0x21: {  	[sflag:s5] =	ssyncset.done $0x0  }
0x22: {  	[sflag:s5] =	ssyncadd.s32 $0xFFFFFFFF  }
0x23: {  	v36 =	vld [tilespmem:$0x0];
	_ =	sdelay $0x4  }
0x24: {  	(v2sf) =	vpush v36, $0x1  }
0x25: {  	(v2sf) =	vpush v36, $0x2  }
0x26: {  	(v2sf) =	vpush v36, $0x3;
	_ =	sdelay $0x1  }
0x27: {  	(v2sf) =	vpush v36, $0x4;
	_ =	sdelay $0x2  }
0x28: {  	(v2sf) =	vpush v36, $0x5;
	_ =	sdelay $0x2  }
0x29: {  	(v2sf) =	vpush v36, $0x6;
	_ =	sdelay $0x2  }
0x2a: {  	(v2sf) =	vpush v36, $0x7;
	_ =	sdelay $0x1  }
0x2b: {  	(v2sf) =	vpush v36, $0x8;
	s13 =	spop (v2sf)  }
0x2c: {  	s14 =	spop (v2sf);
	s18 =	sshra.s32 s13, $0x1F;
	s28 =	sand.u32 $0x7F, s13  }
0x2d: {  	p0 =	slt.s32 s13, $0x1;
	s16 =	spop (v2sf);
	p1 =	sne.s32 s28, $0x0  }
0x2e: {  	s18 =	sshrl.u32 s18, $0x19;
	s19 =	sand.u32 $0x7F, s14;
	s20 =	sshra.s32 s14, $0x1F  }
0x2f: {  	p3 =	slt.s32 s14, $0x1;
	s17 =	spop (v2sf);
	p0 =	por !p0, !p1  }
0x30: {  	s13 =	sadd.s32 s18, s13;
	s18 =	simm.s32 $0x1;
	p4 =	sne.s32 s19, $0x0  }
0x31: {  	s29 =	sshrl.u32 s20, $0x19;
	s30 =	sand.u32 $0x7F, s16;
	s31 =	sshra.s32 s16, $0x1F  }
0x32: {  	p5 =	slt.s32 s16, $0x1;
	s15 =	spop (v2sf);
	p0 =	por !p0, !p0  }
0x33: {  	s13 =	sshrl.u32 s13, $0x7;
	s14 =	sadd.s32 s29, s14;
	p6 =	sne.s32 s30, $0x0  }
0x34: {  	s21 =	sshrl.u32 s31, $0x19;
	s22 =	sand.u32 $0x7F, s17;
	s23 =	sshra.s32 s17, $0x1F  }
0x35: {  	(v2sf) =	vpush v36, $0x0;
	p1 =	slt.s32 s17, $0x1;
	s12 =	spop (v2sf);
	s18 =	simm.s32 @!p0 $0x0  }
0x36: {  	p0 =	por !p3, !p4;
	s14 =	sshrl.u32 s14, $0x7;
	s16 =	sadd.s32 s21, s16  }
0x37: {  	p2 =	sne.s32 s22, $0x0;
	s24 =	sshrl.u32 s23, $0x19;
	s26 =	sshra.s32 s15, $0x1F  }
0x38: {  	s23 =	rddreg [dreg:$0x9];
	s11 =	spop (v2sf);
	s13 =	ssub.s32 s13, s18  }
0x39: {  	p0 =	por !p0, !p0;
	s18 =	simm.s32 $0x1;
	s16 =	sshrl.u32 s16, $0x7  }
0x3a: {  	s17 =	sadd.s32 s24, s17;
	s31 =	sshra.s32 s12, $0x1F;
	s10 =	spop (v2sf)  }
0x3b: {  	s18 =	simm.s32 @!p0 $0x0;
	p0 =	por !p5, !p6;
	s17 =	sshrl.u32 s17, $0x7  }
0x3c: {  	p5 =	slt.s32 s15, $0x1;
	s21 =	sshrl.u32 s31, $0x19;
	s13 =	sshll.u32 s13, $0x7  }
0x3d: {  	s31 =	rddreg [dreg:$0xb];
	s14 =	ssub.s32 s14, s18;
	p0 =	por !p0, !p0  }
0x3e: {  	s18 =	simm.s32 $0x1;
	s22 =	sadd.s32 s21, s12;
	s13 =	sand.u32 $0x1FFFFF80, s13  }
0x3f: {  	s21 =	sshra.s32 s10, $0x1F;
	s18 =	simm.s32 @!p0 $0x0;
	p0 =	por !p1, !p2  }
0x40: {  	s16 =	ssub.s32 s16, s18;
	p0 =	por !p0, !p0;
	s18 =	simm.s32 $0x1  }
0x41: {  	p1 =	slt.s32 s12, $0x1;
	s12 =	sand.u32 $0x7F, s12;
	s18 =	simm.s32 @!p0 $0x0  }
0x42: {  	s24 =	sadd.s32 s2, s13;
	s17 =	ssub.s32 s17, s18;
	s18 =	sshrl.u32 s26, $0x19  }
0x43: {  	p2 =	sne.s32 s12, $0x0;
	s18 =	sadd.s32 s18, s15;
	s15 =	sand.u32 $0x7F, s15  }
0x44: {  	s26 =	rddreg [dreg:$0xa];
	p6 =	sne.s32 s15, $0x0;
	s25 =	spop (v2sf)  }
0x45: {  	s18 =	sshrl.u32 s18, $0x7;
	s28 =	sand.u32 $0x7F, s25;
	s29 =	sshra.s32 s25, $0x1F  }
0x46: {  	p3 =	slt.s32 s25, $0x1;
	p4 =	sne.s32 s28, $0x0;
	s20 =	sshrl.u32 s29, $0x19  }
0x47: {  	s28 =	sshra.s32 s11, $0x1F;
	p0 =	por !p3, !p4;
	s19 =	sadd.s32 s20, s25  }
0x48: {  	s20 =	simm.s32 $0x1;
	s25 =	sshll.u32 s14, $0x7;
	s14 =	simm.s32 $0x1  }
0x49: {  	s29 =	sshrl.u32 s28, $0x19;
	p3 =	slt.s32 s11, $0x1;
	p0 =	por !p0, !p0  }
0x4a: {  	s30 =	sshrl.u32 s19, $0x7;
	s19 =	simm.s32 $0x1;
	s12 =	sand.u32 $0x1FFFFF80, s25  }
0x4b: {  	s25 =	sshrl.u32 s21, $0x19;
	s20 =	simm.s32 @!p0 $0x0;
	p0 =	por !p5, !p6  }
0x4c: {  	s12 =	sadd.s32 s2, s12;
	p5 =	slt.s32 s10, $0x1;
	s15 =	ssub.s32 s30, s20  }
0x4d: {  	s30 =	sshll.u32 s16, $0x7;
	s16 =	sshll.u32 s17, $0x7;
	s17 =	rddreg [dreg:$0xc]  }
0x4e: {  	p0 =	por !p0, !p0;
	s20 =	rddreg [dreg:$0xd];
	s15 =	sshll.u32 s15, $0x7  }
0x4f: {  	s19 =	simm.s32 @!p0 $0x0;
	p0 =	por !p1, !p2;
	s15 =	sand.u32 $0x1FFFFF80, s15  }
0x50: {  	s13 =	sand.u32 $0x1FFFFF80, s30;
	p0 =	por !p0, !p0;
	s15 =	sadd.s32 s2, s15  }
0x51: {  	[tilespmem:s9], [sflag:$0x1] =	stream.strided.gather [hbm4b:s15+s7], $0x2000, s8, s7, $0x38;
	[tilespmem:$0x12480] =	vst v63  }
0x52: {  	s18 =	ssub.s32 s18, s19;
	s13 =	sadd.s32 s2, s13;
	s14 =	simm.s32 @!p0 $0x0  }
0x53: {  	[tilespmem:s23], [sflag:$0x1] =	stream.strided.gather [hbm4b:s24+s7], $0x2000, s8, s7, $0x38;
	[tilespmem:$0x12480] =	vst v63  }
0x54: {  	s19 =	sshll.u32 s18, $0x7;
	s15 =	sshrl.u32 s22, $0x7;
	s22 =	sand.u32 $0x7F, s10  }
0x55: {  	[tilespmem:s26], [sflag:$0x1] =	stream.strided.gather [hbm4b:s12+s7], $0x2000, s8, s7, $0x38;
	[tilespmem:$0x12480] =	vst v63  }
0x56: {  	s10 =	sadd.s32 s25, s10;
	s12 =	sadd.s32 s29, s11;
	s11 =	sand.u32 $0x7F, s11  }
0x57: {  	s14 =	ssub.s32 s15, s14;
	p4 =	sne.s32 s11, $0x0;
	s11 =	sand.u32 $0x1FFFFF80, s16  }
0x58: {  	[tilespmem:s31], [sflag:$0x1] =	stream.strided.gather [hbm4b:s13+s7], $0x2000, s8, s7, $0x38;
	[tilespmem:$0x12480] =	vst v63  }
0x59: {  	s15 =	simm.s32 $0x1;
	p6 =	sne.s32 s22, $0x0;
	s11 =	sadd.s32 s2, s11  }
0x5a: {  	[tilespmem:s17], [sflag:$0x1] =	stream.strided.gather [hbm4b:s11+s7], $0x2000, s8, s7, $0x38;
	[tilespmem:$0x12480] =	vst v63  }
0x5b: {  	s23 =	sshll.u32 s14, $0x7;
	p0 =	por !p3, !p4;
	s11 =	sand.u32 $0x1FFFFF80, s19  }
0x5c: {  	s24 =	rddreg [dreg:$0xe];
	p0 =	por !p0, !p0;
	s11 =	sadd.s32 s2, s11  }
0x5d: {  	[tilespmem:s20], [sflag:$0x1] =	stream.strided.gather [hbm4b:s11+s7], $0x2000, s8, s7, $0x38;
	[tilespmem:$0x12480] =	vst v63  }
0x5e: {  	s12 =	sshrl.u32 s12, $0x7;
	s15 =	simm.s32 @!p0 $0x0;
	s11 =	sand.u32 $0x1FFFFF80, s23  }
0x5f: {  	p0 =	por !p5, !p6;
	s12 =	ssub.s32 s12, s15;
	s11 =	sadd.s32 s2, s11  }
0x60: {  	[tilespmem:s24], [sflag:$0x1] =	stream.strided.gather [hbm4b:s11+s7], $0x2000, s8, s7, $0x38;
	[tilespmem:$0x12480] =	vst v63  }
0x61: {  	p0 =	por !p0, !p0;
	s12 =	sshll.u32 s12, $0x7;
	s11 =	simm.s32 $0x1  }
0x62: {  	s10 =	sshrl.u32 s10, $0x7;
	s12 =	sand.u32 $0x1FFFFF80, s12;
	s11 =	simm.s32 @!p0 $0x0  }
0x63: {  	s26 =	rddreg [dreg:$0xf];
	s28 =	sadd.s32 s2, s12;
	s10 =	ssub.s32 s10, s11  }
0x64: {  	[tilespmem:s26], [sflag:$0x1] =	stream.strided.gather [hbm4b:s28+s7], $0x2000, s8, s7, $0x38;
	[tilespmem:$0x12480] =	vst v63  }
0x65: {  	s10 =	sshll.u32 s10, $0x7  }
0x66: {  	s10 =	sand.u32 $0x1FFFFF80, s10  }
0x67: {  	s29 =	rddreg [dreg:$0x10];
	s10 =	sadd.s32 s2, s10  }
0x68: {  	[tilespmem:s29], [sflag:$0x1] =	stream.strided.gather [hbm4b:s10+s7], $0x2000, s8, s7, $0x38;
	[tilespmem:$0x12480] =	vst v63  }
0x69: {  	_ =	swait.ge [sflag:s6], $0x2000  }
0x6a: {  	[sflag:s6] =	ssyncset.done $0x0  }
0x6b: {  	[sflag:s6] =	ssyncadd.s32 $0xFFFFE000  }
0x6c: {  	_ =	swait.ge [sflag:s6], $0x2000  }
0x6d: {  	[sflag:s6] =	ssyncset.done $0x0  }
0x6e: {  	[sflag:s6] =	ssyncadd.s32 $0xFFFFE000  }
0x6f: {  	_ =	swait.ge [sflag:s6], $0x2000  }
0x70: {  	[sflag:s6] =	ssyncset.done $0x0  }
0x71: {  	[sflag:s6] =	ssyncadd.s32 $0xFFFFE000  }
0x72: {  	_ =	swait.ge [sflag:s6], $0x2000  }
0x73: {  	[sflag:s6] =	ssyncset.done $0x0  }
0x74: {  	[sflag:s6] =	ssyncadd.s32 $0xFFFFE000  }
0x75: {  	_ =	swait.ge [sflag:s6], $0x2000  }
0x76: {  	[sflag:s6] =	ssyncset.done $0x0  }
0x77: {  	[sflag:s6] =	ssyncadd.s32 $0xFFFFE000  }
0x78: {  	_ =	swait.ge [sflag:s6], $0x2000  }
0x79: {  	[sflag:s6] =	ssyncset.done $0x0  }
0x7a: {  	[sflag:s6] =	ssyncadd.s32 $0xFFFFE000  }
0x7b: {  	_ =	swait.ge [sflag:s6], $0x2000  }
0x7c: {  	v36 =	vand.u32 $0x7F, v36;
	[sflag:s6] =	ssyncset.done $0x0  }
0x7d: {  	v37 =	vbroadcast v36, $0x0;
	[sflag:s6] =	ssyncadd.s32 $0xFFFFE000  }
0x7e: {  	v38 =	vbroadcast v36, $0x8;
	_ =	swait.ge [sflag:s6], $0x2000  }
0x7f: {  	v39 =	vor.u32 v0, v37;
	[sflag:s6] =	ssyncset.done $0x0  }
0x80: {  	v40 =	vor.u32 v1, v38;
	[sflag:s6] =	ssyncadd.s32 $0xFFFFE000  }
0x81: {  	_ =	swait.ge [sflag:s6], $0x2000  }
0x82: {  	[sflag:s6] =	ssyncset.done $0x0  }
0x83: {  	[sflag:s6] =	ssyncadd.s32 $0xFFFFE000  }
0x84: {  	v41 =	vbroadcast v36, $0x1;
	v39 =	vld.idx.msk [tilespmem:v39+s9+$0x0], $0xffff  }
0x85: {  	v40 =	vld.idx.msk [tilespmem:v40+s9+$0x0], $0xffff  }
0x86: {  	v42 =	vor.u32 v2, v41;
	_ =	sdelay $0x2  }
0x87: {  	[tilespmem:$0x12080] =	vst v39  }
0x88: {  	[tilespmem:$0x120C0] =	vst v40  }
0x89: {  	v39 =	vld.idx.msk [tilespmem:v42+s9+$0x0], $0xffff;
	v42 =	vbroadcast v36, $0x2;
	_ =	sdelay $0x1  }
0x8a: {  	v43 =	vor.u32 v3, v42;
	_ =	sdelay $0x2  }
0x8b: {  	[tilespmem:$0x12140] =	vst v40  }
0x8c: {  	[tilespmem:$0x12100] =	vst v39  }
0x8d: {  	v39 =	vld.idx.msk [tilespmem:v43+s9+$0x0], $0xffff;
	v43 =	vbroadcast v36, $0x3;
	_ =	sdelay $0x1  }
0x8e: {  	v44 =	vor.u32 v4, v43;
	_ =	sdelay $0x2  }
0x8f: {  	[tilespmem:$0x121C0] =	vst v40  }
0x90: {  	[tilespmem:$0x12180] =	vst v39  }
0x91: {  	v39 =	vld.idx.msk [tilespmem:v44+s9+$0x0], $0xffff;
	v44 =	vbroadcast v36, $0x4;
	_ =	sdelay $0x1  }
0x92: {  	v45 =	vor.u32 v5, v44;
	_ =	sdelay $0x2  }
0x93: {  	[tilespmem:$0x12240] =	vst v40  }
0x94: {  	[tilespmem:$0x12200] =	vst v39  }
0x95: {  	v39 =	vld.idx.msk [tilespmem:v45+s9+$0x0], $0xffff;
	v45 =	vbroadcast v36, $0x5;
	_ =	sdelay $0x1  }
0x96: {  	v46 =	vor.u32 v6, v45;
	_ =	sdelay $0x2  }
0x97: {  	[tilespmem:$0x122C0] =	vst v40  }
0x98: {  	[tilespmem:$0x12280] =	vst v39  }
0x99: {  	v39 =	vld.idx.msk [tilespmem:v46+s9+$0x0], $0xffff;
	v46 =	vbroadcast v36, $0x6;
	_ =	sdelay $0x1  }
0x9a: {  	v47 =	vor.u32 v7, v46;
	_ =	sdelay $0x2  }
0x9b: {  	[tilespmem:$0x12340] =	vst v40  }
0x9c: {  	v36 =	vbroadcast v36, $0x7;
	[tilespmem:$0x12300] =	vst v39  }
0x9d: {  	v39 =	vld.idx.msk [tilespmem:v47+s9+$0x0], $0xffff  }
0x9e: {  	v53 =	vor.u32 v8, v36;
	_ =	sdelay $0x2  }
0x9f: {  	[tilespmem:$0x123C0] =	vst v40  }
0xa0: {  	[tilespmem:$0x12380] =	vst v39  }
0xa1: {  	v39 =	vld.idx.msk [tilespmem:v53+s9+$0x0], $0xffff  }
0xa2: {  	v54 =	vor.u32 v10, v37  }
0xa3: {  	v48 =	vor.u32 v9, v38;
	_ =	sdelay $0x1  }
0xa4: {  	[tilespmem:$0x12440] =	vst v40  }
0xa5: {  	[tilespmem:$0x12400] =	vst v39  }
0xa6: {  	v39 =	vld.idx.msk [tilespmem:v54+s9+$0x0], $0xffff  }
0xa7: {  	v40 =	vld.idx.msk [tilespmem:v48+s9+$0x0], $0xffff  }
0xa8: {  	v55 =	vor.u32 v11, v41;
	_ =	sdelay $0x2  }
0xa9: {  	[tilespmem:$0x12090] =	vst v39  }
0xaa: {  	[tilespmem:$0x120D0] =	vst v40  }
0xab: {  	v39 =	vld.idx.msk [tilespmem:v55+s9+$0x0], $0xffff  }
0xac: {  	v56 =	vor.u32 v12, v42;
	_ =	sdelay $0x2  }
0xad: {  	[tilespmem:$0x12150] =	vst v40  }
0xae: {  	[tilespmem:$0x12110] =	vst v39  }
0xaf: {  	v39 =	vld.idx.msk [tilespmem:v56+s9+$0x0], $0xffff  }
0xb0: {  	v57 =	vor.u32 v13, v43;
	_ =	sdelay $0x2  }
0xb1: {  	[tilespmem:$0x121D0] =	vst v40  }
0xb2: {  	[tilespmem:$0x12190] =	vst v39  }
0xb3: {  	v39 =	vld.idx.msk [tilespmem:v57+s9+$0x0], $0xffff  }
0xb4: {  	v58 =	vor.u32 v14, v44;
	_ =	sdelay $0x2  }
0xb5: {  	[tilespmem:$0x12250] =	vst v40  }
0xb6: {  	[tilespmem:$0x12210] =	vst v39  }
0xb7: {  	v39 =	vld.idx.msk [tilespmem:v58+s9+$0x0], $0xffff  }
0xb8: {  	v59 =	vor.u32 v15, v45;
	_ =	sdelay $0x2  }
0xb9: {  	[tilespmem:$0x122D0] =	vst v40  }
0xba: {  	[tilespmem:$0x12290] =	vst v39  }
0xbb: {  	v39 =	vld.idx.msk [tilespmem:v59+s9+$0x0], $0xffff  }
0xbc: {  	v60 =	vor.u32 v16, v46;
	_ =	sdelay $0x2  }
0xbd: {  	[tilespmem:$0x12350] =	vst v40  }
0xbe: {  	[tilespmem:$0x12310] =	vst v39  }
0xbf: {  	v39 =	vld.idx.msk [tilespmem:v60+s9+$0x0], $0xffff  }
0xc0: {  	v61 =	vor.u32 v17, v36;
	_ =	sdelay $0x2  }
0xc1: {  	[tilespmem:$0x123D0] =	vst v40  }
0xc2: {  	[tilespmem:$0x12390] =	vst v39  }
0xc3: {  	v39 =	vld.idx.msk [tilespmem:v61+s9+$0x0], $0xffff  }
0xc4: {  	v62 =	vor.u32 v19, v37  }
0xc5: {  	v63 =	vor.u32 v18, v38;
	_ =	sdelay $0x1  }
0xc6: {  	[tilespmem:$0x12450] =	vst v40  }
0xc7: {  	[tilespmem:$0x12410] =	vst v39  }
0xc8: {  	v39 =	vld.idx.msk [tilespmem:v62+s9+$0x0], $0xffff  }
0xc9: {  	v40 =	vld.idx.msk [tilespmem:v63+s9+$0x0], $0xffff  }
0xca: {  	v51 =	vor.u32 v20, v41;
	_ =	sdelay $0x2  }
0xcb: {  	[tilespmem:$0x120A0] =	vst v39  }
0xcc: {  	[tilespmem:$0x120E0] =	vst v40  }
0xcd: {  	v39 =	vld.idx.msk [tilespmem:v51+s9+$0x0], $0xffff  }
0xce: {  	v52 =	vor.u32 v21, v42;
	_ =	sdelay $0x2  }
0xcf: {  	[tilespmem:$0x12160] =	vst v40  }
0xd0: {  	[tilespmem:$0x12120] =	vst v39  }
0xd1: {  	v39 =	vld.idx.msk [tilespmem:v52+s9+$0x0], $0xffff  }
0xd2: {  	v53 =	vor.u32 v22, v43;
	_ =	sdelay $0x2  }
0xd3: {  	[tilespmem:$0x121E0] =	vst v40  }
0xd4: {  	[tilespmem:$0x121A0] =	vst v39  }
0xd5: {  	v39 =	vld.idx.msk [tilespmem:v53+s9+$0x0], $0xffff  }
0xd6: {  	v54 =	vor.u32 v23, v44;
	_ =	sdelay $0x2  }
0xd7: {  	[tilespmem:$0x12260] =	vst v40  }
0xd8: {  	[tilespmem:$0x12220] =	vst v39  }
0xd9: {  	v39 =	vld.idx.msk [tilespmem:v54+s9+$0x0], $0xffff  }
0xda: {  	v55 =	vor.u32 v24, v45;
	_ =	sdelay $0x2  }
0xdb: {  	[tilespmem:$0x122E0] =	vst v40  }
0xdc: {  	[tilespmem:$0x122A0] =	vst v39  }
0xdd: {  	v39 =	vld.idx.msk [tilespmem:v55+s9+$0x0], $0xffff  }
0xde: {  	v56 =	vor.u32 v25, v46;
	_ =	sdelay $0x2  }
0xdf: {  	[tilespmem:$0x12360] =	vst v40  }
0xe0: {  	[tilespmem:$0x12320] =	vst v39  }
0xe1: {  	v39 =	vld.idx.msk [tilespmem:v56+s9+$0x0], $0xffff  }
0xe2: {  	v57 =	vor.u32 v26, v36;
	_ =	sdelay $0x2  }
0xe3: {  	[tilespmem:$0x123E0] =	vst v40  }
0xe4: {  	[tilespmem:$0x123A0] =	vst v39  }
0xe5: {  	v39 =	vld.idx.msk [tilespmem:v57+s9+$0x0], $0xffff  }
0xe6: {  	v37 =	vor.u32 v28, v37  }
0xe7: {  	v38 =	vor.u32 v27, v38;
	_ =	sdelay $0x1  }
0xe8: {  	[tilespmem:$0x12460] =	vst v40  }
0xe9: {  	[tilespmem:$0x12420] =	vst v39  }
0xea: {  	v37 =	vld.idx.msk [tilespmem:v37+s9+$0x0], $0xffff  }
0xeb: {  	v38 =	vld.idx.msk [tilespmem:v38+s9+$0x0], $0xffff  }
0xec: {  	v58 =	vor.u32 v29, v41;
	_ =	sdelay $0x2  }
0xed: {  	[tilespmem:$0x120B0] =	vst v37  }
0xee: {  	[tilespmem:$0x120F0] =	vst v38  }
0xef: {  	v37 =	vld.idx.msk [tilespmem:v58+s9+$0x0], $0xffff  }
0xf0: {  	v59 =	vor.u32 v30, v42;
	_ =	sdelay $0x2  }
0xf1: {  	[tilespmem:$0x12170] =	vst v38  }
0xf2: {  	[tilespmem:$0x12130] =	vst v37  }
0xf3: {  	v37 =	vld.idx.msk [tilespmem:v59+s9+$0x0], $0xffff  }
0xf4: {  	v60 =	vor.u32 v31, v43;
	_ =	sdelay $0x2  }
0xf5: {  	[tilespmem:$0x121F0] =	vst v38  }
0xf6: {  	[tilespmem:$0x121B0] =	vst v37  }
0xf7: {  	v37 =	vld.idx.msk [tilespmem:v60+s9+$0x0], $0xffff  }
0xf8: {  	v61 =	vor.u32 v32, v44;
	_ =	sdelay $0x2  }
0xf9: {  	[tilespmem:$0x12270] =	vst v38  }
0xfa: {  	[tilespmem:$0x12230] =	vst v37  }
0xfb: {  	v37 =	vld.idx.msk [tilespmem:v61+s9+$0x0], $0xffff  }
0xfc: {  	v62 =	vor.u32 v33, v45;
	_ =	sdelay $0x2  }
0xfd: {  	[tilespmem:$0x122F0] =	vst v38  }
0xfe: {  	[tilespmem:$0x122B0] =	vst v37  }
0xff: {  	v37 =	vld.idx.msk [tilespmem:v62+s9+$0x0], $0xffff  }
0x100: {  	v63 =	vor.u32 v34, v46;
	_ =	sdelay $0x2  }
0x101: {  	[tilespmem:$0x12370] =	vst v38  }
0x102: {  	[tilespmem:$0x12330] =	vst v37  }
0x103: {  	v37 =	vld.idx.msk [tilespmem:v63+s9+$0x0], $0xffff  }
0x104: {  	v36 =	vor.u32 v35, v36;
	_ =	sdelay $0x2  }
0x105: {  	[tilespmem:$0x123F0] =	vst v38  }
0x106: {  	[tilespmem:$0x123B0] =	vst v37  }
0x107: {  	v36 =	vld.idx.msk [tilespmem:v36+s9+$0x0], $0xffff;
	_ =	sdelay $0x3  }
0x108: {  	p0 =	sne.s32 s4, $0x1;
	s30 =	rddreg [dreg:$0x6];
	[tilespmem:$0x12470] =	vst v38  }
.Ltmp1:
0x109: {  	s31 =	rddreg [dreg:$0x11];
	[tilespmem:$0x12430] =	vst v36;
	(pc) =	sbr.rel @p0 .LBB2_2-.Ltmp1, $4  }
0x10a: {  	[hbm4b:s30+s3] =	stream.linear.scatter [tilespmem:s31], [sflag:$0x2], $0x400, $0x38;
	[tilespmem:$0x12480] =	vst v63  }
0x10b: {  	_ =	swait.ge [sflag:s5], $0x400  }
0x10c: {  	[sflag:s5] =	ssyncset.done $0x0  }
0x10d: {  	s4 =	sadd.s32 $0xFFFFFFFF, s4;
	[sflag:s5] =	ssyncadd.s32 $0xFFFFFC00  }
.LBB2_3:
0x10e: {  	_ =	sfence.sel $0x180000  }
0x10f: {  	[bflag:$0x0] =	sbarrier.arrive $0xFFFF  }
0x110: {  	p0 =	sne.s32 s1, $0x0;
	_ =	strace $0x90000047  }
0x111: {  	s0 =	sadd.s32 @!p0 $0x100000, s0;
	[bflag:$0x2] =	sbarrier.arrive $0xFFFF  }
0x112: {  	[sflag:s0] =	ssyncadd.tile.s32 @!p0 $0x1;
	_ =	shalt  }
.Lfunc_end2:
_tile_overlayer_lowered:
.L_overlay_start_2:
0x113: {  	(tag) =	ssettag $0x2  }
0x114: {  	s0 =	rddreg [dreg:$0x0];
	s2 =	stileid.u32  }
0x115: {  	s1 =	rddreg [dreg:$0x1];
	p0 =	sne.s32 s2, $0x0  }
0x116: {  	s3 =	rddreg [dreg:$0x2];
	[bflag:$0x3] =	sbarrier.arrive $0xFFFF;
	s2 =	simm.s32 @!p0 $0x1C02  }
0x117: {  	[timem:s3], [sflag:s2] =	dma.local @!p0 [hbm:s0], s1  }
0x118: {  	s0 =	simm.s32 @!p0 $0x2  }
0x119: {  	_ =	swait.ge @!p0 [sflag:s0], s1  }
0x11a: {  	s1 =	ssub.s32 @!p0 $0x0, s1;
	[sflag:s0] =	ssyncset.done @!p0 $0x0  }
0x11b: {  	[sflag:s0] =	ssyncadd.s32 @!p0 s1  }
0x11c: {  	[bflag:$0x3] =	sbarrier.arrive $0xFFFF  }
0x11d: {  	_ =	shalt  }

</sc_bundles>
